<compile_context>
chip_gen: v7x
topology: tpu7x:2x2x1
jax: 0.10.2.dev20260603
libtpu: 0.0.44.dev20260713+nightly
codegen_flags: <defaults>
</compile_context>

<pallas_src>
import jax
import jax.numpy as jnp
from jax import lax
from jax.experimental import pallas as pl
from jax.experimental.pallas import tpu as pltpu
from jax.experimental.pallas import tpu_sc as plsc

MAX_DEG = 6
N = 10000
E = 320000
DIN = 128
DHID = 64
NCLS = 2
NB = MAX_DEG + 1

NC = 2
NS = 16
NW = NC * NS
EPT = E // NW
NPAD = 10240
RPT = NPAD // NS


def _seg_sum(feat, src4, dst4, zrows, zdeg, d_feat, with_deg, nbuf, ch, nseg):
    mesh = plsc.VectorSubcoreMesh(core_axis_name="c", subcore_axis_name="s")
    CH, NSEG = ch, nseg
    CPS = EPT // CH // NSEG
    ngrp = CPS // nbuf

    def body(feat_hbm, src_hbm, dst_hbm, zrows_hbm, zdeg_hbm, *rest):
        rest = list(rest)
        hout_hbm = rest.pop(0)
        dout_hbm = rest.pop(0) if with_deg else None
        srcv = rest.pop(0)
        dstv = rest.pop(0)
        rowsbufs = [rest.pop(0) for _ in range(nbuf)]
        onesv = rest.pop(0)
        acc = rest.pop(0)
        dacc = rest.pop(0)
        gsems = [rest.pop(0) for _ in range(nbuf)]
        ssems = [rest.pop(0) for _ in range(nbuf)]
        dsem = rest.pop(0)
        cid = lax.axis_index("c")
        sid = lax.axis_index("s")
        wid = sid * NC + cid

        pltpu.sync_copy(zrows_hbm.at[pl.ds(sid * RPT, RPT)],
                        acc.at[pl.ds(sid * RPT, RPT)])

        @pl.when(sid == 0)
        def _():
            pltpu.sync_copy(zdeg_hbm, dacc)

        for t in range(CH // 16):
            onesv[pl.ds(t * 16, 16)] = jnp.ones((16,), jnp.float32)
        plsc.subcore_barrier()

        def g_start(b, c):
            pltpu.async_copy(feat_hbm.at[srcv.at[c]], rowsbufs[b], gsems[b])

        def g_wait(b, c):
            pltpu.make_async_copy(feat_hbm.at[srcv.at[c]], rowsbufs[b],
                                  gsems[b]).wait()

        def s_start(b, c):
            pltpu.async_copy(rowsbufs[b], acc.at[dstv.at[c]], ssems[b],
                             add=True)

        def s_wait(b, c):
            pltpu.make_async_copy(rowsbufs[b], acc.at[dstv.at[c]],
                                  ssems[b]).wait()

        def d_start(c):
            pltpu.async_copy(onesv, dacc.at[dstv.at[c]], dsem, add=True)

        def handle(b, c):
            g_wait(b, c)
            s_start(b, c)
            if with_deg:
                d_start(c)
            s_wait(b, c)

        def seg_body(seg, carry):
            pltpu.sync_copy(src_hbm.at[wid, seg], srcv)
            pltpu.sync_copy(dst_hbm.at[wid, seg], dstv)
            for b in range(nbuf):
                g_start(b, b)

            def step(j, c2):
                for b in range(nbuf):
                    c = j * nbuf + b
                    handle(b, c)

                    @pl.when(c + nbuf < CPS)
                    def _():
                        g_start(b, c + nbuf)
                return c2

            lax.fori_loop(0, ngrp, step, 0)
            for c in range(ngrp * nbuf, CPS):
                handle(c - ngrp * nbuf, c)
            if with_deg:
                def ddrain(c, c2):
                    pltpu.make_async_copy(onesv, dacc.at[dstv.at[c]],
                                          dsem).wait()
                    return c2

                lax.fori_loop(0, CPS, ddrain, 0)
            return carry

        lax.fori_loop(0, NSEG, seg_body, 0)
        plsc.subcore_barrier()

        pltpu.sync_copy(acc.at[pl.ds(sid * RPT, RPT)],
                        hout_hbm.at[cid, pl.ds(sid * RPT, RPT)])
        if with_deg:
            @pl.when(sid == 0)
            def _():
                pltpu.sync_copy(dacc, dout_hbm.at[cid])

    out_type = [jax.ShapeDtypeStruct((NC, NPAD, d_feat), jnp.float32)]
    if with_deg:
        out_type.append(jax.ShapeDtypeStruct((NC, NPAD), jnp.float32))
    scratch = [
        pltpu.VMEM((CPS, CH), jnp.int32),
        pltpu.VMEM((CPS, CH), jnp.int32),
    ]
    scratch += [pltpu.VMEM((CH, d_feat), jnp.float32) for _ in range(nbuf)]
    scratch += [
        pltpu.VMEM((CH,), jnp.float32),
        pltpu.VMEM_SHARED((NPAD, d_feat), jnp.float32),
        pltpu.VMEM_SHARED((NPAD,), jnp.float32),
    ]
    scratch += [pltpu.SemaphoreType.DMA for _ in range(2 * nbuf + 1)]
    k = pl.kernel(
        body,
        out_type=out_type,
        mesh=mesh,
        scratch_types=scratch,
        compiler_params=pltpu.CompilerParams(use_tc_tiling_on_sc=False),
    )
    return k(feat, src4, dst4, zrows, zdeg)


BLK = 2000


def _dense0_bn(hp, x, degp3, W0, b0, gamma, beta):

    def body(hp_ref, x_ref, deg_ref, w_ref, b_ref, g_ref, be_ref, out_ref,
             y0s, st_ref):
        p = pl.program_id(0)
        i = pl.program_id(1)

        @pl.when(p == 0)
        def _():
            h = hp_ref[0] + hp_ref[1]
            J = jnp.concatenate([h, x_ref[...]], axis=1).astype(jnp.bfloat16)
            P = jnp.dot(J, w_ref[...],
                        preferred_element_type=jnp.float32) + b_ref[...]
            deg = deg_ref[...]
            o = P[:, 0:DHID]
            for d in range(1, NB):
                o = jnp.where(deg >= d, P[:, d * DHID:(d + 1) * DHID], o)
            y0s[pl.ds(i * BLK, BLK), :] = o
            st = jnp.concatenate(
                [jnp.sum(o, axis=0, keepdims=True),
                 jnp.sum(o * o, axis=0, keepdims=True)], axis=0)

            @pl.when(i == 0)
            def _():
                st_ref[...] = st

            @pl.when(i > 0)
            def _():
                st_ref[...] = st_ref[...] + st

        @pl.when(p == 1)
        def _():
            mean = st_ref[0:1, :] * (1.0 / N)
            var = st_ref[1:2, :] * (1.0 / N) - mean * mean
            inv = lax.rsqrt(var + 1e-5)
            y = y0s[pl.ds(i * BLK, BLK), :]
            t = (y - mean) * (inv * g_ref[...]) + be_ref[...]
            out_ref[...] = jnp.where(t >= 0, t, 0.01 * t)

    return pl.pallas_call(
        body,
        grid=(2, N // BLK),
        in_specs=[
            pl.BlockSpec((2, BLK, DIN), lambda p, i: (0, i * (1 - p), 0)),
            pl.BlockSpec((BLK, DIN), lambda p, i: (i * (1 - p), 0)),
            pl.BlockSpec((BLK, 1), lambda p, i: (i * (1 - p), 0)),
            pl.BlockSpec((2 * DIN, NB * DHID), lambda p, i: (0, 0)),
            pl.BlockSpec((1, NB * DHID), lambda p, i: (0, 0)),
            pl.BlockSpec((1, DHID), lambda p, i: (0, 0)),
            pl.BlockSpec((1, DHID), lambda p, i: (0, 0)),
        ],
        out_specs=pl.BlockSpec((BLK, DHID), lambda p, i: (i, 0)),
        out_shape=jax.ShapeDtypeStruct((N, DHID), jnp.float32),
        scratch_shapes=[
            pltpu.VMEM((N, DHID), jnp.float32),
            pltpu.VMEM((2, DHID), jnp.float32),
        ],
    )(hp, x, degp3, W0, b0, gamma, beta)


def _dense1(hp, act, degc, W1, b1, finW, finb):

    def body(hp_ref, a_ref, deg_ref, w_ref, b_ref, fw_ref, fb_ref, out_ref):
        h = hp_ref[0] + hp_ref[1]
        J = jnp.concatenate([h, a_ref[...]], axis=1).astype(jnp.bfloat16)
        P = jnp.dot(J, w_ref[...],
                    preferred_element_type=jnp.float32) + b_ref[...]
        deg = deg_ref[...]
        o = P[:, 0:DHID]
        for d in range(1, NB):
            o = jnp.where(deg >= d, P[:, d * DHID:(d + 1) * DHID], o)
        out_ref[...] = jnp.dot(o, fw_ref[...],
                               preferred_element_type=jnp.float32) + fb_ref[...]

    return pl.pallas_call(
        body,
        grid=(N // BLK,),
        in_specs=[
            pl.BlockSpec((2, BLK, DHID), lambda i: (0, i, 0)),
            pl.BlockSpec((BLK, DHID), lambda i: (i, 0)),
            pl.BlockSpec((BLK, 1), lambda i: (i, 0)),
            pl.BlockSpec((2 * DHID, NB * DHID), lambda i: (0, 0)),
            pl.BlockSpec((1, NB * DHID), lambda i: (0, 0)),
            pl.BlockSpec((DHID, NCLS), lambda i: (0, 0)),
            pl.BlockSpec((1, NCLS), lambda i: (0, 0)),
        ],
        out_specs=pl.BlockSpec((BLK, NCLS), lambda i: (i, 0)),
        out_shape=jax.ShapeDtypeStruct((N, NCLS), jnp.float32),
    )(hp, act, degc, W1, b1, finW, finb)


def kernel(x, edge_index, Wl0, bl0, Wr0, Wl1, bl1, Wr1,
           bn0_gamma, bn0_beta, fin_W, fin_b):
    ei = edge_index.astype(jnp.int32)
    src1 = ei[0].reshape(NW, 5, 25, 80)
    dst1 = ei[1].reshape(NW, 5, 25, 80)
    zrows0 = jnp.zeros((NPAD, DIN), jnp.float32)
    zrows1 = jnp.zeros((NPAD, DHID), jnp.float32)
    zdeg = jnp.zeros((NPAD,), jnp.float32)

    hp0, degp = _seg_sum(x, src1, dst1, zrows0, zdeg, DIN, True, 3, 80, 5)
    degc = (degp[0] + degp[1]).reshape(NPAD, 1)

    W0 = jnp.concatenate(
        [Wl0.transpose(1, 0, 2).reshape(DIN, NB * DHID),
         Wr0.transpose(1, 0, 2).reshape(DIN, NB * DHID)],
        axis=0).astype(jnp.bfloat16)
    b0 = bl0.reshape(1, NB * DHID)
    act = _dense0_bn(hp0, x, degc, W0, b0,
                     bn0_gamma.reshape(1, DHID), bn0_beta.reshape(1, DHID))

    hp1, = _seg_sum(act, src1, dst1, zrows1, zdeg, DHID, False, 6, 80, 5)

    W1 = jnp.concatenate(
        [Wl1.transpose(1, 0, 2).reshape(DHID, NB * DHID),
         Wr1.transpose(1, 0, 2).reshape(DHID, NB * DHID)],
        axis=0).astype(jnp.bfloat16)
    b1 = bl1.reshape(1, NB * DHID)
    out = _dense1(hp1, act, degc, W1, b1, fin_W, fin_b.reshape(1, NCLS))
    return out

# --- scband reference (transcript-rebuilt; emitter-appended) ---
"""Pipeline reference for scband-m9-81071802679815 (READ-ONLY COPY).

The authoritative reference and input builder live on the scoring server;
editing this copy changes nothing except your own understanding.
"""

import jax, jax.numpy as jnp
import numpy as np

MAX_DEG = 6
N_NODES = 10000
N_EDGES = 320000
D_IN = 128
D_HID = 64
N_CLS = 2


def setup_inputs(seed: int = 0) -> dict:
    key = jax.random.key(seed)
    ks = jax.random.split(key, 16)
    x = jax.random.normal(ks[0], (N_NODES, D_IN), dtype=jnp.float32)
    edge_index = jax.random.randint(ks[1], (2, N_EDGES), 0, N_NODES, dtype=jnp.int64)
    s0 = 1.0 / np.sqrt(D_IN)
    s1 = 1.0 / np.sqrt(D_HID)
    Wl0 = jax.random.uniform(ks[2], (MAX_DEG + 1, D_IN, D_HID), jnp.float32, -s0, s0)
    bl0 = jax.random.uniform(ks[3], (MAX_DEG + 1, D_HID), jnp.float32, -s0, s0)
    Wr0 = jax.random.uniform(ks[4], (MAX_DEG + 1, D_IN, D_HID), jnp.float32, -s0, s0)
    Wl1 = jax.random.uniform(ks[5], (MAX_DEG + 1, D_HID, D_HID), jnp.float32, -s1, s1)
    bl1 = jax.random.uniform(ks[6], (MAX_DEG + 1, D_HID), jnp.float32, -s1, s1)
    Wr1 = jax.random.uniform(ks[7], (MAX_DEG + 1, D_HID, D_HID), jnp.float32, -s1, s1)
    bn0_gamma = jnp.ones((D_HID,), jnp.float32)
    bn0_beta = jnp.zeros((D_HID,), jnp.float32)
    fin_W = jax.random.uniform(ks[8], (D_HID, N_CLS), jnp.float32, -s1, s1)
    fin_b = jax.random.uniform(ks[9], (N_CLS,), jnp.float32, -s1, s1)
    return {"x": x, "edge_index": edge_index, "Wl0": Wl0, "bl0": bl0, "Wr0": Wr0,
            "Wl1": Wl1, "bl1": bl1, "Wr1": Wr1, "bn0_gamma": bn0_gamma,
            "bn0_beta": bn0_beta, "fin_W": fin_W, "fin_b": fin_b}


def _mfconv(x, edge_index, Wl, bl, Wr):
    N = x.shape[0]
    src, dst = edge_index[0], edge_index[1]
    deg = jnp.bincount(dst, length=N)
    deg = jnp.clip(deg, 0, MAX_DEG)
    h = jax.ops.segment_sum(jnp.take(x, src, axis=0), dst, num_segments=N)
    out = jnp.zeros((N, Wl.shape[-1]), x.dtype)
    for i in range(MAX_DEG + 1):
        r = h @ Wl[i] + bl[i] + x @ Wr[i]
        out = jnp.where((deg == i)[:, None], r, out)
    return out


def _batchnorm(x, gamma, beta, eps=1e-5):
    mean = jnp.mean(x, axis=0)
    var = jnp.mean((x - mean) ** 2, axis=0)
    return (x - mean) / jnp.sqrt(var + eps) * gamma + beta


def _leaky_relu(x, slope=0.01):
    return jnp.where(x >= 0, x, slope * x)


def reference(x, edge_index, Wl0, bl0, Wr0, Wl1, bl1, Wr1, bn0_gamma, bn0_beta, fin_W, fin_b):
    h = _mfconv(x, edge_index, Wl0, bl0, Wr0)
    h = _batchnorm(h, bn0_gamma, bn0_beta)
    h = _leaky_relu(h)
    h = _mfconv(h, edge_index, Wl1, bl1, Wr1)
    out = h @ fin_W + fin_b
    return out

if __name__ == "__main__":
    import jax
    _d = setup_inputs()
    print(jax.jit(kernel)(*tuple(_d.values())))

</pallas_src>

<mosaic_0001>
#map = affine_map<(d0, d1) -> (0, 0)>
#map1 = affine_map<(d0, d1) -> (0, 0, 0, 0)>
#map2 = affine_map<(d0, d1) -> (0)>
#map3 = affine_map<(d0, d1) -> (0, 0, 0)>
module attributes {stable_mosaic.version = 14 : i64} {
  func.func @body(%arg0: i32, %arg1: i32, %arg2: memref<10000x64xf32, #tpu.memory_space<hbm>>, %arg3: memref<32x5x25x80xi32, #tpu.memory_space<hbm>>, %arg4: memref<32x5x25x80xi32, #tpu.memory_space<hbm>>, %arg5: memref<10240x64xf32, #tpu.memory_space<hbm>>, %arg6: memref<10240xf32, #tpu.memory_space<hbm>>, %arg7: memref<2x10240x64xf32, #tpu.memory_space<hbm>>, %arg8: memref<25x80xi32, #tpu.memory_space<vmem>>, %arg9: memref<25x80xi32, #tpu.memory_space<vmem>>, %arg10: memref<80x64xf32, #tpu.memory_space<vmem>>, %arg11: memref<80x64xf32, #tpu.memory_space<vmem>>, %arg12: memref<80x64xf32, #tpu.memory_space<vmem>>, %arg13: memref<80x64xf32, #tpu.memory_space<vmem>>, %arg14: memref<80x64xf32, #tpu.memory_space<vmem>>, %arg15: memref<80x64xf32, #tpu.memory_space<vmem>>, %arg16: memref<80xf32, #tpu.memory_space<vmem>>, %arg17: memref<10240x64xf32, #tpu.memory_space<vmem_shared>>, %arg18: memref<10240xf32, #tpu.memory_space<vmem_shared>>, %arg19: memref<!tpu.dma_semaphore, #tpu.memory_space<semaphore_mem>>, %arg20: memref<!tpu.dma_semaphore, #tpu.memory_space<semaphore_mem>>, %arg21: memref<!tpu.dma_semaphore, #tpu.memory_space<semaphore_mem>>, %arg22: memref<!tpu.dma_semaphore, #tpu.memory_space<semaphore_mem>>, %arg23: memref<!tpu.dma_semaphore, #tpu.memory_space<semaphore_mem>>, %arg24: memref<!tpu.dma_semaphore, #tpu.memory_space<semaphore_mem>>, %arg25: memref<!tpu.dma_semaphore, #tpu.memory_space<semaphore_mem>>, %arg26: memref<!tpu.dma_semaphore, #tpu.memory_space<semaphore_mem>>, %arg27: memref<!tpu.dma_semaphore, #tpu.memory_space<semaphore_mem>>, %arg28: memref<!tpu.dma_semaphore, #tpu.memory_space<semaphore_mem>>, %arg29: memref<!tpu.dma_semaphore, #tpu.memory_space<semaphore_mem>>, %arg30: memref<!tpu.dma_semaphore, #tpu.memory_space<semaphore_mem>>, %arg31: memref<!tpu.dma_semaphore, #tpu.memory_space<semaphore_mem>>) attributes {dimension_semantics = [#tpu.dimension_semantics<core_parallel>, #tpu.dimension_semantics<subcore_parallel>], iteration_bounds = array<i64: 2, 16>, scalar_prefetch = 0 : i64, scratch_operands = 24 : i64, tpu.core_type = #tpu.core_type<sc_vector_subcore>, window_params = [{transform_indices = #map}, {transform_indices = #map1}, {transform_indices = #map1}, {transform_indices = #map}, {transform_indices = #map2}, {transform_indices = #map3}]} {
    %mul3A = arith.constant 2 : i32
    %mul3A_0 = arith.muli %arg1, %mul3A : i32
    %add3A = arith.addi %mul3A_0, %arg0 : i32
    %mul3A_1 = arith.constant 640 : i32
    %mul3A_2 = arith.muli %arg1, %mul3A_1 : i32
    %mul3A_3 = arith.constant 640 : i32
    %mul3A_4 = arith.muli %arg1, %mul3A_3 : i32
    "tpu.region"() ({
      %run_scoped3A = tpu.sem_alloc : memref<!tpu.dma_semaphore, #tpu.memory_space<semaphore_mem>>
      %dma_start3A = arith.constant 0 : i32
      %dma_start3A_45 = tpu.memref_slice %arg17[%mul3A_4, %dma_start3A] : memref<10240x64xf32, #tpu.memory_space<vmem_shared>> -> memref<640x64xf32, #tpu.memory_space<vmem_shared>>
      %dma_start3A_46 = arith.constant 0 : i32
      %dma_start3A_47 = tpu.memref_slice %arg5[%mul3A_2, %dma_start3A_46] : memref<10240x64xf32, #tpu.memory_space<hbm>> -> memref<640x64xf32, #tpu.memory_space<hbm>>
      tpu.enqueue_dma source(%dma_start3A_47 : memref<640x64xf32, #tpu.memory_space<hbm>>) target(%dma_start3A_45 : memref<640x64xf32, #tpu.memory_space<vmem_shared>>) target_semaphore(%run_scoped3A : memref<!tpu.dma_semaphore, #tpu.memory_space<semaphore_mem>>)
      %dma_wait3A = arith.constant 0 : i32
      %dma_wait3A_48 = tpu.memref_slice %arg17[%mul3A_4, %dma_wait3A] : memref<10240x64xf32, #tpu.memory_space<vmem_shared>> -> memref<640x64xf32, #tpu.memory_space<vmem_shared>>
      %dma_wait3A_49 = arith.constant 0 : i32
      %dma_wait3A_50 = tpu.memref_slice %arg5[%mul3A_2, %dma_wait3A_49] : memref<10240x64xf32, #tpu.memory_space<hbm>> -> memref<640x64xf32, #tpu.memory_space<hbm>>
      tpu.wait_dma2 semaphore(%run_scoped3A : memref<!tpu.dma_semaphore, #tpu.memory_space<semaphore_mem>>) src(%dma_wait3A_50 : memref<640x64xf32, #tpu.memory_space<hbm>>) dst(%dma_wait3A_48 : memref<640x64xf32, #tpu.memory_space<vmem_shared>>)
      tpu.yield
    }) : () -> ()
    %eq3A = arith.constant 0 : i32
    %eq3A_5 = arith.cmpi eq, %arg1, %eq3A : i32
    %convert_element_type3A = arith.extui %eq3A_5 : i1 to i32
    %cond3A = arith.constant 0 : i32
    %cond3A_6 = arith.cmpi ne, %convert_element_type3A, %cond3A : i32
    scf.if %cond3A_6 {
      "tpu.region"() ({
        %run_scoped3A = tpu.sem_alloc : memref<!tpu.dma_semaphore, #tpu.memory_space<semaphore_mem>>
        tpu.enqueue_dma source(%arg6 : memref<10240xf32, #tpu.memory_space<hbm>>) target(%arg18 : memref<10240xf32, #tpu.memory_space<vmem_shared>>) target_semaphore(%run_scoped3A : memref<!tpu.dma_semaphore, #tpu.memory_space<semaphore_mem>>)
        tpu.wait_dma2 semaphore(%run_scoped3A : memref<!tpu.dma_semaphore, #tpu.memory_space<semaphore_mem>>) src(%arg6 : memref<10240xf32, #tpu.memory_space<hbm>>) dst(%arg18 : memref<10240xf32, #tpu.memory_space<vmem_shared>>)
        tpu.yield
      }) : () -> ()
    } else {
    }
    %broadcast_in_dim3A = arith.constant 1.000000e+00 : f32
    %broadcast_in_dim3A_7 = vector.broadcast %broadcast_in_dim3A : f32 to vector<16xf32>
    %swap3A = arith.constant 0 : index
    %swap3A_8 = tpu.vector_load %arg16[%swap3A] {strides = array<i32>} : memref<80xf32, #tpu.memory_space<vmem>>, vector<16xf32>,
    %swap3A_9 = vector.shape_cast %swap3A_8 : vector<16xf32> to vector<16xf32>
    %swap3A_10 = vector.shape_cast %broadcast_in_dim3A_7 : vector<16xf32> to vector<16xf32>
    tpu.vector_store %arg16[%swap3A], %swap3A_10 {strides = array<i32>} : memref<80xf32, #tpu.memory_space<vmem>>, vector<16xf32>,
    %broadcast_in_dim3A_11 = arith.constant 1.000000e+00 : f32
    %broadcast_in_dim3A_12 = vector.broadcast %broadcast_in_dim3A_11 : f32 to vector<16xf32>
    %swap3A_13 = arith.constant 16 : index
    %swap3A_14 = tpu.vector_load %arg16[%swap3A_13] {strides = array<i32>} : memref<80xf32, #tpu.memory_space<vmem>>, vector<16xf32>,
    %swap3A_15 = vector.shape_cast %swap3A_14 : vector<16xf32> to vector<16xf32>
    %swap3A_16 = vector.shape_cast %broadcast_in_dim3A_12 : vector<16xf32> to vector<16xf32>
    tpu.vector_store %arg16[%swap3A_13], %swap3A_16 {strides = array<i32>} : memref<80xf32, #tpu.memory_space<vmem>>, vector<16xf32>,
    %broadcast_in_dim3A_17 = arith.constant 1.000000e+00 : f32
    %broadcast_in_dim3A_18 = vector.broadcast %broadcast_in_dim3A_17 : f32 to vector<16xf32>
    %swap3A_19 = arith.constant 32 : index
    %swap3A_20 = tpu.vector_load %arg16[%swap3A_19] {strides = array<i32>} : memref<80xf32, #tpu.memory_space<vmem>>, vector<16xf32>,
    %swap3A_21 = vector.shape_cast %swap3A_20 : vector<16xf32> to vector<16xf32>
    %swap3A_22 = vector.shape_cast %broadcast_in_dim3A_18 : vector<16xf32> to vector<16xf32>
    tpu.vector_store %arg16[%swap3A_19], %swap3A_22 {strides = array<i32>} : memref<80xf32, #tpu.memory_space<vmem>>, vector<16xf32>,
    %broadcast_in_dim3A_23 = arith.constant 1.000000e+00 : f32
    %broadcast_in_dim3A_24 = vector.broadcast %broadcast_in_dim3A_23 : f32 to vector<16xf32>
    %swap3A_25 = arith.constant 48 : index
    %swap3A_26 = tpu.vector_load %arg16[%swap3A_25] {strides = array<i32>} : memref<80xf32, #tpu.memory_space<vmem>>, vector<16xf32>,
    %swap3A_27 = vector.shape_cast %swap3A_26 : vector<16xf32> to vector<16xf32>
    %swap3A_28 = vector.shape_cast %broadcast_in_dim3A_24 : vector<16xf32> to vector<16xf32>
    tpu.vector_store %arg16[%swap3A_25], %swap3A_28 {strides = array<i32>} : memref<80xf32, #tpu.memory_space<vmem>>, vector<16xf32>,
    %broadcast_in_dim3A_29 = arith.constant 1.000000e+00 : f32
    %broadcast_in_dim3A_30 = vector.broadcast %broadcast_in_dim3A_29 : f32 to vector<16xf32>
    %swap3A_31 = arith.constant 64 : index
    %swap3A_32 = tpu.vector_load %arg16[%swap3A_31] {strides = array<i32>} : memref<80xf32, #tpu.memory_space<vmem>>, vector<16xf32>,
    %swap3A_33 = vector.shape_cast %swap3A_32 : vector<16xf32> to vector<16xf32>
    %swap3A_34 = vector.shape_cast %broadcast_in_dim3A_30 : vector<16xf32> to vector<16xf32>
    tpu.vector_store %arg16[%swap3A_31], %swap3A_34 {strides = array<i32>} : memref<80xf32, #tpu.memory_space<vmem>>, vector<16xf32>,
    %barrier3A = arith.constant 0 : index
    tpu.barrier barrier_id(%barrier3A)
    %scan3A = arith.constant 0 : i32
    %scan3A_35 = arith.constant 0 : i32
    %scan3A_36 = arith.constant 5 : i32
    %scan3A_37 = arith.addi %scan3A_35, %scan3A_36 : i32
    %scan3A_38 = arith.constant 1 : i32
    scf.for %scan3A_45 = %scan3A_35 to %scan3A_37 step %scan3A_38  : i32 {
      "tpu.region"() ({
        %run_scoped3A = tpu.sem_alloc : memref<!tpu.dma_semaphore, #tpu.memory_space<semaphore_mem>>
        %dma_start3A_113 = arith.constant 0 : i32
        %dma_start3A_114 = arith.constant 0 : i32
        %dma_start3A_115 = tpu.memref_slice %arg3[%add3A, %scan3A_45, %dma_start3A_113, %dma_start3A_114] : memref<32x5x25x80xi32, #tpu.memory_space<hbm>> -> memref<1x1x25x80xi32, #tpu.memory_space<hbm>>
        %dma_start3A_116 = tpu.memref_squeeze %dma_start3A_115 : memref<1x1x25x80xi32, #tpu.memory_space<hbm>> -> memref<25x80xi32, #tpu.memory_space<hbm>>
        %dma_start3A_117 = arith.constant 0 : i32
        %dma_start3A_118 = arith.constant 0 : i32
        %dma_start3A_119 = tpu.memref_slice %arg3[%add3A, %scan3A_45, %dma_start3A_117, %dma_start3A_118] : memref<32x5x25x80xi32, #tpu.memory_space<hbm>> -> memref<1x1x25x80xi32, #tpu.memory_space<hbm>>
        %dma_start3A_120 = tpu.memref_squeeze %dma_start3A_119 : memref<1x1x25x80xi32, #tpu.memory_space<hbm>> -> memref<25x80xi32, #tpu.memory_space<hbm>>
        tpu.enqueue_dma source(%dma_start3A_120 : memref<25x80xi32, #tpu.memory_space<hbm>>) target(%arg8 : memref<25x80xi32, #tpu.memory_space<vmem>>) target_semaphore(%run_scoped3A : memref<!tpu.dma_semaphore, #tpu.memory_space<semaphore_mem>>)
        %dma_wait3A_121 = arith.constant 0 : i32
        %dma_wait3A_122 = arith.constant 0 : i32
        %dma_wait3A_123 = tpu.memref_slice %arg3[%add3A, %scan3A_45, %dma_wait3A_121, %dma_wait3A_122] : memref<32x5x25x80xi32, #tpu.memory_space<hbm>> -> memref<1x1x25x80xi32, #tpu.memory_space<hbm>>
        %dma_wait3A_124 = tpu.memref_squeeze %dma_wait3A_123 : memref<1x1x25x80xi32, #tpu.memory_space<hbm>> -> memref<25x80xi32, #tpu.memory_space<hbm>>
        %dma_wait3A_125 = arith.constant 0 : i32
        %dma_wait3A_126 = arith.constant 0 : i32
        %dma_wait3A_127 = tpu.memref_slice %arg3[%add3A, %scan3A_45, %dma_wait3A_125, %dma_wait3A_126] : memref<32x5x25x80xi32, #tpu.memory_space<hbm>> -> memref<1x1x25x80xi32, #tpu.memory_space<hbm>>
        %dma_wait3A_128 = tpu.memref_squeeze %dma_wait3A_127 : memref<1x1x25x80xi32, #tpu.memory_space<hbm>> -> memref<25x80xi32, #tpu.memory_space<hbm>>
        tpu.wait_dma2 semaphore(%run_scoped3A : memref<!tpu.dma_semaphore, #tpu.memory_space<semaphore_mem>>) src(%dma_wait3A_128 : memref<25x80xi32, #tpu.memory_space<hbm>>) dst(%arg8 : memref<25x80xi32, #tpu.memory_space<vmem>>)
        tpu.yield
      }) : () -> ()
      "tpu.region"() ({
        %run_scoped3A = tpu.sem_alloc : memref<!tpu.dma_semaphore, #tpu.memory_space<semaphore_mem>>
        %dma_start3A_113 = arith.constant 0 : i32
        %dma_start3A_114 = arith.constant 0 : i32
        %dma_start3A_115 = tpu.memref_slice %arg4[%add3A, %scan3A_45, %dma_start3A_113, %dma_start3A_114] : memref<32x5x25x80xi32, #tpu.memory_space<hbm>> -> memref<1x1x25x80xi32, #tpu.memory_space<hbm>>
        %dma_start3A_116 = tpu.memref_squeeze %dma_start3A_115 : memref<1x1x25x80xi32, #tpu.memory_space<hbm>> -> memref<25x80xi32, #tpu.memory_space<hbm>>
        %dma_start3A_117 = arith.constant 0 : i32
        %dma_start3A_118 = arith.constant 0 : i32
        %dma_start3A_119 = tpu.memref_slice %arg4[%add3A, %scan3A_45, %dma_start3A_117, %dma_start3A_118] : memref<32x5x25x80xi32, #tpu.memory_space<hbm>> -> memref<1x1x25x80xi32, #tpu.memory_space<hbm>>
        %dma_start3A_120 = tpu.memref_squeeze %dma_start3A_119 : memref<1x1x25x80xi32, #tpu.memory_space<hbm>> -> memref<25x80xi32, #tpu.memory_space<hbm>>
        tpu.enqueue_dma source(%dma_start3A_120 : memref<25x80xi32, #tpu.memory_space<hbm>>) target(%arg9 : memref<25x80xi32, #tpu.memory_space<vmem>>) target_semaphore(%run_scoped3A : memref<!tpu.dma_semaphore, #tpu.memory_space<semaphore_mem>>)
        %dma_wait3A_121 = arith.constant 0 : i32
        %dma_wait3A_122 = arith.constant 0 : i32
        %dma_wait3A_123 = tpu.memref_slice %arg4[%add3A, %scan3A_45, %dma_wait3A_121, %dma_wait3A_122] : memref<32x5x25x80xi32, #tpu.memory_space<hbm>> -> memref<1x1x25x80xi32, #tpu.memory_space<hbm>>
        %dma_wait3A_124 = tpu.memref_squeeze %dma_wait3A_123 : memref<1x1x25x80xi32, #tpu.memory_space<hbm>> -> memref<25x80xi32, #tpu.memory_space<hbm>>
        %dma_wait3A_125 = arith.constant 0 : i32
        %dma_wait3A_126 = arith.constant 0 : i32
        %dma_wait3A_127 = tpu.memref_slice %arg4[%add3A, %scan3A_45, %dma_wait3A_125, %dma_wait3A_126] : memref<32x5x25x80xi32, #tpu.memory_space<hbm>> -> memref<1x1x25x80xi32, #tpu.memory_space<hbm>>
        %dma_wait3A_128 = tpu.memref_squeeze %dma_wait3A_127 : memref<1x1x25x80xi32, #tpu.memory_space<hbm>> -> memref<25x80xi32, #tpu.memory_space<hbm>>
        tpu.wait_dma2 semaphore(%run_scoped3A : memref<!tpu.dma_semaphore, #tpu.memory_space<semaphore_mem>>) src(%dma_wait3A_128 : memref<25x80xi32, #tpu.memory_space<hbm>>) dst(%arg9 : memref<25x80xi32, #tpu.memory_space<vmem>>)
        tpu.yield
      }) : () -> ()
      %dma_start3A = arith.constant 0 : i32
      %dma_start3A_46 = arith.constant 0 : i32
      %dma_start3A_47 = tpu.memref_slice %arg8[%dma_start3A, %dma_start3A_46] : memref<25x80xi32, #tpu.memory_space<vmem>> -> memref<1x80xi32, #tpu.memory_space<vmem>>
      %dma_start3A_48 = tpu.memref_squeeze %dma_start3A_47 : memref<1x80xi32, #tpu.memory_space<vmem>> -> memref<80xi32, #tpu.memory_space<vmem>>
      %dma_start3A_49 = arith.constant 0 : i32
      %dma_start3A_50 = arith.constant 0 : i32
      %dma_start3A_51 = tpu.memref_slice %arg2[%dma_start3A_49, %dma_start3A_50] : memref<10000x64xf32, #tpu.memory_space<hbm>> -> memref<10000x64xf32, #tpu.memory_space<hbm>>
      tpu.enqueue_indirect_dma source(%dma_start3A_51 : memref<10000x64xf32, #tpu.memory_space<hbm>>) target(%arg10 : memref<80x64xf32, #tpu.memory_space<vmem>>) offsets(%dma_start3A_48 : memref<80xi32, #tpu.memory_space<vmem>>) semaphore(%arg19 : memref<!tpu.dma_semaphore, #tpu.memory_space<semaphore_mem>>)
      %dma_start3A_52 = arith.constant 1 : i32
      %dma_start3A_53 = arith.constant 0 : i32
      %dma_start3A_54 = tpu.memref_slice %arg8[%dma_start3A_52, %dma_start3A_53] : memref<25x80xi32, #tpu.memory_space<vmem>> -> memref<1x80xi32, #tpu.memory_space<vmem>>
      %dma_start3A_55 = tpu.memref_squeeze %dma_start3A_54 : memref<1x80xi32, #tpu.memory_space<vmem>> -> memref<80xi32, #tpu.memory_space<vmem>>
      %dma_start3A_56 = arith.constant 0 : i32
      %dma_start3A_57 = arith.constant 0 : i32
      %dma_start3A_58 = tpu.memref_slice %arg2[%dma_start3A_56, %dma_start3A_57] : memref<10000x64xf32, #tpu.memory_space<hbm>> -> memref<10000x64xf32, #tpu.memory_space<hbm>>
      tpu.enqueue_indirect_dma source(%dma_start3A_58 : memref<10000x64xf32, #tpu.memory_space<hbm>>) target(%arg11 : memref<80x64xf32, #tpu.memory_space<vmem>>) offsets(%dma_start3A_55 : memref<80xi32, #tpu.memory_space<vmem>>) semaphore(%arg20 : memref<!tpu.dma_semaphore, #tpu.memory_space<semaphore_mem>>)
      %dma_start3A_59 = arith.constant 2 : i32
      %dma_start3A_60 = arith.constant 0 : i32
      %dma_start3A_61 = tpu.memref_slice %arg8[%dma_start3A_59, %dma_start3A_60] : memref<25x80xi32, #tpu.memory_space<vmem>> -> memref<1x80xi32, #tpu.memory_space<vmem>>
      %dma_start3A_62 = tpu.memref_squeeze %dma_start3A_61 : memref<1x80xi32, #tpu.memory_space<vmem>> -> memref<80xi32, #tpu.memory_space<vmem>>
      %dma_start3A_63 = arith.constant 0 : i32
      %dma_start3A_64 = arith.constant 0 : i32
      %dma_start3A_65 = tpu.memref_slice %arg2[%dma_start3A_63, %dma_start3A_64] : memref<10000x64xf32, #tpu.memory_space<hbm>> -> memref<10000x64xf32, #tpu.memory_space<hbm>>
      tpu.enqueue_indirect_dma source(%dma_start3A_65 : memref<10000x64xf32, #tpu.memory_space<hbm>>) target(%arg12 : memref<80x64xf32, #tpu.memory_space<vmem>>) offsets(%dma_start3A_62 : memref<80xi32, #tpu.memory_space<vmem>>) semaphore(%arg21 : memref<!tpu.dma_semaphore, #tpu.memory_space<semaphore_mem>>)
      %dma_start3A_66 = arith.constant 3 : i32
      %dma_start3A_67 = arith.constant 0 : i32
      %dma_start3A_68 = tpu.memref_slice %arg8[%dma_start3A_66, %dma_start3A_67] : memref<25x80xi32, #tpu.memory_space<vmem>> -> memref<1x80xi32, #tpu.memory_space<vmem>>
      %dma_start3A_69 = tpu.memref_squeeze %dma_start3A_68 : memref<1x80xi32, #tpu.memory_space<vmem>> -> memref<80xi32, #tpu.memory_space<vmem>>
      %dma_start3A_70 = arith.constant 0 : i32
      %dma_start3A_71 = arith.constant 0 : i32
      %dma_start3A_72 = tpu.memref_slice %arg2[%dma_start3A_70, %dma_start3A_71] : memref<10000x64xf32, #tpu.memory_space<hbm>> -> memref<10000x64xf32, #tpu.memory_space<hbm>>
      tpu.enqueue_indirect_dma source(%dma_start3A_72 : memref<10000x64xf32, #tpu.memory_space<hbm>>) target(%arg13 : memref<80x64xf32, #tpu.memory_space<vmem>>) offsets(%dma_start3A_69 : memref<80xi32, #tpu.memory_space<vmem>>) semaphore(%arg22 : memref<!tpu.dma_semaphore, #tpu.memory_space<semaphore_mem>>)
      %dma_start3A_73 = arith.constant 4 : i32
      %dma_start3A_74 = arith.constant 0 : i32
      %dma_start3A_75 = tpu.memref_slice %arg8[%dma_start3A_73, %dma_start3A_74] : memref<25x80xi32, #tpu.memory_space<vmem>> -> memref<1x80xi32, #tpu.memory_space<vmem>>
      %dma_start3A_76 = tpu.memref_squeeze %dma_start3A_75 : memref<1x80xi32, #tpu.memory_space<vmem>> -> memref<80xi32, #tpu.memory_space<vmem>>
      %dma_start3A_77 = arith.constant 0 : i32
      %dma_start3A_78 = arith.constant 0 : i32
      %dma_start3A_79 = tpu.memref_slice %arg2[%dma_start3A_77, %dma_start3A_78] : memref<10000x64xf32, #tpu.memory_space<hbm>> -> memref<10000x64xf32, #tpu.memory_space<hbm>>
      tpu.enqueue_indirect_dma source(%dma_start3A_79 : memref<10000x64xf32, #tpu.memory_space<hbm>>) target(%arg14 : memref<80x64xf32, #tpu.memory_space<vmem>>) offsets(%dma_start3A_76 : memref<80xi32, #tpu.memory_space<vmem>>) semaphore(%arg23 : memref<!tpu.dma_semaphore, #tpu.memory_space<semaphore_mem>>)
      %dma_start3A_80 = arith.constant 5 : i32
      %dma_start3A_81 = arith.constant 0 : i32
      %dma_start3A_82 = tpu.memref_slice %arg8[%dma_start3A_80, %dma_start3A_81] : memref<25x80xi32, #tpu.memory_space<vmem>> -> memref<1x80xi32, #tpu.memory_space<vmem>>
      %dma_start3A_83 = tpu.memref_squeeze %dma_start3A_82 : memref<1x80xi32, #tpu.memory_space<vmem>> -> memref<80xi32, #tpu.memory_space<vmem>>
      %dma_start3A_84 = arith.constant 0 : i32
      %dma_start3A_85 = arith.constant 0 : i32
      %dma_start3A_86 = tpu.memref_slice %arg2[%dma_start3A_84, %dma_start3A_85] : memref<10000x64xf32, #tpu.memory_space<hbm>> -> memref<10000x64xf32, #tpu.memory_space<hbm>>
      tpu.enqueue_indirect_dma source(%dma_start3A_86 : memref<10000x64xf32, #tpu.memory_space<hbm>>) target(%arg15 : memref<80x64xf32, #tpu.memory_space<vmem>>) offsets(%dma_start3A_83 : memref<80xi32, #tpu.memory_space<vmem>>) semaphore(%arg24 : memref<!tpu.dma_semaphore, #tpu.memory_space<semaphore_mem>>)
      %scan3A_87 = arith.constant 0 : i32
      %scan3A_88 = arith.constant 0 : i32
      %scan3A_89 = arith.constant 4 : i32
      %scan3A_90 = arith.addi %scan3A_88, %scan3A_89 : i32
      %scan3A_91 = arith.constant 1 : i32
      scf.for %scan3A_113 = %scan3A_88 to %scan3A_90 step %scan3A_91  : i32 {
        %mul3A_114 = arith.constant 6 : i32
        %mul3A_115 = arith.muli %scan3A_113, %mul3A_114 : i32
        %add3A_116 = arith.constant 0 : i32
        %add3A_117 = arith.addi %mul3A_115, %add3A_116 : i32
        %dma_wait3A_118 = arith.constant 0 : i32
        %dma_wait3A_119 = tpu.memref_slice %arg8[%add3A_117, %dma_wait3A_118] : memref<25x80xi32, #tpu.memory_space<vmem>> -> memref<1x80xi32, #tpu.memory_space<vmem>>
        %dma_wait3A_120 = tpu.memref_squeeze %dma_wait3A_119 : memref<1x80xi32, #tpu.memory_space<vmem>> -> memref<80xi32, #tpu.memory_space<vmem>>
        %dma_wait3A_121 = arith.constant 0 : i32
        %dma_wait3A_122 = arith.constant 0 : i32
        %dma_wait3A_123 = tpu.memref_slice %arg2[%dma_wait3A_121, %dma_wait3A_122] : memref<10000x64xf32, #tpu.memory_space<hbm>> -> memref<10000x64xf32, #tpu.memory_space<hbm>>
        tpu.wait_indirect_dma semaphore(%arg19 : memref<!tpu.dma_semaphore, #tpu.memory_space<semaphore_mem>>) src(%dma_wait3A_123 : memref<10000x64xf32, #tpu.memory_space<hbm>>) dst(%arg10 : memref<80x64xf32, #tpu.memory_space<vmem>>)
        %dma_start3A_124 = arith.constant 0 : i32
        %dma_start3A_125 = tpu.memref_slice %arg9[%add3A_117, %dma_start3A_124] : memref<25x80xi32, #tpu.memory_space<vmem>> -> memref<1x80xi32, #tpu.memory_space<vmem>>
        %dma_start3A_126 = tpu.memref_squeeze %dma_start3A_125 : memref<1x80xi32, #tpu.memory_space<vmem>> -> memref<80xi32, #tpu.memory_space<vmem>>
        %dma_start3A_127 = arith.constant 0 : i32
        %dma_start3A_128 = arith.constant 0 : i32
        %dma_start3A_129 = tpu.memref_slice %arg17[%dma_start3A_127, %dma_start3A_128] : memref<10240x64xf32, #tpu.memory_space<vmem_shared>> -> memref<10240x64xf32, #tpu.memory_space<vmem_shared>>
        tpu.enqueue_indirect_dma source(%arg10 : memref<80x64xf32, #tpu.memory_space<vmem>>) target(%dma_start3A_129 : memref<10240x64xf32, #tpu.memory_space<vmem_shared>>) offsets(%dma_start3A_126 : memref<80xi32, #tpu.memory_space<vmem>>) semaphore(%arg25 : memref<!tpu.dma_semaphore, #tpu.memory_space<semaphore_mem>>) {add = true}
        %dma_wait3A_130 = arith.constant 0 : i32
        %dma_wait3A_131 = tpu.memref_slice %arg9[%add3A_117, %dma_wait3A_130] : memref<25x80xi32, #tpu.memory_space<vmem>> -> memref<1x80xi32, #tpu.memory_space<vmem>>
        %dma_wait3A_132 = tpu.memref_squeeze %dma_wait3A_131 : memref<1x80xi32, #tpu.memory_space<vmem>> -> memref<80xi32, #tpu.memory_space<vmem>>
        %dma_wait3A_133 = arith.constant 0 : i32
        %dma_wait3A_134 = arith.constant 0 : i32
        %dma_wait3A_135 = tpu.memref_slice %arg17[%dma_wait3A_133, %dma_wait3A_134] : memref<10240x64xf32, #tpu.memory_space<vmem_shared>> -> memref<10240x64xf32, #tpu.memory_space<vmem_shared>>
        tpu.wait_indirect_dma semaphore(%arg25 : memref<!tpu.dma_semaphore, #tpu.memory_space<semaphore_mem>>) src(%arg10 : memref<80x64xf32, #tpu.memory_space<vmem>>) dst(%dma_wait3A_135 : memref<10240x64xf32, #tpu.memory_space<vmem_shared>>)
        %add3A_136 = arith.constant 6 : i32
        %add3A_137 = arith.addi %add3A_117, %add3A_136 : i32
        %lt3A = arith.constant 25 : i32
        %lt3A_138 = arith.cmpi slt, %add3A_137, %lt3A : i32
        %convert_element_type3A_139 = arith.extui %lt3A_138 : i1 to i32
        %cond3A_140 = arith.constant 0 : i32
        %cond3A_141 = arith.cmpi ne, %convert_element_type3A_139, %cond3A_140 : i32
        scf.if %cond3A_141 {
          %add3A_287 = arith.constant 6 : i32
          %add3A_288 = arith.addi %add3A_117, %add3A_287 : i32
          %dma_start3A_289 = arith.constant 0 : i32
          %dma_start3A_290 = tpu.memref_slice %arg8[%add3A_288, %dma_start3A_289] : memref<25x80xi32, #tpu.memory_space<vmem>> -> memref<1x80xi32, #tpu.memory_space<vmem>>
          %dma_start3A_291 = tpu.memref_squeeze %dma_start3A_290 : memref<1x80xi32, #tpu.memory_space<vmem>> -> memref<80xi32, #tpu.memory_space<vmem>>
          %dma_start3A_292 = arith.constant 0 : i32
          %dma_start3A_293 = arith.constant 0 : i32
          %dma_start3A_294 = tpu.memref_slice %arg2[%dma_start3A_292, %dma_start3A_293] : memref<10000x64xf32, #tpu.memory_space<hbm>> -> memref<10000x64xf32, #tpu.memory_space<hbm>>
          tpu.enqueue_indirect_dma source(%dma_start3A_294 : memref<10000x64xf32, #tpu.memory_space<hbm>>) target(%arg10 : memref<80x64xf32, #tpu.memory_space<vmem>>) offsets(%dma_start3A_291 : memref<80xi32, #tpu.memory_space<vmem>>) semaphore(%arg19 : memref<!tpu.dma_semaphore, #tpu.memory_space<semaphore_mem>>)
        } else {
        }
        %mul3A_142 = arith.constant 6 : i32
        %mul3A_143 = arith.muli %scan3A_113, %mul3A_142 : i32
        %add3A_144 = arith.constant 1 : i32
        %add3A_145 = arith.addi %mul3A_143, %add3A_144 : i32
        %dma_wait3A_146 = arith.constant 0 : i32
        %dma_wait3A_147 = tpu.memref_slice %arg8[%add3A_145, %dma_wait3A_146] : memref<25x80xi32, #tpu.memory_space<vmem>> -> memref<1x80xi32, #tpu.memory_space<vmem>>
        %dma_wait3A_148 = tpu.memref_squeeze %dma_wait3A_147 : memref<1x80xi32, #tpu.memory_space<vmem>> -> memref<80xi32, #tpu.memory_space<vmem>>
        %dma_wait3A_149 = arith.constant 0 : i32
        %dma_wait3A_150 = arith.constant 0 : i32
        %dma_wait3A_151 = tpu.memref_slice %arg2[%dma_wait3A_149, %dma_wait3A_150] : memref<10000x64xf32, #tpu.memory_space<hbm>> -> memref<10000x64xf32, #tpu.memory_space<hbm>>
        tpu.wait_indirect_dma semaphore(%arg20 : memref<!tpu.dma_semaphore, #tpu.memory_space<semaphore_mem>>) src(%dma_wait3A_151 : memref<10000x64xf32, #tpu.memory_space<hbm>>) dst(%arg11 : memref<80x64xf32, #tpu.memory_space<vmem>>)
        %dma_start3A_152 = arith.constant 0 : i32
        %dma_start3A_153 = tpu.memref_slice %arg9[%add3A_145, %dma_start3A_152] : memref<25x80xi32, #tpu.memory_space<vmem>> -> memref<1x80xi32, #tpu.memory_space<vmem>>
        %dma_start3A_154 = tpu.memref_squeeze %dma_start3A_153 : memref<1x80xi32, #tpu.memory_space<vmem>> -> memref<80xi32, #tpu.memory_space<vmem>>
        %dma_start3A_155 = arith.constant 0 : i32
        %dma_start3A_156 = arith.constant 0 : i32
        %dma_start3A_157 = tpu.memref_slice %arg17[%dma_start3A_155, %dma_start3A_156] : memref<10240x64xf32, #tpu.memory_space<vmem_shared>> -> memref<10240x64xf32, #tpu.memory_space<vmem_shared>>
        tpu.enqueue_indirect_dma source(%arg11 : memref<80x64xf32, #tpu.memory_space<vmem>>) target(%dma_start3A_157 : memref<10240x64xf32, #tpu.memory_space<vmem_shared>>) offsets(%dma_start3A_154 : memref<80xi32, #tpu.memory_space<vmem>>) semaphore(%arg26 : memref<!tpu.dma_semaphore, #tpu.memory_space<semaphore_mem>>) {add = true}
        %dma_wait3A_158 = arith.constant 0 : i32
        %dma_wait3A_159 = tpu.memref_slice %arg9[%add3A_145, %dma_wait3A_158] : memref<25x80xi32, #tpu.memory_space<vmem>> -> memref<1x80xi32, #tpu.memory_space<vmem>>
        %dma_wait3A_160 = tpu.memref_squeeze %dma_wait3A_159 : memref<1x80xi32, #tpu.memory_space<vmem>> -> memref<80xi32, #tpu.memory_space<vmem>>
        %dma_wait3A_161 = arith.constant 0 : i32
        %dma_wait3A_162 = arith.constant 0 : i32
        %dma_wait3A_163 = tpu.memref_slice %arg17[%dma_wait3A_161, %dma_wait3A_162] : memref<10240x64xf32, #tpu.memory_space<vmem_shared>> -> memref<10240x64xf32, #tpu.memory_space<vmem_shared>>
        tpu.wait_indirect_dma semaphore(%arg26 : memref<!tpu.dma_semaphore, #tpu.memory_space<semaphore_mem>>) src(%arg11 : memref<80x64xf32, #tpu.memory_space<vmem>>) dst(%dma_wait3A_163 : memref<10240x64xf32, #tpu.memory_space<vmem_shared>>)
        %add3A_164 = arith.constant 6 : i32
        %add3A_165 = arith.addi %add3A_145, %add3A_164 : i32
        %lt3A_166 = arith.constant 25 : i32
        %lt3A_167 = arith.cmpi slt, %add3A_165, %lt3A_166 : i32
        %convert_element_type3A_168 = arith.extui %lt3A_167 : i1 to i32
        %cond3A_169 = arith.constant 0 : i32
        %cond3A_170 = arith.cmpi ne, %convert_element_type3A_168, %cond3A_169 : i32
        scf.if %cond3A_170 {
          %add3A_287 = arith.constant 6 : i32
          %add3A_288 = arith.addi %add3A_145, %add3A_287 : i32
          %dma_start3A_289 = arith.constant 0 : i32
          %dma_start3A_290 = tpu.memref_slice %arg8[%add3A_288, %dma_start3A_289] : memref<25x80xi32, #tpu.memory_space<vmem>> -> memref<1x80xi32, #tpu.memory_space<vmem>>
          %dma_start3A_291 = tpu.memref_squeeze %dma_start3A_290 : memref<1x80xi32, #tpu.memory_space<vmem>> -> memref<80xi32, #tpu.memory_space<vmem>>
          %dma_start3A_292 = arith.constant 0 : i32
          %dma_start3A_293 = arith.constant 0 : i32
          %dma_start3A_294 = tpu.memref_slice %arg2[%dma_start3A_292, %dma_start3A_293] : memref<10000x64xf32, #tpu.memory_space<hbm>> -> memref<10000x64xf32, #tpu.memory_space<hbm>>
          tpu.enqueue_indirect_dma source(%dma_start3A_294 : memref<10000x64xf32, #tpu.memory_space<hbm>>) target(%arg11 : memref<80x64xf32, #tpu.memory_space<vmem>>) offsets(%dma_start3A_291 : memref<80xi32, #tpu.memory_space<vmem>>) semaphore(%arg20 : memref<!tpu.dma_semaphore, #tpu.memory_space<semaphore_mem>>)
        } else {
        }
        %mul3A_171 = arith.constant 6 : i32
        %mul3A_172 = arith.muli %scan3A_113, %mul3A_171 : i32
        %add3A_173 = arith.constant 2 : i32
        %add3A_174 = arith.addi %mul3A_172, %add3A_173 : i32
        %dma_wait3A_175 = arith.constant 0 : i32
        %dma_wait3A_176 = tpu.memref_slice %arg8[%add3A_174, %dma_wait3A_175] : memref<25x80xi32, #tpu.memory_space<vmem>> -> memref<1x80xi32, #tpu.memory_space<vmem>>
        %dma_wait3A_177 = tpu.memref_squeeze %dma_wait3A_176 : memref<1x80xi32, #tpu.memory_space<vmem>> -> memref<80xi32, #tpu.memory_space<vmem>>
        %dma_wait3A_178 = arith.constant 0 : i32
        %dma_wait3A_179 = arith.constant 0 : i32
        %dma_wait3A_180 = tpu.memref_slice %arg2[%dma_wait3A_178, %dma_wait3A_179] : memref<10000x64xf32, #tpu.memory_space<hbm>> -> memref<10000x64xf32, #tpu.memory_space<hbm>>
        tpu.wait_indirect_dma semaphore(%arg21 : memref<!tpu.dma_semaphore, #tpu.memory_space<semaphore_mem>>) src(%dma_wait3A_180 : memref<10000x64xf32, #tpu.memory_space<hbm>>) dst(%arg12 : memref<80x64xf32, #tpu.memory_space<vmem>>)
        %dma_start3A_181 = arith.constant 0 : i32
        %dma_start3A_182 = tpu.memref_slice %arg9[%add3A_174, %dma_start3A_181] : memref<25x80xi32, #tpu.memory_space<vmem>> -> memref<1x80xi32, #tpu.memory_space<vmem>>
        %dma_start3A_183 = tpu.memref_squeeze %dma_start3A_182 : memref<1x80xi32, #tpu.memory_space<vmem>> -> memref<80xi32, #tpu.memory_space<vmem>>
        %dma_start3A_184 = arith.constant 0 : i32
        %dma_start3A_185 = arith.constant 0 : i32
        %dma_start3A_186 = tpu.memref_slice %arg17[%dma_start3A_184, %dma_start3A_185] : memref<10240x64xf32, #tpu.memory_space<vmem_shared>> -> memref<10240x64xf32, #tpu.memory_space<vmem_shared>>
        tpu.enqueue_indirect_dma source(%arg12 : memref<80x64xf32, #tpu.memory_space<vmem>>) target(%dma_start3A_186 : memref<10240x64xf32, #tpu.memory_space<vmem_shared>>) offsets(%dma_start3A_183 : memref<80xi32, #tpu.memory_space<vmem>>) semaphore(%arg27 : memref<!tpu.dma_semaphore, #tpu.memory_space<semaphore_mem>>) {add = true}
        %dma_wait3A_187 = arith.constant 0 : i32
        %dma_wait3A_188 = tpu.memref_slice %arg9[%add3A_174, %dma_wait3A_187] : memref<25x80xi32, #tpu.memory_space<vmem>> -> memref<1x80xi32, #tpu.memory_space<vmem>>
        %dma_wait3A_189 = tpu.memref_squeeze %dma_wait3A_188 : memref<1x80xi32, #tpu.memory_space<vmem>> -> memref<80xi32, #tpu.memory_space<vmem>>
        %dma_wait3A_190 = arith.constant 0 : i32
        %dma_wait3A_191 = arith.constant 0 : i32
        %dma_wait3A_192 = tpu.memref_slice %arg17[%dma_wait3A_190, %dma_wait3A_191] : memref<10240x64xf32, #tpu.memory_space<vmem_shared>> -> memref<10240x64xf32, #tpu.memory_space<vmem_shared>>
        tpu.wait_indirect_dma semaphore(%arg27 : memref<!tpu.dma_semaphore, #tpu.memory_space<semaphore_mem>>) src(%arg12 : memref<80x64xf32, #tpu.memory_space<vmem>>) dst(%dma_wait3A_192 : memref<10240x64xf32, #tpu.memory_space<vmem_shared>>)
        %add3A_193 = arith.constant 6 : i32
        %add3A_194 = arith.addi %add3A_174, %add3A_193 : i32
        %lt3A_195 = arith.constant 25 : i32
        %lt3A_196 = arith.cmpi slt, %add3A_194, %lt3A_195 : i32
        %convert_element_type3A_197 = arith.extui %lt3A_196 : i1 to i32
        %cond3A_198 = arith.constant 0 : i32
        %cond3A_199 = arith.cmpi ne, %convert_element_type3A_197, %cond3A_198 : i32
        scf.if %cond3A_199 {
          %add3A_287 = arith.constant 6 : i32
          %add3A_288 = arith.addi %add3A_174, %add3A_287 : i32
          %dma_start3A_289 = arith.constant 0 : i32
          %dma_start3A_290 = tpu.memref_slice %arg8[%add3A_288, %dma_start3A_289] : memref<25x80xi32, #tpu.memory_space<vmem>> -> memref<1x80xi32, #tpu.memory_space<vmem>>
          %dma_start3A_291 = tpu.memref_squeeze %dma_start3A_290 : memref<1x80xi32, #tpu.memory_space<vmem>> -> memref<80xi32, #tpu.memory_space<vmem>>
          %dma_start3A_292 = arith.constant 0 : i32
          %dma_start3A_293 = arith.constant 0 : i32
          %dma_start3A_294 = tpu.memref_slice %arg2[%dma_start3A_292, %dma_start3A_293] : memref<10000x64xf32, #tpu.memory_space<hbm>> -> memref<10000x64xf32, #tpu.memory_space<hbm>>
          tpu.enqueue_indirect_dma source(%dma_start3A_294 : memref<10000x64xf32, #tpu.memory_space<hbm>>) target(%arg12 : memref<80x64xf32, #tpu.memory_space<vmem>>) offsets(%dma_start3A_291 : memref<80xi32, #tpu.memory_space<vmem>>) semaphore(%arg21 : memref<!tpu.dma_semaphore, #tpu.memory_space<semaphore_mem>>)
        } else {
        }
        %mul3A_200 = arith.constant 6 : i32
        %mul3A_201 = arith.muli %scan3A_113, %mul3A_200 : i32
        %add3A_202 = arith.constant 3 : i32
        %add3A_203 = arith.addi %mul3A_201, %add3A_202 : i32
        %dma_wait3A_204 = arith.constant 0 : i32
        %dma_wait3A_205 = tpu.memref_slice %arg8[%add3A_203, %dma_wait3A_204] : memref<25x80xi32, #tpu.memory_space<vmem>> -> memref<1x80xi32, #tpu.memory_space<vmem>>
        %dma_wait3A_206 = tpu.memref_squeeze %dma_wait3A_205 : memref<1x80xi32, #tpu.memory_space<vmem>> -> memref<80xi32, #tpu.memory_space<vmem>>
        %dma_wait3A_207 = arith.constant 0 : i32
        %dma_wait3A_208 = arith.constant 0 : i32
        %dma_wait3A_209 = tpu.memref_slice %arg2[%dma_wait3A_207, %dma_wait3A_208] : memref<10000x64xf32, #tpu.memory_space<hbm>> -> memref<10000x64xf32, #tpu.memory_space<hbm>>
        tpu.wait_indirect_dma semaphore(%arg22 : memref<!tpu.dma_semaphore, #tpu.memory_space<semaphore_mem>>) src(%dma_wait3A_209 : memref<10000x64xf32, #tpu.memory_space<hbm>>) dst(%arg13 : memref<80x64xf32, #tpu.memory_space<vmem>>)
        %dma_start3A_210 = arith.constant 0 : i32
        %dma_start3A_211 = tpu.memref_slice %arg9[%add3A_203, %dma_start3A_210] : memref<25x80xi32, #tpu.memory_space<vmem>> -> memref<1x80xi32, #tpu.memory_space<vmem>>
        %dma_start3A_212 = tpu.memref_squeeze %dma_start3A_211 : memref<1x80xi32, #tpu.memory_space<vmem>> -> memref<80xi32, #tpu.memory_space<vmem>>
        %dma_start3A_213 = arith.constant 0 : i32
        %dma_start3A_214 = arith.constant 0 : i32
        %dma_start3A_215 = tpu.memref_slice %arg17[%dma_start3A_213, %dma_start3A_214] : memref<10240x64xf32, #tpu.memory_space<vmem_shared>> -> memref<10240x64xf32, #tpu.memory_space<vmem_shared>>
        tpu.enqueue_indirect_dma source(%arg13 : memref<80x64xf32, #tpu.memory_space<vmem>>) target(%dma_start3A_215 : memref<10240x64xf32, #tpu.memory_space<vmem_shared>>) offsets(%dma_start3A_212 : memref<80xi32, #tpu.memory_space<vmem>>) semaphore(%arg28 : memref<!tpu.dma_semaphore, #tpu.memory_space<semaphore_mem>>) {add = true}
        %dma_wait3A_216 = arith.constant 0 : i32
        %dma_wait3A_217 = tpu.memref_slice %arg9[%add3A_203, %dma_wait3A_216] : memref<25x80xi32, #tpu.memory_space<vmem>> -> memref<1x80xi32, #tpu.memory_space<vmem>>
        %dma_wait3A_218 = tpu.memref_squeeze %dma_wait3A_217 : memref<1x80xi32, #tpu.memory_space<vmem>> -> memref<80xi32, #tpu.memory_space<vmem>>
        %dma_wait3A_219 = arith.constant 0 : i32
        %dma_wait3A_220 = arith.constant 0 : i32
        %dma_wait3A_221 = tpu.memref_slice %arg17[%dma_wait3A_219, %dma_wait3A_220] : memref<10240x64xf32, #tpu.memory_space<vmem_shared>> -> memref<10240x64xf32, #tpu.memory_space<vmem_shared>>
        tpu.wait_indirect_dma semaphore(%arg28 : memref<!tpu.dma_semaphore, #tpu.memory_space<semaphore_mem>>) src(%arg13 : memref<80x64xf32, #tpu.memory_space<vmem>>) dst(%dma_wait3A_221 : memref<10240x64xf32, #tpu.memory_space<vmem_shared>>)
        %add3A_222 = arith.constant 6 : i32
        %add3A_223 = arith.addi %add3A_203, %add3A_222 : i32
        %lt3A_224 = arith.constant 25 : i32
        %lt3A_225 = arith.cmpi slt, %add3A_223, %lt3A_224 : i32
        %convert_element_type3A_226 = arith.extui %lt3A_225 : i1 to i32
        %cond3A_227 = arith.constant 0 : i32
        %cond3A_228 = arith.cmpi ne, %convert_element_type3A_226, %cond3A_227 : i32
        scf.if %cond3A_228 {
          %add3A_287 = arith.constant 6 : i32
          %add3A_288 = arith.addi %add3A_203, %add3A_287 : i32
          %dma_start3A_289 = arith.constant 0 : i32
          %dma_start3A_290 = tpu.memref_slice %arg8[%add3A_288, %dma_start3A_289] : memref<25x80xi32, #tpu.memory_space<vmem>> -> memref<1x80xi32, #tpu.memory_space<vmem>>
          %dma_start3A_291 = tpu.memref_squeeze %dma_start3A_290 : memref<1x80xi32, #tpu.memory_space<vmem>> -> memref<80xi32, #tpu.memory_space<vmem>>
          %dma_start3A_292 = arith.constant 0 : i32
          %dma_start3A_293 = arith.constant 0 : i32
          %dma_start3A_294 = tpu.memref_slice %arg2[%dma_start3A_292, %dma_start3A_293] : memref<10000x64xf32, #tpu.memory_space<hbm>> -> memref<10000x64xf32, #tpu.memory_space<hbm>>
          tpu.enqueue_indirect_dma source(%dma_start3A_294 : memref<10000x64xf32, #tpu.memory_space<hbm>>) target(%arg13 : memref<80x64xf32, #tpu.memory_space<vmem>>) offsets(%dma_start3A_291 : memref<80xi32, #tpu.memory_space<vmem>>) semaphore(%arg22 : memref<!tpu.dma_semaphore, #tpu.memory_space<semaphore_mem>>)
        } else {
        }
        %mul3A_229 = arith.constant 6 : i32
        %mul3A_230 = arith.muli %scan3A_113, %mul3A_229 : i32
        %add3A_231 = arith.constant 4 : i32
        %add3A_232 = arith.addi %mul3A_230, %add3A_231 : i32
        %dma_wait3A_233 = arith.constant 0 : i32
        %dma_wait3A_234 = tpu.memref_slice %arg8[%add3A_232, %dma_wait3A_233] : memref<25x80xi32, #tpu.memory_space<vmem>> -> memref<1x80xi32, #tpu.memory_space<vmem>>
        %dma_wait3A_235 = tpu.memref_squeeze %dma_wait3A_234 : memref<1x80xi32, #tpu.memory_space<vmem>> -> memref<80xi32, #tpu.memory_space<vmem>>
        %dma_wait3A_236 = arith.constant 0 : i32
        %dma_wait3A_237 = arith.constant 0 : i32
        %dma_wait3A_238 = tpu.memref_slice %arg2[%dma_wait3A_236, %dma_wait3A_237] : memref<10000x64xf32, #tpu.memory_space<hbm>> -> memref<10000x64xf32, #tpu.memory_space<hbm>>
        tpu.wait_indirect_dma semaphore(%arg23 : memref<!tpu.dma_semaphore, #tpu.memory_space<semaphore_mem>>) src(%dma_wait3A_238 : memref<10000x64xf32, #tpu.memory_space<hbm>>) dst(%arg14 : memref<80x64xf32, #tpu.memory_space<vmem>>)
        %dma_start3A_239 = arith.constant 0 : i32
        %dma_start3A_240 = tpu.memref_slice %arg9[%add3A_232, %dma_start3A_239] : memref<25x80xi32, #tpu.memory_space<vmem>> -> memref<1x80xi32, #tpu.memory_space<vmem>>
        %dma_start3A_241 = tpu.memref_squeeze %dma_start3A_240 : memref<1x80xi32, #tpu.memory_space<vmem>> -> memref<80xi32, #tpu.memory_space<vmem>>
        %dma_start3A_242 = arith.constant 0 : i32
        %dma_start3A_243 = arith.constant 0 : i32
        %dma_start3A_244 = tpu.memref_slice %arg17[%dma_start3A_242, %dma_start3A_243] : memref<10240x64xf32, #tpu.memory_space<vmem_shared>> -> memref<10240x64xf32, #tpu.memory_space<vmem_shared>>
        tpu.enqueue_indirect_dma source(%arg14 : memref<80x64xf32, #tpu.memory_space<vmem>>) target(%dma_start3A_244 : memref<10240x64xf32, #tpu.memory_space<vmem_shared>>) offsets(%dma_start3A_241 : memref<80xi32, #tpu.memory_space<vmem>>) semaphore(%arg29 : memref<!tpu.dma_semaphore, #tpu.memory_space<semaphore_mem>>) {add = true}
        %dma_wait3A_245 = arith.constant 0 : i32
        %dma_wait3A_246 = tpu.memref_slice %arg9[%add3A_232, %dma_wait3A_245] : memref<25x80xi32, #tpu.memory_space<vmem>> -> memref<1x80xi32, #tpu.memory_space<vmem>>
        %dma_wait3A_247 = tpu.memref_squeeze %dma_wait3A_246 : memref<1x80xi32, #tpu.memory_space<vmem>> -> memref<80xi32, #tpu.memory_space<vmem>>
        %dma_wait3A_248 = arith.constant 0 : i32
        %dma_wait3A_249 = arith.constant 0 : i32
        %dma_wait3A_250 = tpu.memref_slice %arg17[%dma_wait3A_248, %dma_wait3A_249] : memref<10240x64xf32, #tpu.memory_space<vmem_shared>> -> memref<10240x64xf32, #tpu.memory_space<vmem_shared>>
        tpu.wait_indirect_dma semaphore(%arg29 : memref<!tpu.dma_semaphore, #tpu.memory_space<semaphore_mem>>) src(%arg14 : memref<80x64xf32, #tpu.memory_space<vmem>>) dst(%dma_wait3A_250 : memref<10240x64xf32, #tpu.memory_space<vmem_shared>>)
        %add3A_251 = arith.constant 6 : i32
        %add3A_252 = arith.addi %add3A_232, %add3A_251 : i32
        %lt3A_253 = arith.constant 25 : i32
        %lt3A_254 = arith.cmpi slt, %add3A_252, %lt3A_253 : i32
        %convert_element_type3A_255 = arith.extui %lt3A_254 : i1 to i32
        %cond3A_256 = arith.constant 0 : i32
        %cond3A_257 = arith.cmpi ne, %convert_element_type3A_255, %cond3A_256 : i32
        scf.if %cond3A_257 {
          %add3A_287 = arith.constant 6 : i32
          %add3A_288 = arith.addi %add3A_232, %add3A_287 : i32
          %dma_start3A_289 = arith.constant 0 : i32
          %dma_start3A_290 = tpu.memref_slice %arg8[%add3A_288, %dma_start3A_289] : memref<25x80xi32, #tpu.memory_space<vmem>> -> memref<1x80xi32, #tpu.memory_space<vmem>>
          %dma_start3A_291 = tpu.memref_squeeze %dma_start3A_290 : memref<1x80xi32, #tpu.memory_space<vmem>> -> memref<80xi32, #tpu.memory_space<vmem>>
          %dma_start3A_292 = arith.constant 0 : i32
          %dma_start3A_293 = arith.constant 0 : i32
          %dma_start3A_294 = tpu.memref_slice %arg2[%dma_start3A_292, %dma_start3A_293] : memref<10000x64xf32, #tpu.memory_space<hbm>> -> memref<10000x64xf32, #tpu.memory_space<hbm>>
          tpu.enqueue_indirect_dma source(%dma_start3A_294 : memref<10000x64xf32, #tpu.memory_space<hbm>>) target(%arg14 : memref<80x64xf32, #tpu.memory_space<vmem>>) offsets(%dma_start3A_291 : memref<80xi32, #tpu.memory_space<vmem>>) semaphore(%arg23 : memref<!tpu.dma_semaphore, #tpu.memory_space<semaphore_mem>>)
        } else {
        }
        %mul3A_258 = arith.constant 6 : i32
        %mul3A_259 = arith.muli %scan3A_113, %mul3A_258 : i32
        %add3A_260 = arith.constant 5 : i32
        %add3A_261 = arith.addi %mul3A_259, %add3A_260 : i32
        %dma_wait3A_262 = arith.constant 0 : i32
        %dma_wait3A_263 = tpu.memref_slice %arg8[%add3A_261, %dma_wait3A_262] : memref<25x80xi32, #tpu.memory_space<vmem>> -> memref<1x80xi32, #tpu.memory_space<vmem>>
        %dma_wait3A_264 = tpu.memref_squeeze %dma_wait3A_263 : memref<1x80xi32, #tpu.memory_space<vmem>> -> memref<80xi32, #tpu.memory_space<vmem>>
        %dma_wait3A_265 = arith.constant 0 : i32
        %dma_wait3A_266 = arith.constant 0 : i32
        %dma_wait3A_267 = tpu.memref_slice %arg2[%dma_wait3A_265, %dma_wait3A_266] : memref<10000x64xf32, #tpu.memory_space<hbm>> -> memref<10000x64xf32, #tpu.memory_space<hbm>>
        tpu.wait_indirect_dma semaphore(%arg24 : memref<!tpu.dma_semaphore, #tpu.memory_space<semaphore_mem>>) src(%dma_wait3A_267 : memref<10000x64xf32, #tpu.memory_space<hbm>>) dst(%arg15 : memref<80x64xf32, #tpu.memory_space<vmem>>)
        %dma_start3A_268 = arith.constant 0 : i32
        %dma_start3A_269 = tpu.memref_slice %arg9[%add3A_261, %dma_start3A_268] : memref<25x80xi32, #tpu.memory_space<vmem>> -> memref<1x80xi32, #tpu.memory_space<vmem>>
        %dma_start3A_270 = tpu.memref_squeeze %dma_start3A_269 : memref<1x80xi32, #tpu.memory_space<vmem>> -> memref<80xi32, #tpu.memory_space<vmem>>
        %dma_start3A_271 = arith.constant 0 : i32
        %dma_start3A_272 = arith.constant 0 : i32
        %dma_start3A_273 = tpu.memref_slice %arg17[%dma_start3A_271, %dma_start3A_272] : memref<10240x64xf32, #tpu.memory_space<vmem_shared>> -> memref<10240x64xf32, #tpu.memory_space<vmem_shared>>
        tpu.enqueue_indirect_dma source(%arg15 : memref<80x64xf32, #tpu.memory_space<vmem>>) target(%dma_start3A_273 : memref<10240x64xf32, #tpu.memory_space<vmem_shared>>) offsets(%dma_start3A_270 : memref<80xi32, #tpu.memory_space<vmem>>) semaphore(%arg30 : memref<!tpu.dma_semaphore, #tpu.memory_space<semaphore_mem>>) {add = true}
        %dma_wait3A_274 = arith.constant 0 : i32
        %dma_wait3A_275 = tpu.memref_slice %arg9[%add3A_261, %dma_wait3A_274] : memref<25x80xi32, #tpu.memory_space<vmem>> -> memref<1x80xi32, #tpu.memory_space<vmem>>
        %dma_wait3A_276 = tpu.memref_squeeze %dma_wait3A_275 : memref<1x80xi32, #tpu.memory_space<vmem>> -> memref<80xi32, #tpu.memory_space<vmem>>
        %dma_wait3A_277 = arith.constant 0 : i32
        %dma_wait3A_278 = arith.constant 0 : i32
        %dma_wait3A_279 = tpu.memref_slice %arg17[%dma_wait3A_277, %dma_wait3A_278] : memref<10240x64xf32, #tpu.memory_space<vmem_shared>> -> memref<10240x64xf32, #tpu.memory_space<vmem_shared>>
        tpu.wait_indirect_dma semaphore(%arg30 : memref<!tpu.dma_semaphore, #tpu.memory_space<semaphore_mem>>) src(%arg15 : memref<80x64xf32, #tpu.memory_space<vmem>>) dst(%dma_wait3A_279 : memref<10240x64xf32, #tpu.memory_space<vmem_shared>>)
        %add3A_280 = arith.constant 6 : i32
        %add3A_281 = arith.addi %add3A_261, %add3A_280 : i32
        %lt3A_282 = arith.constant 25 : i32
        %lt3A_283 = arith.cmpi slt, %add3A_281, %lt3A_282 : i32
        %convert_element_type3A_284 = arith.extui %lt3A_283 : i1 to i32
        %cond3A_285 = arith.constant 0 : i32
        %cond3A_286 = arith.cmpi ne, %convert_element_type3A_284, %cond3A_285 : i32
        scf.if %cond3A_286 {
          %add3A_287 = arith.constant 6 : i32
          %add3A_288 = arith.addi %add3A_261, %add3A_287 : i32
          %dma_start3A_289 = arith.constant 0 : i32
          %dma_start3A_290 = tpu.memref_slice %arg8[%add3A_288, %dma_start3A_289] : memref<25x80xi32, #tpu.memory_space<vmem>> -> memref<1x80xi32, #tpu.memory_space<vmem>>
          %dma_start3A_291 = tpu.memref_squeeze %dma_start3A_290 : memref<1x80xi32, #tpu.memory_space<vmem>> -> memref<80xi32, #tpu.memory_space<vmem>>
          %dma_start3A_292 = arith.constant 0 : i32
          %dma_start3A_293 = arith.constant 0 : i32
          %dma_start3A_294 = tpu.memref_slice %arg2[%dma_start3A_292, %dma_start3A_293] : memref<10000x64xf32, #tpu.memory_space<hbm>> -> memref<10000x64xf32, #tpu.memory_space<hbm>>
          tpu.enqueue_indirect_dma source(%dma_start3A_294 : memref<10000x64xf32, #tpu.memory_space<hbm>>) target(%arg15 : memref<80x64xf32, #tpu.memory_space<vmem>>) offsets(%dma_start3A_291 : memref<80xi32, #tpu.memory_space<vmem>>) semaphore(%arg24 : memref<!tpu.dma_semaphore, #tpu.memory_space<semaphore_mem>>)
        } else {
        }
      }
      %scan3A_92 = arith.constant 4 : i32
      %dma_wait3A = arith.constant 24 : i32
      %dma_wait3A_93 = arith.constant 0 : i32
      %dma_wait3A_94 = tpu.memref_slice %arg8[%dma_wait3A, %dma_wait3A_93] : memref<25x80xi32, #tpu.memory_space<vmem>> -> memref<1x80xi32, #tpu.memory_space<vmem>>
      %dma_wait3A_95 = tpu.memref_squeeze %dma_wait3A_94 : memref<1x80xi32, #tpu.memory_space<vmem>> -> memref<80xi32, #tpu.memory_space<vmem>>
      %dma_wait3A_96 = arith.constant 0 : i32
      %dma_wait3A_97 = arith.constant 0 : i32
      %dma_wait3A_98 = tpu.memref_slice %arg2[%dma_wait3A_96, %dma_wait3A_97] : memref<10000x64xf32, #tpu.memory_space<hbm>> -> memref<10000x64xf32, #tpu.memory_space<hbm>>
      tpu.wait_indirect_dma semaphore(%arg19 : memref<!tpu.dma_semaphore, #tpu.memory_space<semaphore_mem>>) src(%dma_wait3A_98 : memref<10000x64xf32, #tpu.memory_space<hbm>>) dst(%arg10 : memref<80x64xf32, #tpu.memory_space<vmem>>)
      %dma_start3A_99 = arith.constant 24 : i32
      %dma_start3A_100 = arith.constant 0 : i32
      %dma_start3A_101 = tpu.memref_slice %arg9[%dma_start3A_99, %dma_start3A_100] : memref<25x80xi32, #tpu.memory_space<vmem>> -> memref<1x80xi32, #tpu.memory_space<vmem>>
      %dma_start3A_102 = tpu.memref_squeeze %dma_start3A_101 : memref<1x80xi32, #tpu.memory_space<vmem>> -> memref<80xi32, #tpu.memory_space<vmem>>
      %dma_start3A_103 = arith.constant 0 : i32
      %dma_start3A_104 = arith.constant 0 : i32
      %dma_start3A_105 = tpu.memref_slice %arg17[%dma_start3A_103, %dma_start3A_104] : memref<10240x64xf32, #tpu.memory_space<vmem_shared>> -> memref<10240x64xf32, #tpu.memory_space<vmem_shared>>
      tpu.enqueue_indirect_dma source(%arg10 : memref<80x64xf32, #tpu.memory_space<vmem>>) target(%dma_start3A_105 : memref<10240x64xf32, #tpu.memory_space<vmem_shared>>) offsets(%dma_start3A_102 : memref<80xi32, #tpu.memory_space<vmem>>) semaphore(%arg25 : memref<!tpu.dma_semaphore, #tpu.memory_space<semaphore_mem>>) {add = true}
      %dma_wait3A_106 = arith.constant 24 : i32
      %dma_wait3A_107 = arith.constant 0 : i32
      %dma_wait3A_108 = tpu.memref_slice %arg9[%dma_wait3A_106, %dma_wait3A_107] : memref<25x80xi32, #tpu.memory_space<vmem>> -> memref<1x80xi32, #tpu.memory_space<vmem>>
      %dma_wait3A_109 = tpu.memref_squeeze %dma_wait3A_108 : memref<1x80xi32, #tpu.memory_space<vmem>> -> memref<80xi32, #tpu.memory_space<vmem>>
      %dma_wait3A_110 = arith.constant 0 : i32
      %dma_wait3A_111 = arith.constant 0 : i32
      %dma_wait3A_112 = tpu.memref_slice %arg17[%dma_wait3A_110, %dma_wait3A_111] : memref<10240x64xf32, #tpu.memory_space<vmem_shared>> -> memref<10240x64xf32, #tpu.memory_space<vmem_shared>>
      tpu.wait_indirect_dma semaphore(%arg25 : memref<!tpu.dma_semaphore, #tpu.memory_space<semaphore_mem>>) src(%arg10 : memref<80x64xf32, #tpu.memory_space<vmem>>) dst(%dma_wait3A_112 : memref<10240x64xf32, #tpu.memory_space<vmem_shared>>)
    }
    %scan3A_39 = arith.constant 5 : i32
    %barrier3A_40 = arith.constant 0 : index
    tpu.barrier barrier_id(%barrier3A_40)
    %mul3A_41 = arith.constant 640 : i32
    %mul3A_42 = arith.muli %arg1, %mul3A_41 : i32
    %mul3A_43 = arith.constant 640 : i32
    %mul3A_44 = arith.muli %arg1, %mul3A_43 : i32
    "tpu.region"() ({
      %run_scoped3A = tpu.sem_alloc : memref<!tpu.dma_semaphore, #tpu.memory_space<semaphore_mem>>
      %dma_start3A = arith.constant 0 : i32
      %dma_start3A_45 = tpu.memref_slice %arg7[%arg0, %mul3A_44, %dma_start3A] : memref<2x10240x64xf32, #tpu.memory_space<hbm>> -> memref<1x640x64xf32, #tpu.memory_space<hbm>>
      %dma_start3A_46 = tpu.memref_squeeze %dma_start3A_45 : memref<1x640x64xf32, #tpu.memory_space<hbm>> -> memref<640x64xf32, #tpu.memory_space<hbm>>
      %dma_start3A_47 = arith.constant 0 : i32
      %dma_start3A_48 = tpu.memref_slice %arg17[%mul3A_42, %dma_start3A_47] : memref<10240x64xf32, #tpu.memory_space<vmem_shared>> -> memref<640x64xf32, #tpu.memory_space<vmem_shared>>
      tpu.enqueue_dma source(%dma_start3A_48 : memref<640x64xf32, #tpu.memory_space<vmem_shared>>) target(%dma_start3A_46 : memref<640x64xf32, #tpu.memory_space<hbm>>) target_semaphore(%run_scoped3A : memref<!tpu.dma_semaphore, #tpu.memory_space<semaphore_mem>>)
      %dma_wait3A = arith.constant 0 : i32
      %dma_wait3A_49 = tpu.memref_slice %arg7[%arg0, %mul3A_44, %dma_wait3A] : memref<2x10240x64xf32, #tpu.memory_space<hbm>> -> memref<1x640x64xf32, #tpu.memory_space<hbm>>
      %dma_wait3A_50 = tpu.memref_squeeze %dma_wait3A_49 : memref<1x640x64xf32, #tpu.memory_space<hbm>> -> memref<640x64xf32, #tpu.memory_space<hbm>>
      %dma_wait3A_51 = arith.constant 0 : i32
      %dma_wait3A_52 = tpu.memref_slice %arg17[%mul3A_42, %dma_wait3A_51] : memref<10240x64xf32, #tpu.memory_space<vmem_shared>> -> memref<640x64xf32, #tpu.memory_space<vmem_shared>>
      tpu.wait_dma2 semaphore(%run_scoped3A : memref<!tpu.dma_semaphore, #tpu.memory_space<semaphore_mem>>) src(%dma_wait3A_52 : memref<640x64xf32, #tpu.memory_space<vmem_shared>>) dst(%dma_wait3A_50 : memref<640x64xf32, #tpu.memory_space<hbm>>)
      tpu.yield
    }) : () -> ()
    return
  }
}

#map = affine_map<(d0, d1) -> (0, 0)>
#map1 = affine_map<(d0, d1) -> (0, 0, 0, 0)>
#map2 = affine_map<(d0, d1) -> (0)>
#map3 = affine_map<(d0, d1) -> (0, 0, 0)>
module attributes {stable_mosaic.version = 14 : i64} {
  func.func @body(%arg0: i32, %arg1: i32, %arg2: memref<10000x128xf32, #tpu.memory_space<hbm>>, %arg3: memref<32x5x25x80xi32, #tpu.memory_space<hbm>>, %arg4: memref<32x5x25x80xi32, #tpu.memory_space<hbm>>, %arg5: memref<10240x128xf32, #tpu.memory_space<hbm>>, %arg6: memref<10240xf32, #tpu.memory_space<hbm>>, %arg7: memref<2x10240x128xf32, #tpu.memory_space<hbm>>, %arg8: memref<2x10240xf32, #tpu.memory_space<hbm>>, %arg9: memref<25x80xi32, #tpu.memory_space<vmem>>, %arg10: memref<25x80xi32, #tpu.memory_space<vmem>>, %arg11: memref<80x128xf32, #tpu.memory_space<vmem>>, %arg12: memref<80x128xf32, #tpu.memory_space<vmem>>, %arg13: memref<80x128xf32, #tpu.memory_space<vmem>>, %arg14: memref<80xf32, #tpu.memory_space<vmem>>, %arg15: memref<10240x128xf32, #tpu.memory_space<vmem_shared>>, %arg16: memref<10240xf32, #tpu.memory_space<vmem_shared>>, %arg17: memref<!tpu.dma_semaphore, #tpu.memory_space<semaphore_mem>>, %arg18: memref<!tpu.dma_semaphore, #tpu.memory_space<semaphore_mem>>, %arg19: memref<!tpu.dma_semaphore, #tpu.memory_space<semaphore_mem>>, %arg20: memref<!tpu.dma_semaphore, #tpu.memory_space<semaphore_mem>>, %arg21: memref<!tpu.dma_semaphore, #tpu.memory_space<semaphore_mem>>, %arg22: memref<!tpu.dma_semaphore, #tpu.memory_space<semaphore_mem>>, %arg23: memref<!tpu.dma_semaphore, #tpu.memory_space<semaphore_mem>>) attributes {dimension_semantics = [#tpu.dimension_semantics<core_parallel>, #tpu.dimension_semantics<subcore_parallel>], iteration_bounds = array<i64: 2, 16>, scalar_prefetch = 0 : i64, scratch_operands = 15 : i64, tpu.core_type = #tpu.core_type<sc_vector_subcore>, window_params = [{transform_indices = #map}, {transform_indices = #map1}, {transform_indices = #map1}, {transform_indices = #map}, {transform_indices = #map2}, {transform_indices = #map3}, {transform_indices = #map}]} {
    %mul3A = arith.constant 2 : i32
    %mul3A_0 = arith.muli %arg1, %mul3A : i32
    %add3A = arith.addi %mul3A_0, %arg0 : i32
    %mul3A_1 = arith.constant 640 : i32
    %mul3A_2 = arith.muli %arg1, %mul3A_1 : i32
    %mul3A_3 = arith.constant 640 : i32
    %mul3A_4 = arith.muli %arg1, %mul3A_3 : i32
    "tpu.region"() ({
      %run_scoped3A = tpu.sem_alloc : memref<!tpu.dma_semaphore, #tpu.memory_space<semaphore_mem>>
      %dma_start3A = arith.constant 0 : i32
      %dma_start3A_50 = tpu.memref_slice %arg15[%mul3A_4, %dma_start3A] : memref<10240x128xf32, #tpu.memory_space<vmem_shared>> -> memref<640x128xf32, #tpu.memory_space<vmem_shared>>
      %dma_start3A_51 = arith.constant 0 : i32
      %dma_start3A_52 = tpu.memref_slice %arg5[%mul3A_2, %dma_start3A_51] : memref<10240x128xf32, #tpu.memory_space<hbm>> -> memref<640x128xf32, #tpu.memory_space<hbm>>
      tpu.enqueue_dma source(%dma_start3A_52 : memref<640x128xf32, #tpu.memory_space<hbm>>) target(%dma_start3A_50 : memref<640x128xf32, #tpu.memory_space<vmem_shared>>) target_semaphore(%run_scoped3A : memref<!tpu.dma_semaphore, #tpu.memory_space<semaphore_mem>>)
      %dma_wait3A = arith.constant 0 : i32
      %dma_wait3A_53 = tpu.memref_slice %arg15[%mul3A_4, %dma_wait3A] : memref<10240x128xf32, #tpu.memory_space<vmem_shared>> -> memref<640x128xf32, #tpu.memory_space<vmem_shared>>
      %dma_wait3A_54 = arith.constant 0 : i32
      %dma_wait3A_55 = tpu.memref_slice %arg5[%mul3A_2, %dma_wait3A_54] : memref<10240x128xf32, #tpu.memory_space<hbm>> -> memref<640x128xf32, #tpu.memory_space<hbm>>
      tpu.wait_dma2 semaphore(%run_scoped3A : memref<!tpu.dma_semaphore, #tpu.memory_space<semaphore_mem>>) src(%dma_wait3A_55 : memref<640x128xf32, #tpu.memory_space<hbm>>) dst(%dma_wait3A_53 : memref<640x128xf32, #tpu.memory_space<vmem_shared>>)
      tpu.yield
    }) : () -> ()
    %eq3A = arith.constant 0 : i32
    %eq3A_5 = arith.cmpi eq, %arg1, %eq3A : i32
    %convert_element_type3A = arith.extui %eq3A_5 : i1 to i32
    %cond3A = arith.constant 0 : i32
    %cond3A_6 = arith.cmpi ne, %convert_element_type3A, %cond3A : i32
    scf.if %cond3A_6 {
      "tpu.region"() ({
        %run_scoped3A = tpu.sem_alloc : memref<!tpu.dma_semaphore, #tpu.memory_space<semaphore_mem>>
        tpu.enqueue_dma source(%arg6 : memref<10240xf32, #tpu.memory_space<hbm>>) target(%arg16 : memref<10240xf32, #tpu.memory_space<vmem_shared>>) target_semaphore(%run_scoped3A : memref<!tpu.dma_semaphore, #tpu.memory_space<semaphore_mem>>)
        tpu.wait_dma2 semaphore(%run_scoped3A : memref<!tpu.dma_semaphore, #tpu.memory_space<semaphore_mem>>) src(%arg6 : memref<10240xf32, #tpu.memory_space<hbm>>) dst(%arg16 : memref<10240xf32, #tpu.memory_space<vmem_shared>>)
        tpu.yield
      }) : () -> ()
    } else {
    }
    %broadcast_in_dim3A = arith.constant 1.000000e+00 : f32
    %broadcast_in_dim3A_7 = vector.broadcast %broadcast_in_dim3A : f32 to vector<16xf32>
    %swap3A = arith.constant 0 : index
    %swap3A_8 = tpu.vector_load %arg14[%swap3A] {strides = array<i32>} : memref<80xf32, #tpu.memory_space<vmem>>, vector<16xf32>,
    %swap3A_9 = vector.shape_cast %swap3A_8 : vector<16xf32> to vector<16xf32>
    %swap3A_10 = vector.shape_cast %broadcast_in_dim3A_7 : vector<16xf32> to vector<16xf32>
    tpu.vector_store %arg14[%swap3A], %swap3A_10 {strides = array<i32>} : memref<80xf32, #tpu.memory_space<vmem>>, vector<16xf32>,
    %broadcast_in_dim3A_11 = arith.constant 1.000000e+00 : f32
    %broadcast_in_dim3A_12 = vector.broadcast %broadcast_in_dim3A_11 : f32 to vector<16xf32>
    %swap3A_13 = arith.constant 16 : index
    %swap3A_14 = tpu.vector_load %arg14[%swap3A_13] {strides = array<i32>} : memref<80xf32, #tpu.memory_space<vmem>>, vector<16xf32>,
    %swap3A_15 = vector.shape_cast %swap3A_14 : vector<16xf32> to vector<16xf32>
    %swap3A_16 = vector.shape_cast %broadcast_in_dim3A_12 : vector<16xf32> to vector<16xf32>
    tpu.vector_store %arg14[%swap3A_13], %swap3A_16 {strides = array<i32>} : memref<80xf32, #tpu.memory_space<vmem>>, vector<16xf32>,
    %broadcast_in_dim3A_17 = arith.constant 1.000000e+00 : f32
    %broadcast_in_dim3A_18 = vector.broadcast %broadcast_in_dim3A_17 : f32 to vector<16xf32>
    %swap3A_19 = arith.constant 32 : index
    %swap3A_20 = tpu.vector_load %arg14[%swap3A_19] {strides = array<i32>} : memref<80xf32, #tpu.memory_space<vmem>>, vector<16xf32>,
    %swap3A_21 = vector.shape_cast %swap3A_20 : vector<16xf32> to vector<16xf32>
    %swap3A_22 = vector.shape_cast %broadcast_in_dim3A_18 : vector<16xf32> to vector<16xf32>
    tpu.vector_store %arg14[%swap3A_19], %swap3A_22 {strides = array<i32>} : memref<80xf32, #tpu.memory_space<vmem>>, vector<16xf32>,
    %broadcast_in_dim3A_23 = arith.constant 1.000000e+00 : f32
    %broadcast_in_dim3A_24 = vector.broadcast %broadcast_in_dim3A_23 : f32 to vector<16xf32>
    %swap3A_25 = arith.constant 48 : index
    %swap3A_26 = tpu.vector_load %arg14[%swap3A_25] {strides = array<i32>} : memref<80xf32, #tpu.memory_space<vmem>>, vector<16xf32>,
    %swap3A_27 = vector.shape_cast %swap3A_26 : vector<16xf32> to vector<16xf32>
    %swap3A_28 = vector.shape_cast %broadcast_in_dim3A_24 : vector<16xf32> to vector<16xf32>
    tpu.vector_store %arg14[%swap3A_25], %swap3A_28 {strides = array<i32>} : memref<80xf32, #tpu.memory_space<vmem>>, vector<16xf32>,
    %broadcast_in_dim3A_29 = arith.constant 1.000000e+00 : f32
    %broadcast_in_dim3A_30 = vector.broadcast %broadcast_in_dim3A_29 : f32 to vector<16xf32>
    %swap3A_31 = arith.constant 64 : index
    %swap3A_32 = tpu.vector_load %arg14[%swap3A_31] {strides = array<i32>} : memref<80xf32, #tpu.memory_space<vmem>>, vector<16xf32>,
    %swap3A_33 = vector.shape_cast %swap3A_32 : vector<16xf32> to vector<16xf32>
    %swap3A_34 = vector.shape_cast %broadcast_in_dim3A_30 : vector<16xf32> to vector<16xf32>
    tpu.vector_store %arg14[%swap3A_31], %swap3A_34 {strides = array<i32>} : memref<80xf32, #tpu.memory_space<vmem>>, vector<16xf32>,
    %barrier3A = arith.constant 0 : index
    tpu.barrier barrier_id(%barrier3A)
    %scan3A = arith.constant 0 : i32
    %scan3A_35 = arith.constant 0 : i32
    %scan3A_36 = arith.constant 5 : i32
    %scan3A_37 = arith.addi %scan3A_35, %scan3A_36 : i32
    %scan3A_38 = arith.constant 1 : i32
    scf.for %scan3A_50 = %scan3A_35 to %scan3A_37 step %scan3A_38  : i32 {
      "tpu.region"() ({
        %run_scoped3A = tpu.sem_alloc : memref<!tpu.dma_semaphore, #tpu.memory_space<semaphore_mem>>
        %dma_start3A_109 = arith.constant 0 : i32
        %dma_start3A_110 = arith.constant 0 : i32
        %dma_start3A_111 = tpu.memref_slice %arg3[%add3A, %scan3A_50, %dma_start3A_109, %dma_start3A_110] : memref<32x5x25x80xi32, #tpu.memory_space<hbm>> -> memref<1x1x25x80xi32, #tpu.memory_space<hbm>>
        %dma_start3A_112 = tpu.memref_squeeze %dma_start3A_111 : memref<1x1x25x80xi32, #tpu.memory_space<hbm>> -> memref<25x80xi32, #tpu.memory_space<hbm>>
        %dma_start3A_113 = arith.constant 0 : i32
        %dma_start3A_114 = arith.constant 0 : i32
        %dma_start3A_115 = tpu.memref_slice %arg3[%add3A, %scan3A_50, %dma_start3A_113, %dma_start3A_114] : memref<32x5x25x80xi32, #tpu.memory_space<hbm>> -> memref<1x1x25x80xi32, #tpu.memory_space<hbm>>
        %dma_start3A_116 = tpu.memref_squeeze %dma_start3A_115 : memref<1x1x25x80xi32, #tpu.memory_space<hbm>> -> memref<25x80xi32, #tpu.memory_space<hbm>>
        tpu.enqueue_dma source(%dma_start3A_116 : memref<25x80xi32, #tpu.memory_space<hbm>>) target(%arg9 : memref<25x80xi32, #tpu.memory_space<vmem>>) target_semaphore(%run_scoped3A : memref<!tpu.dma_semaphore, #tpu.memory_space<semaphore_mem>>)
        %dma_wait3A_117 = arith.constant 0 : i32
        %dma_wait3A_118 = arith.constant 0 : i32
        %dma_wait3A_119 = tpu.memref_slice %arg3[%add3A, %scan3A_50, %dma_wait3A_117, %dma_wait3A_118] : memref<32x5x25x80xi32, #tpu.memory_space<hbm>> -> memref<1x1x25x80xi32, #tpu.memory_space<hbm>>
        %dma_wait3A_120 = tpu.memref_squeeze %dma_wait3A_119 : memref<1x1x25x80xi32, #tpu.memory_space<hbm>> -> memref<25x80xi32, #tpu.memory_space<hbm>>
        %dma_wait3A_121 = arith.constant 0 : i32
        %dma_wait3A_122 = arith.constant 0 : i32
        %dma_wait3A_123 = tpu.memref_slice %arg3[%add3A, %scan3A_50, %dma_wait3A_121, %dma_wait3A_122] : memref<32x5x25x80xi32, #tpu.memory_space<hbm>> -> memref<1x1x25x80xi32, #tpu.memory_space<hbm>>
        %dma_wait3A_124 = tpu.memref_squeeze %dma_wait3A_123 : memref<1x1x25x80xi32, #tpu.memory_space<hbm>> -> memref<25x80xi32, #tpu.memory_space<hbm>>
        tpu.wait_dma2 semaphore(%run_scoped3A : memref<!tpu.dma_semaphore, #tpu.memory_space<semaphore_mem>>) src(%dma_wait3A_124 : memref<25x80xi32, #tpu.memory_space<hbm>>) dst(%arg9 : memref<25x80xi32, #tpu.memory_space<vmem>>)
        tpu.yield
      }) : () -> ()
      "tpu.region"() ({
        %run_scoped3A = tpu.sem_alloc : memref<!tpu.dma_semaphore, #tpu.memory_space<semaphore_mem>>
        %dma_start3A_109 = arith.constant 0 : i32
        %dma_start3A_110 = arith.constant 0 : i32
        %dma_start3A_111 = tpu.memref_slice %arg4[%add3A, %scan3A_50, %dma_start3A_109, %dma_start3A_110] : memref<32x5x25x80xi32, #tpu.memory_space<hbm>> -> memref<1x1x25x80xi32, #tpu.memory_space<hbm>>
        %dma_start3A_112 = tpu.memref_squeeze %dma_start3A_111 : memref<1x1x25x80xi32, #tpu.memory_space<hbm>> -> memref<25x80xi32, #tpu.memory_space<hbm>>
        %dma_start3A_113 = arith.constant 0 : i32
        %dma_start3A_114 = arith.constant 0 : i32
        %dma_start3A_115 = tpu.memref_slice %arg4[%add3A, %scan3A_50, %dma_start3A_113, %dma_start3A_114] : memref<32x5x25x80xi32, #tpu.memory_space<hbm>> -> memref<1x1x25x80xi32, #tpu.memory_space<hbm>>
        %dma_start3A_116 = tpu.memref_squeeze %dma_start3A_115 : memref<1x1x25x80xi32, #tpu.memory_space<hbm>> -> memref<25x80xi32, #tpu.memory_space<hbm>>
        tpu.enqueue_dma source(%dma_start3A_116 : memref<25x80xi32, #tpu.memory_space<hbm>>) target(%arg10 : memref<25x80xi32, #tpu.memory_space<vmem>>) target_semaphore(%run_scoped3A : memref<!tpu.dma_semaphore, #tpu.memory_space<semaphore_mem>>)
        %dma_wait3A_117 = arith.constant 0 : i32
        %dma_wait3A_118 = arith.constant 0 : i32
        %dma_wait3A_119 = tpu.memref_slice %arg4[%add3A, %scan3A_50, %dma_wait3A_117, %dma_wait3A_118] : memref<32x5x25x80xi32, #tpu.memory_space<hbm>> -> memref<1x1x25x80xi32, #tpu.memory_space<hbm>>
        %dma_wait3A_120 = tpu.memref_squeeze %dma_wait3A_119 : memref<1x1x25x80xi32, #tpu.memory_space<hbm>> -> memref<25x80xi32, #tpu.memory_space<hbm>>
        %dma_wait3A_121 = arith.constant 0 : i32
        %dma_wait3A_122 = arith.constant 0 : i32
        %dma_wait3A_123 = tpu.memref_slice %arg4[%add3A, %scan3A_50, %dma_wait3A_121, %dma_wait3A_122] : memref<32x5x25x80xi32, #tpu.memory_space<hbm>> -> memref<1x1x25x80xi32, #tpu.memory_space<hbm>>
        %dma_wait3A_124 = tpu.memref_squeeze %dma_wait3A_123 : memref<1x1x25x80xi32, #tpu.memory_space<hbm>> -> memref<25x80xi32, #tpu.memory_space<hbm>>
        tpu.wait_dma2 semaphore(%run_scoped3A : memref<!tpu.dma_semaphore, #tpu.memory_space<semaphore_mem>>) src(%dma_wait3A_124 : memref<25x80xi32, #tpu.memory_space<hbm>>) dst(%arg10 : memref<25x80xi32, #tpu.memory_space<vmem>>)
        tpu.yield
      }) : () -> ()
      %dma_start3A = arith.constant 0 : i32
      %dma_start3A_51 = arith.constant 0 : i32
      %dma_start3A_52 = tpu.memref_slice %arg9[%dma_start3A, %dma_start3A_51] : memref<25x80xi32, #tpu.memory_space<vmem>> -> memref<1x80xi32, #tpu.memory_space<vmem>>
      %dma_start3A_53 = tpu.memref_squeeze %dma_start3A_52 : memref<1x80xi32, #tpu.memory_space<vmem>> -> memref<80xi32, #tpu.memory_space<vmem>>
      %dma_start3A_54 = arith.constant 0 : i32
      %dma_start3A_55 = arith.constant 0 : i32
      %dma_start3A_56 = tpu.memref_slice %arg2[%dma_start3A_54, %dma_start3A_55] : memref<10000x128xf32, #tpu.memory_space<hbm>> -> memref<10000x128xf32, #tpu.memory_space<hbm>>
      tpu.enqueue_indirect_dma source(%dma_start3A_56 : memref<10000x128xf32, #tpu.memory_space<hbm>>) target(%arg11 : memref<80x128xf32, #tpu.memory_space<vmem>>) offsets(%dma_start3A_53 : memref<80xi32, #tpu.memory_space<vmem>>) semaphore(%arg17 : memref<!tpu.dma_semaphore, #tpu.memory_space<semaphore_mem>>)
      %dma_start3A_57 = arith.constant 1 : i32
      %dma_start3A_58 = arith.constant 0 : i32
      %dma_start3A_59 = tpu.memref_slice %arg9[%dma_start3A_57, %dma_start3A_58] : memref<25x80xi32, #tpu.memory_space<vmem>> -> memref<1x80xi32, #tpu.memory_space<vmem>>
      %dma_start3A_60 = tpu.memref_squeeze %dma_start3A_59 : memref<1x80xi32, #tpu.memory_space<vmem>> -> memref<80xi32, #tpu.memory_space<vmem>>
      %dma_start3A_61 = arith.constant 0 : i32
      %dma_start3A_62 = arith.constant 0 : i32
      %dma_start3A_63 = tpu.memref_slice %arg2[%dma_start3A_61, %dma_start3A_62] : memref<10000x128xf32, #tpu.memory_space<hbm>> -> memref<10000x128xf32, #tpu.memory_space<hbm>>
      tpu.enqueue_indirect_dma source(%dma_start3A_63 : memref<10000x128xf32, #tpu.memory_space<hbm>>) target(%arg12 : memref<80x128xf32, #tpu.memory_space<vmem>>) offsets(%dma_start3A_60 : memref<80xi32, #tpu.memory_space<vmem>>) semaphore(%arg18 : memref<!tpu.dma_semaphore, #tpu.memory_space<semaphore_mem>>)
      %dma_start3A_64 = arith.constant 2 : i32
      %dma_start3A_65 = arith.constant 0 : i32
      %dma_start3A_66 = tpu.memref_slice %arg9[%dma_start3A_64, %dma_start3A_65] : memref<25x80xi32, #tpu.memory_space<vmem>> -> memref<1x80xi32, #tpu.memory_space<vmem>>
      %dma_start3A_67 = tpu.memref_squeeze %dma_start3A_66 : memref<1x80xi32, #tpu.memory_space<vmem>> -> memref<80xi32, #tpu.memory_space<vmem>>
      %dma_start3A_68 = arith.constant 0 : i32
      %dma_start3A_69 = arith.constant 0 : i32
      %dma_start3A_70 = tpu.memref_slice %arg2[%dma_start3A_68, %dma_start3A_69] : memref<10000x128xf32, #tpu.memory_space<hbm>> -> memref<10000x128xf32, #tpu.memory_space<hbm>>
      tpu.enqueue_indirect_dma source(%dma_start3A_70 : memref<10000x128xf32, #tpu.memory_space<hbm>>) target(%arg13 : memref<80x128xf32, #tpu.memory_space<vmem>>) offsets(%dma_start3A_67 : memref<80xi32, #tpu.memory_space<vmem>>) semaphore(%arg19 : memref<!tpu.dma_semaphore, #tpu.memory_space<semaphore_mem>>)
      %scan3A_71 = arith.constant 0 : i32
      %scan3A_72 = arith.constant 0 : i32
      %scan3A_73 = arith.constant 8 : i32
      %scan3A_74 = arith.addi %scan3A_72, %scan3A_73 : i32
      %scan3A_75 = arith.constant 1 : i32
      scf.for %scan3A_109 = %scan3A_72 to %scan3A_74 step %scan3A_75  : i32 {
        %mul3A_110 = arith.constant 3 : i32
        %mul3A_111 = arith.muli %scan3A_109, %mul3A_110 : i32
        %add3A_112 = arith.constant 0 : i32
        %add3A_113 = arith.addi %mul3A_111, %add3A_112 : i32
        %dma_wait3A_114 = arith.constant 0 : i32
        %dma_wait3A_115 = tpu.memref_slice %arg9[%add3A_113, %dma_wait3A_114] : memref<25x80xi32, #tpu.memory_space<vmem>> -> memref<1x80xi32, #tpu.memory_space<vmem>>
        %dma_wait3A_116 = tpu.memref_squeeze %dma_wait3A_115 : memref<1x80xi32, #tpu.memory_space<vmem>> -> memref<80xi32, #tpu.memory_space<vmem>>
        %dma_wait3A_117 = arith.constant 0 : i32
        %dma_wait3A_118 = arith.constant 0 : i32
        %dma_wait3A_119 = tpu.memref_slice %arg2[%dma_wait3A_117, %dma_wait3A_118] : memref<10000x128xf32, #tpu.memory_space<hbm>> -> memref<10000x128xf32, #tpu.memory_space<hbm>>
        tpu.wait_indirect_dma semaphore(%arg17 : memref<!tpu.dma_semaphore, #tpu.memory_space<semaphore_mem>>) src(%dma_wait3A_119 : memref<10000x128xf32, #tpu.memory_space<hbm>>) dst(%arg11 : memref<80x128xf32, #tpu.memory_space<vmem>>)
        %dma_start3A_120 = arith.constant 0 : i32
        %dma_start3A_121 = tpu.memref_slice %arg10[%add3A_113, %dma_start3A_120] : memref<25x80xi32, #tpu.memory_space<vmem>> -> memref<1x80xi32, #tpu.memory_space<vmem>>
        %dma_start3A_122 = tpu.memref_squeeze %dma_start3A_121 : memref<1x80xi32, #tpu.memory_space<vmem>> -> memref<80xi32, #tpu.memory_space<vmem>>
        %dma_start3A_123 = arith.constant 0 : i32
        %dma_start3A_124 = arith.constant 0 : i32
        %dma_start3A_125 = tpu.memref_slice %arg15[%dma_start3A_123, %dma_start3A_124] : memref<10240x128xf32, #tpu.memory_space<vmem_shared>> -> memref<10240x128xf32, #tpu.memory_space<vmem_shared>>
        tpu.enqueue_indirect_dma source(%arg11 : memref<80x128xf32, #tpu.memory_space<vmem>>) target(%dma_start3A_125 : memref<10240x128xf32, #tpu.memory_space<vmem_shared>>) offsets(%dma_start3A_122 : memref<80xi32, #tpu.memory_space<vmem>>) semaphore(%arg20 : memref<!tpu.dma_semaphore, #tpu.memory_space<semaphore_mem>>) {add = true}
        %dma_start3A_126 = arith.constant 0 : i32
        %dma_start3A_127 = tpu.memref_slice %arg10[%add3A_113, %dma_start3A_126] : memref<25x80xi32, #tpu.memory_space<vmem>> -> memref<1x80xi32, #tpu.memory_space<vmem>>
        %dma_start3A_128 = tpu.memref_squeeze %dma_start3A_127 : memref<1x80xi32, #tpu.memory_space<vmem>> -> memref<80xi32, #tpu.memory_space<vmem>>
        %dma_start3A_129 = arith.constant 0 : i32
        %dma_start3A_130 = tpu.memref_slice %arg16[%dma_start3A_129] : memref<10240xf32, #tpu.memory_space<vmem_shared>> -> memref<10240xf32, #tpu.memory_space<vmem_shared>>
        tpu.enqueue_indirect_dma source(%arg14 : memref<80xf32, #tpu.memory_space<vmem>>) target(%dma_start3A_130 : memref<10240xf32, #tpu.memory_space<vmem_shared>>) offsets(%dma_start3A_128 : memref<80xi32, #tpu.memory_space<vmem>>) semaphore(%arg23 : memref<!tpu.dma_semaphore, #tpu.memory_space<semaphore_mem>>) {add = true}
        %dma_wait3A_131 = arith.constant 0 : i32
        %dma_wait3A_132 = tpu.memref_slice %arg10[%add3A_113, %dma_wait3A_131] : memref<25x80xi32, #tpu.memory_space<vmem>> -> memref<1x80xi32, #tpu.memory_space<vmem>>
        %dma_wait3A_133 = tpu.memref_squeeze %dma_wait3A_132 : memref<1x80xi32, #tpu.memory_space<vmem>> -> memref<80xi32, #tpu.memory_space<vmem>>
        %dma_wait3A_134 = arith.constant 0 : i32
        %dma_wait3A_135 = arith.constant 0 : i32
        %dma_wait3A_136 = tpu.memref_slice %arg15[%dma_wait3A_134, %dma_wait3A_135] : memref<10240x128xf32, #tpu.memory_space<vmem_shared>> -> memref<10240x128xf32, #tpu.memory_space<vmem_shared>>
        tpu.wait_indirect_dma semaphore(%arg20 : memref<!tpu.dma_semaphore, #tpu.memory_space<semaphore_mem>>) src(%arg11 : memref<80x128xf32, #tpu.memory_space<vmem>>) dst(%dma_wait3A_136 : memref<10240x128xf32, #tpu.memory_space<vmem_shared>>)
        %add3A_137 = arith.constant 3 : i32
        %add3A_138 = arith.addi %add3A_113, %add3A_137 : i32
        %lt3A = arith.constant 25 : i32
        %lt3A_139 = arith.cmpi slt, %add3A_138, %lt3A : i32
        %convert_element_type3A_140 = arith.extui %lt3A_139 : i1 to i32
        %cond3A_141 = arith.constant 0 : i32
        %cond3A_142 = arith.cmpi ne, %convert_element_type3A_140, %cond3A_141 : i32
        scf.if %cond3A_142 {
          %add3A_211 = arith.constant 3 : i32
          %add3A_212 = arith.addi %add3A_113, %add3A_211 : i32
          %dma_start3A_213 = arith.constant 0 : i32
          %dma_start3A_214 = tpu.memref_slice %arg9[%add3A_212, %dma_start3A_213] : memref<25x80xi32, #tpu.memory_space<vmem>> -> memref<1x80xi32, #tpu.memory_space<vmem>>
          %dma_start3A_215 = tpu.memref_squeeze %dma_start3A_214 : memref<1x80xi32, #tpu.memory_space<vmem>> -> memref<80xi32, #tpu.memory_space<vmem>>
          %dma_start3A_216 = arith.constant 0 : i32
          %dma_start3A_217 = arith.constant 0 : i32
          %dma_start3A_218 = tpu.memref_slice %arg2[%dma_start3A_216, %dma_start3A_217] : memref<10000x128xf32, #tpu.memory_space<hbm>> -> memref<10000x128xf32, #tpu.memory_space<hbm>>
          tpu.enqueue_indirect_dma source(%dma_start3A_218 : memref<10000x128xf32, #tpu.memory_space<hbm>>) target(%arg11 : memref<80x128xf32, #tpu.memory_space<vmem>>) offsets(%dma_start3A_215 : memref<80xi32, #tpu.memory_space<vmem>>) semaphore(%arg17 : memref<!tpu.dma_semaphore, #tpu.memory_space<semaphore_mem>>)
        } else {
        }
        %mul3A_143 = arith.constant 3 : i32
        %mul3A_144 = arith.muli %scan3A_109, %mul3A_143 : i32
        %add3A_145 = arith.constant 1 : i32
        %add3A_146 = arith.addi %mul3A_144, %add3A_145 : i32
        %dma_wait3A_147 = arith.constant 0 : i32
        %dma_wait3A_148 = tpu.memref_slice %arg9[%add3A_146, %dma_wait3A_147] : memref<25x80xi32, #tpu.memory_space<vmem>> -> memref<1x80xi32, #tpu.memory_space<vmem>>
        %dma_wait3A_149 = tpu.memref_squeeze %dma_wait3A_148 : memref<1x80xi32, #tpu.memory_space<vmem>> -> memref<80xi32, #tpu.memory_space<vmem>>
        %dma_wait3A_150 = arith.constant 0 : i32
        %dma_wait3A_151 = arith.constant 0 : i32
        %dma_wait3A_152 = tpu.memref_slice %arg2[%dma_wait3A_150, %dma_wait3A_151] : memref<10000x128xf32, #tpu.memory_space<hbm>> -> memref<10000x128xf32, #tpu.memory_space<hbm>>
        tpu.wait_indirect_dma semaphore(%arg18 : memref<!tpu.dma_semaphore, #tpu.memory_space<semaphore_mem>>) src(%dma_wait3A_152 : memref<10000x128xf32, #tpu.memory_space<hbm>>) dst(%arg12 : memref<80x128xf32, #tpu.memory_space<vmem>>)
        %dma_start3A_153 = arith.constant 0 : i32
        %dma_start3A_154 = tpu.memref_slice %arg10[%add3A_146, %dma_start3A_153] : memref<25x80xi32, #tpu.memory_space<vmem>> -> memref<1x80xi32, #tpu.memory_space<vmem>>
        %dma_start3A_155 = tpu.memref_squeeze %dma_start3A_154 : memref<1x80xi32, #tpu.memory_space<vmem>> -> memref<80xi32, #tpu.memory_space<vmem>>
        %dma_start3A_156 = arith.constant 0 : i32
        %dma_start3A_157 = arith.constant 0 : i32
        %dma_start3A_158 = tpu.memref_slice %arg15[%dma_start3A_156, %dma_start3A_157] : memref<10240x128xf32, #tpu.memory_space<vmem_shared>> -> memref<10240x128xf32, #tpu.memory_space<vmem_shared>>
        tpu.enqueue_indirect_dma source(%arg12 : memref<80x128xf32, #tpu.memory_space<vmem>>) target(%dma_start3A_158 : memref<10240x128xf32, #tpu.memory_space<vmem_shared>>) offsets(%dma_start3A_155 : memref<80xi32, #tpu.memory_space<vmem>>) semaphore(%arg21 : memref<!tpu.dma_semaphore, #tpu.memory_space<semaphore_mem>>) {add = true}
        %dma_start3A_159 = arith.constant 0 : i32
        %dma_start3A_160 = tpu.memref_slice %arg10[%add3A_146, %dma_start3A_159] : memref<25x80xi32, #tpu.memory_space<vmem>> -> memref<1x80xi32, #tpu.memory_space<vmem>>
        %dma_start3A_161 = tpu.memref_squeeze %dma_start3A_160 : memref<1x80xi32, #tpu.memory_space<vmem>> -> memref<80xi32, #tpu.memory_space<vmem>>
        %dma_start3A_162 = arith.constant 0 : i32
        %dma_start3A_163 = tpu.memref_slice %arg16[%dma_start3A_162] : memref<10240xf32, #tpu.memory_space<vmem_shared>> -> memref<10240xf32, #tpu.memory_space<vmem_shared>>
        tpu.enqueue_indirect_dma source(%arg14 : memref<80xf32, #tpu.memory_space<vmem>>) target(%dma_start3A_163 : memref<10240xf32, #tpu.memory_space<vmem_shared>>) offsets(%dma_start3A_161 : memref<80xi32, #tpu.memory_space<vmem>>) semaphore(%arg23 : memref<!tpu.dma_semaphore, #tpu.memory_space<semaphore_mem>>) {add = true}
        %dma_wait3A_164 = arith.constant 0 : i32
        %dma_wait3A_165 = tpu.memref_slice %arg10[%add3A_146, %dma_wait3A_164] : memref<25x80xi32, #tpu.memory_space<vmem>> -> memref<1x80xi32, #tpu.memory_space<vmem>>
        %dma_wait3A_166 = tpu.memref_squeeze %dma_wait3A_165 : memref<1x80xi32, #tpu.memory_space<vmem>> -> memref<80xi32, #tpu.memory_space<vmem>>
        %dma_wait3A_167 = arith.constant 0 : i32
        %dma_wait3A_168 = arith.constant 0 : i32
        %dma_wait3A_169 = tpu.memref_slice %arg15[%dma_wait3A_167, %dma_wait3A_168] : memref<10240x128xf32, #tpu.memory_space<vmem_shared>> -> memref<10240x128xf32, #tpu.memory_space<vmem_shared>>
        tpu.wait_indirect_dma semaphore(%arg21 : memref<!tpu.dma_semaphore, #tpu.memory_space<semaphore_mem>>) src(%arg12 : memref<80x128xf32, #tpu.memory_space<vmem>>) dst(%dma_wait3A_169 : memref<10240x128xf32, #tpu.memory_space<vmem_shared>>)
        %add3A_170 = arith.constant 3 : i32
        %add3A_171 = arith.addi %add3A_146, %add3A_170 : i32
        %lt3A_172 = arith.constant 25 : i32
        %lt3A_173 = arith.cmpi slt, %add3A_171, %lt3A_172 : i32
        %convert_element_type3A_174 = arith.extui %lt3A_173 : i1 to i32
        %cond3A_175 = arith.constant 0 : i32
        %cond3A_176 = arith.cmpi ne, %convert_element_type3A_174, %cond3A_175 : i32
        scf.if %cond3A_176 {
          %add3A_211 = arith.constant 3 : i32
          %add3A_212 = arith.addi %add3A_146, %add3A_211 : i32
          %dma_start3A_213 = arith.constant 0 : i32
          %dma_start3A_214 = tpu.memref_slice %arg9[%add3A_212, %dma_start3A_213] : memref<25x80xi32, #tpu.memory_space<vmem>> -> memref<1x80xi32, #tpu.memory_space<vmem>>
          %dma_start3A_215 = tpu.memref_squeeze %dma_start3A_214 : memref<1x80xi32, #tpu.memory_space<vmem>> -> memref<80xi32, #tpu.memory_space<vmem>>
          %dma_start3A_216 = arith.constant 0 : i32
          %dma_start3A_217 = arith.constant 0 : i32
          %dma_start3A_218 = tpu.memref_slice %arg2[%dma_start3A_216, %dma_start3A_217] : memref<10000x128xf32, #tpu.memory_space<hbm>> -> memref<10000x128xf32, #tpu.memory_space<hbm>>
          tpu.enqueue_indirect_dma source(%dma_start3A_218 : memref<10000x128xf32, #tpu.memory_space<hbm>>) target(%arg12 : memref<80x128xf32, #tpu.memory_space<vmem>>) offsets(%dma_start3A_215 : memref<80xi32, #tpu.memory_space<vmem>>) semaphore(%arg18 : memref<!tpu.dma_semaphore, #tpu.memory_space<semaphore_mem>>)
        } else {
        }
        %mul3A_177 = arith.constant 3 : i32
        %mul3A_178 = arith.muli %scan3A_109, %mul3A_177 : i32
        %add3A_179 = arith.constant 2 : i32
        %add3A_180 = arith.addi %mul3A_178, %add3A_179 : i32
        %dma_wait3A_181 = arith.constant 0 : i32
        %dma_wait3A_182 = tpu.memref_slice %arg9[%add3A_180, %dma_wait3A_181] : memref<25x80xi32, #tpu.memory_space<vmem>> -> memref<1x80xi32, #tpu.memory_space<vmem>>
        %dma_wait3A_183 = tpu.memref_squeeze %dma_wait3A_182 : memref<1x80xi32, #tpu.memory_space<vmem>> -> memref<80xi32, #tpu.memory_space<vmem>>
        %dma_wait3A_184 = arith.constant 0 : i32
        %dma_wait3A_185 = arith.constant 0 : i32
        %dma_wait3A_186 = tpu.memref_slice %arg2[%dma_wait3A_184, %dma_wait3A_185] : memref<10000x128xf32, #tpu.memory_space<hbm>> -> memref<10000x128xf32, #tpu.memory_space<hbm>>
        tpu.wait_indirect_dma semaphore(%arg19 : memref<!tpu.dma_semaphore, #tpu.memory_space<semaphore_mem>>) src(%dma_wait3A_186 : memref<10000x128xf32, #tpu.memory_space<hbm>>) dst(%arg13 : memref<80x128xf32, #tpu.memory_space<vmem>>)
        %dma_start3A_187 = arith.constant 0 : i32
        %dma_start3A_188 = tpu.memref_slice %arg10[%add3A_180, %dma_start3A_187] : memref<25x80xi32, #tpu.memory_space<vmem>> -> memref<1x80xi32, #tpu.memory_space<vmem>>
        %dma_start3A_189 = tpu.memref_squeeze %dma_start3A_188 : memref<1x80xi32, #tpu.memory_space<vmem>> -> memref<80xi32, #tpu.memory_space<vmem>>
        %dma_start3A_190 = arith.constant 0 : i32
        %dma_start3A_191 = arith.constant 0 : i32
        %dma_start3A_192 = tpu.memref_slice %arg15[%dma_start3A_190, %dma_start3A_191] : memref<10240x128xf32, #tpu.memory_space<vmem_shared>> -> memref<10240x128xf32, #tpu.memory_space<vmem_shared>>
        tpu.enqueue_indirect_dma source(%arg13 : memref<80x128xf32, #tpu.memory_space<vmem>>) target(%dma_start3A_192 : memref<10240x128xf32, #tpu.memory_space<vmem_shared>>) offsets(%dma_start3A_189 : memref<80xi32, #tpu.memory_space<vmem>>) semaphore(%arg22 : memref<!tpu.dma_semaphore, #tpu.memory_space<semaphore_mem>>) {add = true}
        %dma_start3A_193 = arith.constant 0 : i32
        %dma_start3A_194 = tpu.memref_slice %arg10[%add3A_180, %dma_start3A_193] : memref<25x80xi32, #tpu.memory_space<vmem>> -> memref<1x80xi32, #tpu.memory_space<vmem>>
        %dma_start3A_195 = tpu.memref_squeeze %dma_start3A_194 : memref<1x80xi32, #tpu.memory_space<vmem>> -> memref<80xi32, #tpu.memory_space<vmem>>
        %dma_start3A_196 = arith.constant 0 : i32
        %dma_start3A_197 = tpu.memref_slice %arg16[%dma_start3A_196] : memref<10240xf32, #tpu.memory_space<vmem_shared>> -> memref<10240xf32, #tpu.memory_space<vmem_shared>>
        tpu.enqueue_indirect_dma source(%arg14 : memref<80xf32, #tpu.memory_space<vmem>>) target(%dma_start3A_197 : memref<10240xf32, #tpu.memory_space<vmem_shared>>) offsets(%dma_start3A_195 : memref<80xi32, #tpu.memory_space<vmem>>) semaphore(%arg23 : memref<!tpu.dma_semaphore, #tpu.memory_space<semaphore_mem>>) {add = true}
        %dma_wait3A_198 = arith.constant 0 : i32
        %dma_wait3A_199 = tpu.memref_slice %arg10[%add3A_180, %dma_wait3A_198] : memref<25x80xi32, #tpu.memory_space<vmem>> -> memref<1x80xi32, #tpu.memory_space<vmem>>
        %dma_wait3A_200 = tpu.memref_squeeze %dma_wait3A_199 : memref<1x80xi32, #tpu.memory_space<vmem>> -> memref<80xi32, #tpu.memory_space<vmem>>
        %dma_wait3A_201 = arith.constant 0 : i32
        %dma_wait3A_202 = arith.constant 0 : i32
        %dma_wait3A_203 = tpu.memref_slice %arg15[%dma_wait3A_201, %dma_wait3A_202] : memref<10240x128xf32, #tpu.memory_space<vmem_shared>> -> memref<10240x128xf32, #tpu.memory_space<vmem_shared>>
        tpu.wait_indirect_dma semaphore(%arg22 : memref<!tpu.dma_semaphore, #tpu.memory_space<semaphore_mem>>) src(%arg13 : memref<80x128xf32, #tpu.memory_space<vmem>>) dst(%dma_wait3A_203 : memref<10240x128xf32, #tpu.memory_space<vmem_shared>>)
        %add3A_204 = arith.constant 3 : i32
        %add3A_205 = arith.addi %add3A_180, %add3A_204 : i32
        %lt3A_206 = arith.constant 25 : i32
        %lt3A_207 = arith.cmpi slt, %add3A_205, %lt3A_206 : i32
        %convert_element_type3A_208 = arith.extui %lt3A_207 : i1 to i32
        %cond3A_209 = arith.constant 0 : i32
        %cond3A_210 = arith.cmpi ne, %convert_element_type3A_208, %cond3A_209 : i32
        scf.if %cond3A_210 {
          %add3A_211 = arith.constant 3 : i32
          %add3A_212 = arith.addi %add3A_180, %add3A_211 : i32
          %dma_start3A_213 = arith.constant 0 : i32
          %dma_start3A_214 = tpu.memref_slice %arg9[%add3A_212, %dma_start3A_213] : memref<25x80xi32, #tpu.memory_space<vmem>> -> memref<1x80xi32, #tpu.memory_space<vmem>>
          %dma_start3A_215 = tpu.memref_squeeze %dma_start3A_214 : memref<1x80xi32, #tpu.memory_space<vmem>> -> memref<80xi32, #tpu.memory_space<vmem>>
          %dma_start3A_216 = arith.constant 0 : i32
          %dma_start3A_217 = arith.constant 0 : i32
          %dma_start3A_218 = tpu.memref_slice %arg2[%dma_start3A_216, %dma_start3A_217] : memref<10000x128xf32, #tpu.memory_space<hbm>> -> memref<10000x128xf32, #tpu.memory_space<hbm>>
          tpu.enqueue_indirect_dma source(%dma_start3A_218 : memref<10000x128xf32, #tpu.memory_space<hbm>>) target(%arg13 : memref<80x128xf32, #tpu.memory_space<vmem>>) offsets(%dma_start3A_215 : memref<80xi32, #tpu.memory_space<vmem>>) semaphore(%arg19 : memref<!tpu.dma_semaphore, #tpu.memory_space<semaphore_mem>>)
        } else {
        }
      }
      %scan3A_76 = arith.constant 8 : i32
      %dma_wait3A = arith.constant 24 : i32
      %dma_wait3A_77 = arith.constant 0 : i32
      %dma_wait3A_78 = tpu.memref_slice %arg9[%dma_wait3A, %dma_wait3A_77] : memref<25x80xi32, #tpu.memory_space<vmem>> -> memref<1x80xi32, #tpu.memory_space<vmem>>
      %dma_wait3A_79 = tpu.memref_squeeze %dma_wait3A_78 : memref<1x80xi32, #tpu.memory_space<vmem>> -> memref<80xi32, #tpu.memory_space<vmem>>
      %dma_wait3A_80 = arith.constant 0 : i32
      %dma_wait3A_81 = arith.constant 0 : i32
      %dma_wait3A_82 = tpu.memref_slice %arg2[%dma_wait3A_80, %dma_wait3A_81] : memref<10000x128xf32, #tpu.memory_space<hbm>> -> memref<10000x128xf32, #tpu.memory_space<hbm>>
      tpu.wait_indirect_dma semaphore(%arg17 : memref<!tpu.dma_semaphore, #tpu.memory_space<semaphore_mem>>) src(%dma_wait3A_82 : memref<10000x128xf32, #tpu.memory_space<hbm>>) dst(%arg11 : memref<80x128xf32, #tpu.memory_space<vmem>>)
      %dma_start3A_83 = arith.constant 24 : i32
      %dma_start3A_84 = arith.constant 0 : i32
      %dma_start3A_85 = tpu.memref_slice %arg10[%dma_start3A_83, %dma_start3A_84] : memref<25x80xi32, #tpu.memory_space<vmem>> -> memref<1x80xi32, #tpu.memory_space<vmem>>
      %dma_start3A_86 = tpu.memref_squeeze %dma_start3A_85 : memref<1x80xi32, #tpu.memory_space<vmem>> -> memref<80xi32, #tpu.memory_space<vmem>>
      %dma_start3A_87 = arith.constant 0 : i32
      %dma_start3A_88 = arith.constant 0 : i32
      %dma_start3A_89 = tpu.memref_slice %arg15[%dma_start3A_87, %dma_start3A_88] : memref<10240x128xf32, #tpu.memory_space<vmem_shared>> -> memref<10240x128xf32, #tpu.memory_space<vmem_shared>>
      tpu.enqueue_indirect_dma source(%arg11 : memref<80x128xf32, #tpu.memory_space<vmem>>) target(%dma_start3A_89 : memref<10240x128xf32, #tpu.memory_space<vmem_shared>>) offsets(%dma_start3A_86 : memref<80xi32, #tpu.memory_space<vmem>>) semaphore(%arg20 : memref<!tpu.dma_semaphore, #tpu.memory_space<semaphore_mem>>) {add = true}
      %dma_start3A_90 = arith.constant 24 : i32
      %dma_start3A_91 = arith.constant 0 : i32
      %dma_start3A_92 = tpu.memref_slice %arg10[%dma_start3A_90, %dma_start3A_91] : memref<25x80xi32, #tpu.memory_space<vmem>> -> memref<1x80xi32, #tpu.memory_space<vmem>>
      %dma_start3A_93 = tpu.memref_squeeze %dma_start3A_92 : memref<1x80xi32, #tpu.memory_space<vmem>> -> memref<80xi32, #tpu.memory_space<vmem>>
      %dma_start3A_94 = arith.constant 0 : i32
      %dma_start3A_95 = tpu.memref_slice %arg16[%dma_start3A_94] : memref<10240xf32, #tpu.memory_space<vmem_shared>> -> memref<10240xf32, #tpu.memory_space<vmem_shared>>
      tpu.enqueue_indirect_dma source(%arg14 : memref<80xf32, #tpu.memory_space<vmem>>) target(%dma_start3A_95 : memref<10240xf32, #tpu.memory_space<vmem_shared>>) offsets(%dma_start3A_93 : memref<80xi32, #tpu.memory_space<vmem>>) semaphore(%arg23 : memref<!tpu.dma_semaphore, #tpu.memory_space<semaphore_mem>>) {add = true}
      %dma_wait3A_96 = arith.constant 24 : i32
      %dma_wait3A_97 = arith.constant 0 : i32
      %dma_wait3A_98 = tpu.memref_slice %arg10[%dma_wait3A_96, %dma_wait3A_97] : memref<25x80xi32, #tpu.memory_space<vmem>> -> memref<1x80xi32, #tpu.memory_space<vmem>>
      %dma_wait3A_99 = tpu.memref_squeeze %dma_wait3A_98 : memref<1x80xi32, #tpu.memory_space<vmem>> -> memref<80xi32, #tpu.memory_space<vmem>>
      %dma_wait3A_100 = arith.constant 0 : i32
      %dma_wait3A_101 = arith.constant 0 : i32
      %dma_wait3A_102 = tpu.memref_slice %arg15[%dma_wait3A_100, %dma_wait3A_101] : memref<10240x128xf32, #tpu.memory_space<vmem_shared>> -> memref<10240x128xf32, #tpu.memory_space<vmem_shared>>
      tpu.wait_indirect_dma semaphore(%arg20 : memref<!tpu.dma_semaphore, #tpu.memory_space<semaphore_mem>>) src(%arg11 : memref<80x128xf32, #tpu.memory_space<vmem>>) dst(%dma_wait3A_102 : memref<10240x128xf32, #tpu.memory_space<vmem_shared>>)
      %scan3A_103 = arith.constant 0 : i32
      %scan3A_104 = arith.constant 0 : i32
      %scan3A_105 = arith.constant 25 : i32
      %scan3A_106 = arith.addi %scan3A_104, %scan3A_105 : i32
      %scan3A_107 = arith.constant 1 : i32
      scf.for %scan3A_109 = %scan3A_104 to %scan3A_106 step %scan3A_107  : i32 {
        %dma_wait3A_110 = arith.constant 0 : i32
        %dma_wait3A_111 = tpu.memref_slice %arg10[%scan3A_109, %dma_wait3A_110] : memref<25x80xi32, #tpu.memory_space<vmem>> -> memref<1x80xi32, #tpu.memory_space<vmem>>
        %dma_wait3A_112 = tpu.memref_squeeze %dma_wait3A_111 : memref<1x80xi32, #tpu.memory_space<vmem>> -> memref<80xi32, #tpu.memory_space<vmem>>
        %dma_wait3A_113 = arith.constant 0 : i32
        %dma_wait3A_114 = tpu.memref_slice %arg16[%dma_wait3A_113] : memref<10240xf32, #tpu.memory_space<vmem_shared>> -> memref<10240xf32, #tpu.memory_space<vmem_shared>>
        tpu.wait_indirect_dma semaphore(%arg23 : memref<!tpu.dma_semaphore, #tpu.memory_space<semaphore_mem>>) src(%arg14 : memref<80xf32, #tpu.memory_space<vmem>>) dst(%dma_wait3A_114 : memref<10240xf32, #tpu.memory_space<vmem_shared>>)
      }
      %scan3A_108 = arith.constant 25 : i32
    }
    %scan3A_39 = arith.constant 5 : i32
    %barrier3A_40 = arith.constant 0 : index
    tpu.barrier barrier_id(%barrier3A_40)
    %mul3A_41 = arith.constant 640 : i32
    %mul3A_42 = arith.muli %arg1, %mul3A_41 : i32
    %mul3A_43 = arith.constant 640 : i32
    %mul3A_44 = arith.muli %arg1, %mul3A_43 : i32
    "tpu.region"() ({
      %run_scoped3A = tpu.sem_alloc : memref<!tpu.dma_semaphore, #tpu.memory_space<semaphore_mem>>
      %dma_start3A = arith.constant 0 : i32
      %dma_start3A_50 = tpu.memref_slice %arg7[%arg0, %mul3A_44, %dma_start3A] : memref<2x10240x128xf32, #tpu.memory_space<hbm>> -> memref<1x640x128xf32, #tpu.memory_space<hbm>>
      %dma_start3A_51 = tpu.memref_squeeze %dma_start3A_50 : memref<1x640x128xf32, #tpu.memory_space<hbm>> -> memref<640x128xf32, #tpu.memory_space<hbm>>
      %dma_start3A_52 = arith.constant 0 : i32
      %dma_start3A_53 = tpu.memref_slice %arg15[%mul3A_42, %dma_start3A_52] : memref<10240x128xf32, #tpu.memory_space<vmem_shared>> -> memref<640x128xf32, #tpu.memory_space<vmem_shared>>
      tpu.enqueue_dma source(%dma_start3A_53 : memref<640x128xf32, #tpu.memory_space<vmem_shared>>) target(%dma_start3A_51 : memref<640x128xf32, #tpu.memory_space<hbm>>) target_semaphore(%run_scoped3A : memref<!tpu.dma_semaphore, #tpu.memory_space<semaphore_mem>>)
      %dma_wait3A = arith.constant 0 : i32
      %dma_wait3A_54 = tpu.memref_slice %arg7[%arg0, %mul3A_44, %dma_wait3A] : memref<2x10240x128xf32, #tpu.memory_space<hbm>> -> memref<1x640x128xf32, #tpu.memory_space<hbm>>
      %dma_wait3A_55 = tpu.memref_squeeze %dma_wait3A_54 : memref<1x640x128xf32, #tpu.memory_space<hbm>> -> memref<640x128xf32, #tpu.memory_space<hbm>>
      %dma_wait3A_56 = arith.constant 0 : i32
      %dma_wait3A_57 = tpu.memref_slice %arg15[%mul3A_42, %dma_wait3A_56] : memref<10240x128xf32, #tpu.memory_space<vmem_shared>> -> memref<640x128xf32, #tpu.memory_space<vmem_shared>>
      tpu.wait_dma2 semaphore(%run_scoped3A : memref<!tpu.dma_semaphore, #tpu.memory_space<semaphore_mem>>) src(%dma_wait3A_57 : memref<640x128xf32, #tpu.memory_space<vmem_shared>>) dst(%dma_wait3A_55 : memref<640x128xf32, #tpu.memory_space<hbm>>)
      tpu.yield
    }) : () -> ()
    %eq3A_45 = arith.constant 0 : i32
    %eq3A_46 = arith.cmpi eq, %arg1, %eq3A_45 : i32
    %convert_element_type3A_47 = arith.extui %eq3A_46 : i1 to i32
    %cond3A_48 = arith.constant 0 : i32
    %cond3A_49 = arith.cmpi ne, %convert_element_type3A_47, %cond3A_48 : i32
    scf.if %cond3A_49 {
      "tpu.region"() ({
        %run_scoped3A = tpu.sem_alloc : memref<!tpu.dma_semaphore, #tpu.memory_space<semaphore_mem>>
        %dma_start3A = arith.constant 0 : i32
        %dma_start3A_50 = tpu.memref_slice %arg8[%arg0, %dma_start3A] : memref<2x10240xf32, #tpu.memory_space<hbm>> -> memref<1x10240xf32, #tpu.memory_space<hbm>>
        %dma_start3A_51 = tpu.memref_squeeze %dma_start3A_50 : memref<1x10240xf32, #tpu.memory_space<hbm>> -> memref<10240xf32, #tpu.memory_space<hbm>>
        tpu.enqueue_dma source(%arg16 : memref<10240xf32, #tpu.memory_space<vmem_shared>>) target(%dma_start3A_51 : memref<10240xf32, #tpu.memory_space<hbm>>) target_semaphore(%run_scoped3A : memref<!tpu.dma_semaphore, #tpu.memory_space<semaphore_mem>>)
        %dma_wait3A = arith.constant 0 : i32
        %dma_wait3A_52 = tpu.memref_slice %arg8[%arg0, %dma_wait3A] : memref<2x10240xf32, #tpu.memory_space<hbm>> -> memref<1x10240xf32, #tpu.memory_space<hbm>>
        %dma_wait3A_53 = tpu.memref_squeeze %dma_wait3A_52 : memref<1x10240xf32, #tpu.memory_space<hbm>> -> memref<10240xf32, #tpu.memory_space<hbm>>
        tpu.wait_dma2 semaphore(%run_scoped3A : memref<!tpu.dma_semaphore, #tpu.memory_space<semaphore_mem>>) src(%arg16 : memref<10240xf32, #tpu.memory_space<vmem_shared>>) dst(%dma_wait3A_53 : memref<10240xf32, #tpu.memory_space<hbm>>)
        tpu.yield
      }) : () -> ()
    } else {
    }
    return
  }
}

module attributes {stable_mosaic.version = 14 : i64} {
  func.func @body(%arg0: i32, %arg1: i32, %arg2: memref<2x2000x128xf32, #tpu.memory_space<vmem>>, %arg3: memref<2000x128xf32, #tpu.memory_space<vmem>>, %arg4: memref<2000x1xf32, #tpu.memory_space<vmem>>, %arg5: memref<256x448xbf16, #tpu.memory_space<vmem>>, %arg6: memref<1x448xf32, #tpu.memory_space<vmem>>, %arg7: memref<1x64xf32, #tpu.memory_space<vmem>>, %arg8: memref<1x64xf32, #tpu.memory_space<vmem>>, %arg9: memref<2000x64xf32, #tpu.memory_space<vmem>>, %arg10: memref<10000x64xf32, #tpu.memory_space<vmem>>, %arg11: memref<2x64xf32, #tpu.memory_space<vmem>>) attributes {dimension_semantics = [#tpu.dimension_semantics<arbitrary>, #tpu.dimension_semantics<arbitrary>], iteration_bounds = array<i64: 2, 5>, scalar_prefetch = 0 : i64, scratch_operands = 2 : i64, tpu.core_type = #tpu.core_type<tc>, window_params = [{transform_indices = @transform_0, window_bounds = array<i64: 2, 2000, 128>}, {transform_indices = @transform_1, window_bounds = array<i64: 2000, 128>}, {transform_indices = @transform_2, window_bounds = array<i64: 2000, 1>}, {pipeline_mode = #tpu.pipeline_mode<synchronous>, transform_indices = @transform_3, window_bounds = array<i64: 256, 448>}, {pipeline_mode = #tpu.pipeline_mode<synchronous>, transform_indices = @transform_4, window_bounds = array<i64: 1, 448>}, {pipeline_mode = #tpu.pipeline_mode<synchronous>, transform_indices = @transform_5, window_bounds = array<i64: 1, 64>}, {pipeline_mode = #tpu.pipeline_mode<synchronous>, transform_indices = @transform_6, window_bounds = array<i64: 1, 64>}, {transform_indices = @transform_7, window_bounds = array<i64: 2000, 64>}]} {
    %eq3A = arith.constant 0 : i32
    %eq3A_0 = arith.cmpi eq, %arg0, %eq3A : i32
    %convert_element_type3A = arith.extui %eq3A_0 : i1 to i32
    %cond3A = arith.constant 0 : i32
    %cond3A_1 = arith.cmpi ne, %convert_element_type3A, %cond3A : i32
    scf.if %cond3A_1 {
      %get3A = arith.constant 0 : index
      %get3A_7 = arith.constant 0 : index
      %get3A_8 = arith.constant 0 : index
      %get3A_9 = vector.load %arg2[%get3A, %get3A_7, %get3A_8] : memref<2x2000x128xf32, #tpu.memory_space<vmem>>, vector<1x2000x128xf32>
      %get3A_10 = vector.shape_cast %get3A_9 : vector<1x2000x128xf32> to vector<2000x128xf32>
      %get3A_11 = arith.constant 1 : index
      %get3A_12 = arith.constant 0 : index
      %get3A_13 = arith.constant 0 : index
      %get3A_14 = vector.load %arg2[%get3A_11, %get3A_12, %get3A_13] : memref<2x2000x128xf32, #tpu.memory_space<vmem>>, vector<1x2000x128xf32>
      %get3A_15 = vector.shape_cast %get3A_14 : vector<1x2000x128xf32> to vector<2000x128xf32>
      %add3A = arith.addf %get3A_10, %get3A_15 : vector<2000x128xf32>
      %get3A_16 = arith.constant 0 : index
      %get3A_17 = arith.constant 0 : index
      %get3A_18 = vector.load %arg3[%get3A_16, %get3A_17] : memref<2000x128xf32, #tpu.memory_space<vmem>>, vector<2000x128xf32>
      %concatenate3A = tpu.concatenate %add3A, %get3A_18 in 1 : vector<2000x128xf32>, vector<2000x128xf32> -> vector<2000x256xf32>
      %convert_element_type3A_19 = arith.truncf %concatenate3A : vector<2000x256xf32> to vector<2000x256xbf16>
      %get3A_20 = arith.constant 0 : index
      %get3A_21 = arith.constant 0 : index
      %get3A_22 = vector.load %arg5[%get3A_20, %get3A_21] : memref<256x448xbf16, #tpu.memory_space<vmem>>, vector<256x448xbf16>
      %dot_general3A = arith.constant dense<0.000000e+00> : vector<2000x448xf32>
      %dot_general3A_23 = tpu.matmul %convert_element_type3A_19, %get3A_22, %dot_general3A {dimension_numbers = #tpu.dot_dimension_numbers<[1], [0], [0], [1], [0, 0, 1, 1], [], []>, transpose_lhs_hint = false} : vector<2000x256xbf16>, vector<256x448xbf16>, vector<2000x448xf32> -> vector<2000x448xf32>
      %get3A_24 = arith.constant 0 : index
      %get3A_25 = arith.constant 0 : index
      %get3A_26 = vector.load %arg6[%get3A_24, %get3A_25] : memref<1x448xf32, #tpu.memory_space<vmem>>, vector<1x448xf32>
      %add3A_27 = vector.broadcast %get3A_26 : vector<1x448xf32> to vector<2000x448xf32>
      %add3A_28 = arith.addf %dot_general3A_23, %add3A_27 : vector<2000x448xf32>
      %get3A_29 = arith.constant 0 : index
      %get3A_30 = arith.constant 0 : index
      %get3A_31 = vector.load %arg4[%get3A_29, %get3A_30] : memref<2000x1xf32, #tpu.memory_space<vmem>>, vector<2000x1xf32>
      %slice3A = vector.extract_strided_slice %add3A_28 {offsets = [0, 0], sizes = [2000, 64], strides = [1, 1]} : vector<2000x448xf32> to vector<2000x64xf32>
      %ge3A = arith.constant 1.000000e+00 : f32
      %ge3A_32 = vector.broadcast %ge3A : f32 to vector<2000x1xf32>
      %ge3A_33 = arith.cmpf oge, %get3A_31, %ge3A_32 : vector<2000x1xf32>
      %slice3A_34 = vector.extract_strided_slice %add3A_28 {offsets = [0, 64], sizes = [2000, 64], strides = [1, 1]} : vector<2000x448xf32> to vector<2000x64xf32>
      %broadcast_in_dim3A = vector.shape_cast %ge3A_33 : vector<2000x1xi1> to vector<2000x1xi1>
      %broadcast_in_dim3A_35 = vector.broadcast %broadcast_in_dim3A : vector<2000x1xi1> to vector<2000x64xi1>
      %select_n3A = arith.select %broadcast_in_dim3A_35, %slice3A_34, %slice3A : vector<2000x64xi1>, vector<2000x64xf32>
      %ge3A_36 = arith.constant 2.000000e+00 : f32
      %ge3A_37 = vector.broadcast %ge3A_36 : f32 to vector<2000x1xf32>
      %ge3A_38 = arith.cmpf oge, %get3A_31, %ge3A_37 : vector<2000x1xf32>
      %slice3A_39 = vector.extract_strided_slice %add3A_28 {offsets = [0, 128], sizes = [2000, 64], strides = [1, 1]} : vector<2000x448xf32> to vector<2000x64xf32>
      %broadcast_in_dim3A_40 = vector.shape_cast %ge3A_38 : vector<2000x1xi1> to vector<2000x1xi1>
      %broadcast_in_dim3A_41 = vector.broadcast %broadcast_in_dim3A_40 : vector<2000x1xi1> to vector<2000x64xi1>
      %select_n3A_42 = arith.select %broadcast_in_dim3A_41, %slice3A_39, %select_n3A : vector<2000x64xi1>, vector<2000x64xf32>
      %ge3A_43 = arith.constant 3.000000e+00 : f32
      %ge3A_44 = vector.broadcast %ge3A_43 : f32 to vector<2000x1xf32>
      %ge3A_45 = arith.cmpf oge, %get3A_31, %ge3A_44 : vector<2000x1xf32>
      %slice3A_46 = vector.extract_strided_slice %add3A_28 {offsets = [0, 192], sizes = [2000, 64], strides = [1, 1]} : vector<2000x448xf32> to vector<2000x64xf32>
      %broadcast_in_dim3A_47 = vector.shape_cast %ge3A_45 : vector<2000x1xi1> to vector<2000x1xi1>
      %broadcast_in_dim3A_48 = vector.broadcast %broadcast_in_dim3A_47 : vector<2000x1xi1> to vector<2000x64xi1>
      %select_n3A_49 = arith.select %broadcast_in_dim3A_48, %slice3A_46, %select_n3A_42 : vector<2000x64xi1>, vector<2000x64xf32>
      %ge3A_50 = arith.constant 4.000000e+00 : f32
      %ge3A_51 = vector.broadcast %ge3A_50 : f32 to vector<2000x1xf32>
      %ge3A_52 = arith.cmpf oge, %get3A_31, %ge3A_51 : vector<2000x1xf32>
      %slice3A_53 = vector.extract_strided_slice %add3A_28 {offsets = [0, 256], sizes = [2000, 64], strides = [1, 1]} : vector<2000x448xf32> to vector<2000x64xf32>
      %broadcast_in_dim3A_54 = vector.shape_cast %ge3A_52 : vector<2000x1xi1> to vector<2000x1xi1>
      %broadcast_in_dim3A_55 = vector.broadcast %broadcast_in_dim3A_54 : vector<2000x1xi1> to vector<2000x64xi1>
      %select_n3A_56 = arith.select %broadcast_in_dim3A_55, %slice3A_53, %select_n3A_49 : vector<2000x64xi1>, vector<2000x64xf32>
      %ge3A_57 = arith.constant 5.000000e+00 : f32
      %ge3A_58 = vector.broadcast %ge3A_57 : f32 to vector<2000x1xf32>
      %ge3A_59 = arith.cmpf oge, %get3A_31, %ge3A_58 : vector<2000x1xf32>
      %slice3A_60 = vector.extract_strided_slice %add3A_28 {offsets = [0, 320], sizes = [2000, 64], strides = [1, 1]} : vector<2000x448xf32> to vector<2000x64xf32>
      %broadcast_in_dim3A_61 = vector.shape_cast %ge3A_59 : vector<2000x1xi1> to vector<2000x1xi1>
      %broadcast_in_dim3A_62 = vector.broadcast %broadcast_in_dim3A_61 : vector<2000x1xi1> to vector<2000x64xi1>
      %select_n3A_63 = arith.select %broadcast_in_dim3A_62, %slice3A_60, %select_n3A_56 : vector<2000x64xi1>, vector<2000x64xf32>
      %ge3A_64 = arith.constant 6.000000e+00 : f32
      %ge3A_65 = vector.broadcast %ge3A_64 : f32 to vector<2000x1xf32>
      %ge3A_66 = arith.cmpf oge, %get3A_31, %ge3A_65 : vector<2000x1xf32>
      %slice3A_67 = vector.extract_strided_slice %add3A_28 {offsets = [0, 384], sizes = [2000, 64], strides = [1, 1]} : vector<2000x448xf32> to vector<2000x64xf32>
      %broadcast_in_dim3A_68 = vector.shape_cast %ge3A_66 : vector<2000x1xi1> to vector<2000x1xi1>
      %broadcast_in_dim3A_69 = vector.broadcast %broadcast_in_dim3A_68 : vector<2000x1xi1> to vector<2000x64xi1>
      %select_n3A_70 = arith.select %broadcast_in_dim3A_69, %slice3A_67, %select_n3A_63 : vector<2000x64xi1>, vector<2000x64xf32>
      %mul3A = arith.constant 2000 : i32
      %mul3A_71 = arith.muli %arg1, %mul3A : i32
      %swap3A = arith.index_cast %mul3A_71 : i32 to index
      %swap3A_72 = arith.constant 0 : index
      %swap3A_73 = vector.load %arg10[%swap3A, %swap3A_72] : memref<10000x64xf32, #tpu.memory_space<vmem>>, vector<2000x64xf32>
      tpu.vector_store %arg10[%swap3A, %swap3A_72], %select_n3A_70 {strides = array<i32>} : memref<10000x64xf32, #tpu.memory_space<vmem>>, vector<2000x64xf32>,
      %reduce_sum3A = arith.constant dense<0.000000e+00> : vector<64xf32>
      %reduce_sum3A_74 = vector.multi_reduction <add>, %select_n3A_70, %reduce_sum3A [0] : vector<2000x64xf32> to vector<64xf32>
      %broadcast_in_dim3A_75 = vector.shape_cast %reduce_sum3A_74 : vector<64xf32> to vector<1x64xf32>
      %mul3A_76 = arith.mulf %select_n3A_70, %select_n3A_70 : vector<2000x64xf32>
      %reduce_sum3A_77 = arith.constant dense<0.000000e+00> : vector<64xf32>
      %reduce_sum3A_78 = vector.multi_reduction <add>, %mul3A_76, %reduce_sum3A_77 [0] : vector<2000x64xf32> to vector<64xf32>
      %broadcast_in_dim3A_79 = vector.shape_cast %reduce_sum3A_78 : vector<64xf32> to vector<1x64xf32>
      %concatenate3A_80 = tpu.concatenate %broadcast_in_dim3A_75, %broadcast_in_dim3A_79 in 0 : vector<1x64xf32>, vector<1x64xf32> -> vector<2x64xf32>
      %eq3A_81 = arith.constant 0 : i32
      %eq3A_82 = arith.cmpi eq, %arg1, %eq3A_81 : i32
      %convert_element_type3A_83 = arith.extui %eq3A_82 : i1 to i32
      %cond3A_84 = arith.constant 0 : i32
      %cond3A_85 = arith.cmpi ne, %convert_element_type3A_83, %cond3A_84 : i32
      scf.if %cond3A_85 {
        %swap3A_90 = arith.constant 0 : index
        %swap3A_91 = arith.constant 0 : index
        %swap3A_92 = vector.load %arg11[%swap3A_90, %swap3A_91] : memref<2x64xf32, #tpu.memory_space<vmem>>, vector<2x64xf32>
        tpu.vector_store %arg11[%swap3A_90, %swap3A_91], %concatenate3A_80 {strides = array<i32>} : memref<2x64xf32, #tpu.memory_space<vmem>>, vector<2x64xf32>,
      } else {
      }
      %gt3A = arith.constant 0 : i32
      %gt3A_86 = arith.cmpi sgt, %arg1, %gt3A : i32
      %convert_element_type3A_87 = arith.extui %gt3A_86 : i1 to i32
      %cond3A_88 = arith.constant 0 : i32
      %cond3A_89 = arith.cmpi ne, %convert_element_type3A_87, %cond3A_88 : i32
      scf.if %cond3A_89 {
        %get3A_90 = arith.constant 0 : index
        %get3A_91 = arith.constant 0 : index
        %get3A_92 = vector.load %arg11[%get3A_90, %get3A_91] : memref<2x64xf32, #tpu.memory_space<vmem>>, vector<2x64xf32>
        %add3A_93 = arith.addf %get3A_92, %concatenate3A_80 : vector<2x64xf32>
        %swap3A_94 = arith.constant 0 : index
        %swap3A_95 = arith.constant 0 : index
        %swap3A_96 = vector.load %arg11[%swap3A_94, %swap3A_95] : memref<2x64xf32, #tpu.memory_space<vmem>>, vector<2x64xf32>
        tpu.vector_store %arg11[%swap3A_94, %swap3A_95], %add3A_93 {strides = array<i32>} : memref<2x64xf32, #tpu.memory_space<vmem>>, vector<2x64xf32>,
      } else {
      }
    } else {
    }
    %eq3A_2 = arith.constant 1 : i32
    %eq3A_3 = arith.cmpi eq, %arg0, %eq3A_2 : i32
    %convert_element_type3A_4 = arith.extui %eq3A_3 : i1 to i32
    %cond3A_5 = arith.constant 0 : i32
    %cond3A_6 = arith.cmpi ne, %convert_element_type3A_4, %cond3A_5 : i32
    scf.if %cond3A_6 {
      %get3A = arith.constant 0 : index
      %get3A_7 = arith.constant 0 : index
      %get3A_8 = vector.load %arg11[%get3A, %get3A_7] : memref<2x64xf32, #tpu.memory_space<vmem>>, vector<1x64xf32>
      %mul3A = arith.constant 9.99999974E-5 : f32
      %mul3A_9 = vector.broadcast %mul3A : f32 to vector<1x64xf32>
      %mul3A_10 = arith.mulf %get3A_8, %mul3A_9 : vector<1x64xf32>
      %get3A_11 = arith.constant 1 : index
      %get3A_12 = arith.constant 0 : index
      %get3A_13 = vector.load %arg11[%get3A_11, %get3A_12] : memref<2x64xf32, #tpu.memory_space<vmem>>, vector<1x64xf32>
      %mul3A_14 = arith.constant 9.99999974E-5 : f32
      %mul3A_15 = vector.broadcast %mul3A_14 : f32 to vector<1x64xf32>
      %mul3A_16 = arith.mulf %get3A_13, %mul3A_15 : vector<1x64xf32>
      %mul3A_17 = arith.mulf %mul3A_10, %mul3A_10 : vector<1x64xf32>
      %sub3A = arith.subf %mul3A_16, %mul3A_17 : vector<1x64xf32>
      %add3A = arith.constant 9.99999974E-6 : f32
      %add3A_18 = vector.broadcast %add3A : f32 to vector<1x64xf32>
      %add3A_19 = arith.addf %sub3A, %add3A_18 : vector<1x64xf32>
      %rsqrt3A = math.rsqrt %add3A_19 : vector<1x64xf32>
      %mul3A_20 = arith.constant 2000 : i32
      %mul3A_21 = arith.muli %arg1, %mul3A_20 : i32
      %get3A_22 = arith.index_cast %mul3A_21 : i32 to index
      %get3A_23 = arith.constant 0 : index
      %get3A_24 = vector.load %arg10[%get3A_22, %get3A_23] : memref<10000x64xf32, #tpu.memory_space<vmem>>, vector<2000x64xf32>
      %sub3A_25 = vector.broadcast %mul3A_10 : vector<1x64xf32> to vector<2000x64xf32>
      %sub3A_26 = arith.subf %get3A_24, %sub3A_25 : vector<2000x64xf32>
      %get3A_27 = arith.constant 0 : index
      %get3A_28 = arith.constant 0 : index
      %get3A_29 = vector.load %arg7[%get3A_27, %get3A_28] : memref<1x64xf32, #tpu.memory_space<vmem>>, vector<1x64xf32>
      %mul3A_30 = arith.mulf %rsqrt3A, %get3A_29 : vector<1x64xf32>
      %mul3A_31 = vector.broadcast %mul3A_30 : vector<1x64xf32> to vector<2000x64xf32>
      %mul3A_32 = arith.mulf %sub3A_26, %mul3A_31 : vector<2000x64xf32>
      %get3A_33 = arith.constant 0 : index
      %get3A_34 = arith.constant 0 : index
      %get3A_35 = vector.load %arg8[%get3A_33, %get3A_34] : memref<1x64xf32, #tpu.memory_space<vmem>>, vector<1x64xf32>
      %add3A_36 = vector.broadcast %get3A_35 : vector<1x64xf32> to vector<2000x64xf32>
      %add3A_37 = arith.addf %mul3A_32, %add3A_36 : vector<2000x64xf32>
      %ge3A = arith.constant 0.000000e+00 : f32
      %ge3A_38 = vector.broadcast %ge3A : f32 to vector<2000x64xf32>
      %ge3A_39 = arith.cmpf oge, %add3A_37, %ge3A_38 : vector<2000x64xf32>
      %mul3A_40 = arith.constant 0.00999999977 : f32
      %mul3A_41 = vector.broadcast %mul3A_40 : f32 to vector<2000x64xf32>
      %mul3A_42 = arith.mulf %mul3A_41, %add3A_37 : vector<2000x64xf32>
      %select_n3A = arith.select %ge3A_39, %add3A_37, %mul3A_42 : vector<2000x64xi1>, vector<2000x64xf32>
      %swap3A = arith.constant 0 : index
      %swap3A_43 = arith.constant 0 : index
      %swap3A_44 = vector.load %arg9[%swap3A, %swap3A_43] : memref<2000x64xf32, #tpu.memory_space<vmem>>, vector<2000x64xf32>
      tpu.vector_store %arg9[%swap3A, %swap3A_43], %select_n3A {strides = array<i32>} : memref<2000x64xf32, #tpu.memory_space<vmem>>, vector<2000x64xf32>,
    } else {
    }
    return
  }
  func.func @transform_0(%arg0: i32, %arg1: i32) -> (i32, i32, i32) {
    %sub3A = arith.constant 1 : i32
    %sub3A_0 = arith.subi %sub3A, %arg0 : i32
    %mul3A = arith.muli %arg1, %sub3A_0 : i32
    %c0_i32 = arith.constant 0 : i32
    %c0_i32_1 = arith.constant 0 : i32
    %c0_i32_2 = arith.constant 0 : i32
    return %c0_i32, %mul3A, %c0_i32_1 : i32, i32, i32
  }
  func.func @transform_1(%arg0: i32, %arg1: i32) -> (i32, i32) {
    %sub3A = arith.constant 1 : i32
    %sub3A_0 = arith.subi %sub3A, %arg0 : i32
    %mul3A = arith.muli %arg1, %sub3A_0 : i32
    %c0_i32 = arith.constant 0 : i32
    %c0_i32_1 = arith.constant 0 : i32
    return %mul3A, %c0_i32 : i32, i32
  }
  func.func @transform_2(%arg0: i32, %arg1: i32) -> (i32, i32) {
    %sub3A = arith.constant 1 : i32
    %sub3A_0 = arith.subi %sub3A, %arg0 : i32
    %mul3A = arith.muli %arg1, %sub3A_0 : i32
    %c0_i32 = arith.constant 0 : i32
    %c0_i32_1 = arith.constant 0 : i32
    return %mul3A, %c0_i32 : i32, i32
  }
  func.func @transform_3(%arg0: i32, %arg1: i32) -> (i32, i32) {
    %c0_i32 = arith.constant 0 : i32
    %c0_i32_0 = arith.constant 0 : i32
    %c0_i32_1 = arith.constant 0 : i32
    return %c0_i32, %c0_i32_0 : i32, i32
  }
  func.func @transform_4(%arg0: i32, %arg1: i32) -> (i32, i32) {
    %c0_i32 = arith.constant 0 : i32
    %c0_i32_0 = arith.constant 0 : i32
    %c0_i32_1 = arith.constant 0 : i32
    return %c0_i32, %c0_i32_0 : i32, i32
  }
  func.func @transform_5(%arg0: i32, %arg1: i32) -> (i32, i32) {
    %c0_i32 = arith.constant 0 : i32
    %c0_i32_0 = arith.constant 0 : i32
    %c0_i32_1 = arith.constant 0 : i32
    return %c0_i32, %c0_i32_0 : i32, i32
  }
  func.func @transform_6(%arg0: i32, %arg1: i32) -> (i32, i32) {
    %c0_i32 = arith.constant 0 : i32
    %c0_i32_0 = arith.constant 0 : i32
    %c0_i32_1 = arith.constant 0 : i32
    return %c0_i32, %c0_i32_0 : i32, i32
  }
  func.func @transform_7(%arg0: i32, %arg1: i32) -> (i32, i32) {
    %c0_i32 = arith.constant 0 : i32
    %c0_i32_0 = arith.constant 0 : i32
    return %arg1, %c0_i32 : i32, i32
  }
}

module attributes {stable_mosaic.version = 14 : i64} {
  func.func @body(%arg0: i32, %arg1: memref<2x2000x64xf32, #tpu.memory_space<vmem>>, %arg2: memref<2000x64xf32, #tpu.memory_space<vmem>>, %arg3: memref<2000x1xf32, #tpu.memory_space<vmem>>, %arg4: memref<128x448xbf16, #tpu.memory_space<vmem>>, %arg5: memref<1x448xf32, #tpu.memory_space<vmem>>, %arg6: memref<64x2xf32, #tpu.memory_space<vmem>>, %arg7: memref<1x2xf32, #tpu.memory_space<vmem>>, %arg8: memref<2000x2xf32, #tpu.memory_space<vmem>>) attributes {dimension_semantics = [#tpu.dimension_semantics<arbitrary>], iteration_bounds = array<i64: 5>, scalar_prefetch = 0 : i64, scratch_operands = 0 : i64, tpu.core_type = #tpu.core_type<tc>, window_params = [{transform_indices = @transform_0, window_bounds = array<i64: 2, 2000, 64>}, {transform_indices = @transform_1, window_bounds = array<i64: 2000, 64>}, {transform_indices = @transform_2, window_bounds = array<i64: 2000, 1>}, {pipeline_mode = #tpu.pipeline_mode<synchronous>, transform_indices = @transform_3, window_bounds = array<i64: 128, 448>}, {pipeline_mode = #tpu.pipeline_mode<synchronous>, transform_indices = @transform_4, window_bounds = array<i64: 1, 448>}, {pipeline_mode = #tpu.pipeline_mode<synchronous>, transform_indices = @transform_5, window_bounds = array<i64: 64, 2>}, {pipeline_mode = #tpu.pipeline_mode<synchronous>, transform_indices = @transform_6, window_bounds = array<i64: 1, 2>}, {transform_indices = @transform_7, window_bounds = array<i64: 2000, 2>}]} {
    %get3A = arith.constant 0 : index
    %get3A_0 = arith.constant 0 : index
    %get3A_1 = arith.constant 0 : index
    %get3A_2 = vector.load %arg1[%get3A, %get3A_0, %get3A_1] : memref<2x2000x64xf32, #tpu.memory_space<vmem>>, vector<1x2000x64xf32>
    %get3A_3 = vector.shape_cast %get3A_2 : vector<1x2000x64xf32> to vector<2000x64xf32>
    %get3A_4 = arith.constant 1 : index
    %get3A_5 = arith.constant 0 : index
    %get3A_6 = arith.constant 0 : index
    %get3A_7 = vector.load %arg1[%get3A_4, %get3A_5, %get3A_6] : memref<2x2000x64xf32, #tpu.memory_space<vmem>>, vector<1x2000x64xf32>
    %get3A_8 = vector.shape_cast %get3A_7 : vector<1x2000x64xf32> to vector<2000x64xf32>
    %add3A = arith.addf %get3A_3, %get3A_8 : vector<2000x64xf32>
    %get3A_9 = arith.constant 0 : index
    %get3A_10 = arith.constant 0 : index
    %get3A_11 = vector.load %arg2[%get3A_9, %get3A_10] : memref<2000x64xf32, #tpu.memory_space<vmem>>, vector<2000x64xf32>
    %concatenate3A = tpu.concatenate %add3A, %get3A_11 in 1 : vector<2000x64xf32>, vector<2000x64xf32> -> vector<2000x128xf32>
    %convert_element_type3A = arith.truncf %concatenate3A : vector<2000x128xf32> to vector<2000x128xbf16>
    %get3A_12 = arith.constant 0 : index
    %get3A_13 = arith.constant 0 : index
    %get3A_14 = vector.load %arg4[%get3A_12, %get3A_13] : memref<128x448xbf16, #tpu.memory_space<vmem>>, vector<128x448xbf16>
    %dot_general3A = arith.constant dense<0.000000e+00> : vector<2000x448xf32>
    %dot_general3A_15 = tpu.matmul %convert_element_type3A, %get3A_14, %dot_general3A {dimension_numbers = #tpu.dot_dimension_numbers<[1], [0], [0], [1], [0, 0, 1, 1], [], []>, transpose_lhs_hint = false} : vector<2000x128xbf16>, vector<128x448xbf16>, vector<2000x448xf32> -> vector<2000x448xf32>
    %get3A_16 = arith.constant 0 : index
    %get3A_17 = arith.constant 0 : index
    %get3A_18 = vector.load %arg5[%get3A_16, %get3A_17] : memref<1x448xf32, #tpu.memory_space<vmem>>, vector<1x448xf32>
    %add3A_19 = vector.broadcast %get3A_18 : vector<1x448xf32> to vector<2000x448xf32>
    %add3A_20 = arith.addf %dot_general3A_15, %add3A_19 : vector<2000x448xf32>
    %get3A_21 = arith.constant 0 : index
    %get3A_22 = arith.constant 0 : index
    %get3A_23 = vector.load %arg3[%get3A_21, %get3A_22] : memref<2000x1xf32, #tpu.memory_space<vmem>>, vector<2000x1xf32>
    %slice3A = vector.extract_strided_slice %add3A_20 {offsets = [0, 0], sizes = [2000, 64], strides = [1, 1]} : vector<2000x448xf32> to vector<2000x64xf32>
    %ge3A = arith.constant 1.000000e+00 : f32
    %ge3A_24 = vector.broadcast %ge3A : f32 to vector<2000x1xf32>
    %ge3A_25 = arith.cmpf oge, %get3A_23, %ge3A_24 : vector<2000x1xf32>
    %slice3A_26 = vector.extract_strided_slice %add3A_20 {offsets = [0, 64], sizes = [2000, 64], strides = [1, 1]} : vector<2000x448xf32> to vector<2000x64xf32>
    %broadcast_in_dim3A = vector.shape_cast %ge3A_25 : vector<2000x1xi1> to vector<2000x1xi1>
    %broadcast_in_dim3A_27 = vector.broadcast %broadcast_in_dim3A : vector<2000x1xi1> to vector<2000x64xi1>
    %select_n3A = arith.select %broadcast_in_dim3A_27, %slice3A_26, %slice3A : vector<2000x64xi1>, vector<2000x64xf32>
    %ge3A_28 = arith.constant 2.000000e+00 : f32
    %ge3A_29 = vector.broadcast %ge3A_28 : f32 to vector<2000x1xf32>
    %ge3A_30 = arith.cmpf oge, %get3A_23, %ge3A_29 : vector<2000x1xf32>
    %slice3A_31 = vector.extract_strided_slice %add3A_20 {offsets = [0, 128], sizes = [2000, 64], strides = [1, 1]} : vector<2000x448xf32> to vector<2000x64xf32>
    %broadcast_in_dim3A_32 = vector.shape_cast %ge3A_30 : vector<2000x1xi1> to vector<2000x1xi1>
    %broadcast_in_dim3A_33 = vector.broadcast %broadcast_in_dim3A_32 : vector<2000x1xi1> to vector<2000x64xi1>
    %select_n3A_34 = arith.select %broadcast_in_dim3A_33, %slice3A_31, %select_n3A : vector<2000x64xi1>, vector<2000x64xf32>
    %ge3A_35 = arith.constant 3.000000e+00 : f32
    %ge3A_36 = vector.broadcast %ge3A_35 : f32 to vector<2000x1xf32>
    %ge3A_37 = arith.cmpf oge, %get3A_23, %ge3A_36 : vector<2000x1xf32>
    %slice3A_38 = vector.extract_strided_slice %add3A_20 {offsets = [0, 192], sizes = [2000, 64], strides = [1, 1]} : vector<2000x448xf32> to vector<2000x64xf32>
    %broadcast_in_dim3A_39 = vector.shape_cast %ge3A_37 : vector<2000x1xi1> to vector<2000x1xi1>
    %broadcast_in_dim3A_40 = vector.broadcast %broadcast_in_dim3A_39 : vector<2000x1xi1> to vector<2000x64xi1>
    %select_n3A_41 = arith.select %broadcast_in_dim3A_40, %slice3A_38, %select_n3A_34 : vector<2000x64xi1>, vector<2000x64xf32>
    %ge3A_42 = arith.constant 4.000000e+00 : f32
    %ge3A_43 = vector.broadcast %ge3A_42 : f32 to vector<2000x1xf32>
    %ge3A_44 = arith.cmpf oge, %get3A_23, %ge3A_43 : vector<2000x1xf32>
    %slice3A_45 = vector.extract_strided_slice %add3A_20 {offsets = [0, 256], sizes = [2000, 64], strides = [1, 1]} : vector<2000x448xf32> to vector<2000x64xf32>
    %broadcast_in_dim3A_46 = vector.shape_cast %ge3A_44 : vector<2000x1xi1> to vector<2000x1xi1>
    %broadcast_in_dim3A_47 = vector.broadcast %broadcast_in_dim3A_46 : vector<2000x1xi1> to vector<2000x64xi1>
    %select_n3A_48 = arith.select %broadcast_in_dim3A_47, %slice3A_45, %select_n3A_41 : vector<2000x64xi1>, vector<2000x64xf32>
    %ge3A_49 = arith.constant 5.000000e+00 : f32
    %ge3A_50 = vector.broadcast %ge3A_49 : f32 to vector<2000x1xf32>
    %ge3A_51 = arith.cmpf oge, %get3A_23, %ge3A_50 : vector<2000x1xf32>
    %slice3A_52 = vector.extract_strided_slice %add3A_20 {offsets = [0, 320], sizes = [2000, 64], strides = [1, 1]} : vector<2000x448xf32> to vector<2000x64xf32>
    %broadcast_in_dim3A_53 = vector.shape_cast %ge3A_51 : vector<2000x1xi1> to vector<2000x1xi1>
    %broadcast_in_dim3A_54 = vector.broadcast %broadcast_in_dim3A_53 : vector<2000x1xi1> to vector<2000x64xi1>
    %select_n3A_55 = arith.select %broadcast_in_dim3A_54, %slice3A_52, %select_n3A_48 : vector<2000x64xi1>, vector<2000x64xf32>
    %ge3A_56 = arith.constant 6.000000e+00 : f32
    %ge3A_57 = vector.broadcast %ge3A_56 : f32 to vector<2000x1xf32>
    %ge3A_58 = arith.cmpf oge, %get3A_23, %ge3A_57 : vector<2000x1xf32>
    %slice3A_59 = vector.extract_strided_slice %add3A_20 {offsets = [0, 384], sizes = [2000, 64], strides = [1, 1]} : vector<2000x448xf32> to vector<2000x64xf32>
    %broadcast_in_dim3A_60 = vector.shape_cast %ge3A_58 : vector<2000x1xi1> to vector<2000x1xi1>
    %broadcast_in_dim3A_61 = vector.broadcast %broadcast_in_dim3A_60 : vector<2000x1xi1> to vector<2000x64xi1>
    %select_n3A_62 = arith.select %broadcast_in_dim3A_61, %slice3A_59, %select_n3A_55 : vector<2000x64xi1>, vector<2000x64xf32>
    %get3A_63 = arith.constant 0 : index
    %get3A_64 = arith.constant 0 : index
    %get3A_65 = vector.load %arg6[%get3A_63, %get3A_64] : memref<64x2xf32, #tpu.memory_space<vmem>>, vector<64x2xf32>
    %dot_general3A_66 = arith.constant dense<0.000000e+00> : vector<2000x2xf32>
    %dot_general3A_67 = tpu.matmul %select_n3A_62, %get3A_65, %dot_general3A_66 {dimension_numbers = #tpu.dot_dimension_numbers<[1], [0], [0], [1], [0, 0, 1, 1], [], []>, transpose_lhs_hint = false} : vector<2000x64xf32>, vector<64x2xf32>, vector<2000x2xf32> -> vector<2000x2xf32>
    %get3A_68 = arith.constant 0 : index
    %get3A_69 = arith.constant 0 : index
    %get3A_70 = vector.load %arg7[%get3A_68, %get3A_69] : memref<1x2xf32, #tpu.memory_space<vmem>>, vector<1x2xf32>
    %add3A_71 = vector.broadcast %get3A_70 : vector<1x2xf32> to vector<2000x2xf32>
    %add3A_72 = arith.addf %dot_general3A_67, %add3A_71 : vector<2000x2xf32>
    %swap3A = arith.constant 0 : index
    %swap3A_73 = arith.constant 0 : index
    %swap3A_74 = vector.load %arg8[%swap3A, %swap3A_73] : memref<2000x2xf32, #tpu.memory_space<vmem>>, vector<2000x2xf32>
    tpu.vector_store %arg8[%swap3A, %swap3A_73], %add3A_72 {strides = array<i32>} : memref<2000x2xf32, #tpu.memory_space<vmem>>, vector<2000x2xf32>,
    return
  }
  func.func @transform_0(%arg0: i32) -> (i32, i32, i32) {
    %c0_i32 = arith.constant 0 : i32
    %c0_i32_0 = arith.constant 0 : i32
    %c0_i32_1 = arith.constant 0 : i32
    return %c0_i32, %arg0, %c0_i32_0 : i32, i32, i32
  }
  func.func @transform_1(%arg0: i32) -> (i32, i32) {
    %c0_i32 = arith.constant 0 : i32
    %c0_i32_0 = arith.constant 0 : i32
    return %arg0, %c0_i32 : i32, i32
  }
  func.func @transform_2(%arg0: i32) -> (i32, i32) {
    %c0_i32 = arith.constant 0 : i32
    %c0_i32_0 = arith.constant 0 : i32
    return %arg0, %c0_i32 : i32, i32
  }
  func.func @transform_3(%arg0: i32) -> (i32, i32) {
    %c0_i32 = arith.constant 0 : i32
    %c0_i32_0 = arith.constant 0 : i32
    %c0_i32_1 = arith.constant 0 : i32
    return %c0_i32, %c0_i32_0 : i32, i32
  }
  func.func @transform_4(%arg0: i32) -> (i32, i32) {
    %c0_i32 = arith.constant 0 : i32
    %c0_i32_0 = arith.constant 0 : i32
    %c0_i32_1 = arith.constant 0 : i32
    return %c0_i32, %c0_i32_0 : i32, i32
  }
  func.func @transform_5(%arg0: i32) -> (i32, i32) {
    %c0_i32 = arith.constant 0 : i32
    %c0_i32_0 = arith.constant 0 : i32
    %c0_i32_1 = arith.constant 0 : i32
    return %c0_i32, %c0_i32_0 : i32, i32
  }
  func.func @transform_6(%arg0: i32) -> (i32, i32) {
    %c0_i32 = arith.constant 0 : i32
    %c0_i32_0 = arith.constant 0 : i32
    %c0_i32_1 = arith.constant 0 : i32
    return %c0_i32, %c0_i32_0 : i32, i32
  }
  func.func @transform_7(%arg0: i32) -> (i32, i32) {
    %c0_i32 = arith.constant 0 : i32
    %c0_i32_0 = arith.constant 0 : i32
    return %arg0, %c0_i32 : i32, i32
  }
}

</mosaic_0001>

<sc_bundles>
// kernel: kernel.6.cloned.1.call-start
scs
__scs_entry_jumppad:
0x0: {  	(pc) =	sbr.rel $0x88, $3  }
0x1: {  	(tag) =	ssettag $0x0;
	lr =	simm.s32 $0x1  }
0x2: {  	[smem:$0x3F95] =	sst lr;
	_ =	strace $0xD0000000  }
0x3: {  	_ = 	snop  }
0x4: {  	_ = 	snop  }
0x5: {  	_ = 	snop  }
0x6: {  	_ = 	snop  }
0x7: {  	_ = 	snop  }
__scs_overlays_trampoline_lowered:
0x8: {  	[smem:$0x3FA4] =	sst s0  }
0x9: {  	[smem:$0x3FA5] =	sst s1  }
0xa: {  	[smem:$0x3FA6] =	sst s2  }
0xb: {  	[smem:$0x3FA7] =	sst s3  }
0xc: {  	[smem:$0x3FA8] =	sst s4  }
0xd: {  	[smem:$0x3FA9] =	sst s5  }
0xe: {  	[smem:$0x3FAA] =	sst s6  }
0xf: {  	[smem:$0x3FAB] =	sst s7  }
0x10: {  	[smem:$0x3FAC] =	sst s8  }
0x11: {  	[smem:$0x3FAD] =	sst s9;
	s0 =	simm.s32 @!p0 $0x0  }
0x12: {  	s1 =	sld [smem:$0x3F93];
	s0 =	simm.s32 @p0 $0x1  }
0x13: {  	[smem:$0x3FAE] =	sst s0;
	s0 =	simm.s32 @!p1 $0x0  }
0x14: {  	s2 =	sld [smem:$0x3F92];
	s0 =	simm.s32 @p1 $0x1  }
0x15: {  	[smem:$0x3FAF] =	sst s0;
	s0 =	simm.s32 @!p2 $0x0  }
0x16: {  	s3 =	sld [smem:$0x3FDB];
	s0 =	simm.s32 @p2 $0x1  }
0x17: {  	s4 =	simm.s32 $0x1BF5;
	[smem:$0x3FB1] =	sst s0  }
0x18: {  	s0 =	sld [smem:$0x3F94];
	_ =	swait.ge [sflag:s4], $0x0  }
0x19: {  	s7 =	sld [smem:$0x3F95]  }
0x1a: {  	s8 =	sadd.s32 $0xFFFFE003, lr  }
0x1b: {  	s9 =	sadd.s32 $0xFFFFFEF7, lr;
	s5 =	simm.s32 $0xFFFFFFFF;
	p2 =	slt.u32 s8, $0xFFFFF086  }
0x1c: {  	p1 =	slt.u32 s9, $0xF7A;
	s5 =	simm.s32 @!p2 $0x0  }
0x1d: {  	s5 =	simm.s32 @p1 $0x1;
	p0 =	seq.s32 s7, s2  }
0x1e: {  	s7 =	smul.u32 @!p0 $0xF7A, s2;
	p2 =	seq.s32 @!p0 s5, $0x0  }
0x1f: {  	s9 =	smul.u32 $0xF7A, s1;
	s8 =	simm.s32 @!p0 $0x1BF5;
	p2 =	por !p2, p0  }
0x20: {  	[sflag:s8] =	ssyncset.s32 @!p0 $0xFFFFF086;
	s6 =	sadd.s32 @!p0 s3, s7;
	s7 =	simm.s32 @!p0 $0x108  }
0x21: {  	s3 =	sadd.s32 s3, s9;
	s6 =	sadd.s32 @!p0 $0x88, s6;
	s7 =	simm.s32 @p2 $0x1082  }
0x22: {  	[simem:s7], [sflag:s8] =	dma.local @!p0 [hbm:s6], $0xF7A  }
0x23: {  	s9 =	sor.u32 $0xD0000000, s2;
	s6 =	simm.s32 $0x108;
	_ =	swait.ge @!p0 [sflag:s8], $0x0  }
0x24: {  	s3 =	sadd.s32 $0x88, s3;
	s6 =	simm.s32 @!p1 $0x1082;
	[sflag:s4] =	ssyncset.s32 $0xFFFFF086  }
0x25: {  	[simem:s6], [sflag:s4] =	dma.local [hbm:s3], $0xF7A  }
0x26: {  	[smem:$0x3F95] =	sst s1;
	(tag) =	ssettag s2;
	_ =	strace s9  }
0x27: {  	s1 =	sld [smem:$0x3FA5]  }
0x28: {  	s2 =	sld [smem:$0x3FA6]  }
0x29: {  	s4 =	sld [smem:$0x3FA8]  }
0x2a: {  	p0 =	seq.s32 s5, $0x0;
	s5 =	sld [smem:$0x3FA9]  }
0x2b: {  	s6 =	sld [smem:$0x3FAA]  }
0x2c: {  	s7 =	sld [smem:$0x3FAB]  }
0x2d: {  	s3 =	simm.s32 $0x108;
	s8 =	sld [smem:$0x3FAC]  }
0x2e: {  	s3 =	simm.s32 @!p0 $0x1082;
	s9 =	sld [smem:$0x3FAD]  }
0x2f: {  	lr =	sadd.s32 s0, s3;
	s0 =	sld [smem:$0x3FA4]  }
0x30: {  	s3 =	sld [smem:$0x3FA7]  }
0x31: {  	[smem:$0x3FB0] =	sst s10  }
0x32: {  	s10 =	sld [smem:$0x3FAE];
	_ =	sdelay $0x3  }
0x33: {  	p0 =	seq.s32 s10, $0x1;
	s10 =	sld [smem:$0x3FB0];
	_ =	sdelay $0x3  }
0x34: {  	[smem:$0x3FB0] =	sst s10  }
0x35: {  	s10 =	sld [smem:$0x3FAF];
	_ =	sdelay $0x3  }
0x36: {  	p1 =	seq.s32 s10, $0x1;
	s10 =	sld [smem:$0x3FB0];
	_ =	sdelay $0x3  }
0x37: {  	[smem:$0x3FB0] =	sst s10  }
0x38: {  	s10 =	sld [smem:$0x3FB1]  }
0x39: {  	_ = 	snop;
	(pc) =	sbr.ind lr, $3  }
0x3a: {  	_ = 	snop  }
0x3b: {  	_ = 	snop  }
0x3c: {  	p2 =	seq.s32 s10, $0x1;
	s10 =	sld [smem:$0x3FB0]  }
0x3d: {  	_ =	shalt  }
0x3e: {  	_ =	shalt  }
0x3f: {  	_ =	shalt  }
0x40: {  	_ =	shalt  }
0x41: {  	_ =	shalt  }
0x42: {  	_ =	shalt  }
0x43: {  	_ =	shalt  }
0x44: {  	_ =	shalt  }
0x45: {  	_ =	shalt  }
0x46: {  	_ =	shalt  }
0x47: {  	_ =	shalt  }
0x48: {  	_ =	shalt  }
0x49: {  	_ =	shalt  }
0x4a: {  	_ =	shalt  }
0x4b: {  	_ =	shalt  }
0x4c: {  	_ =	shalt  }
0x4d: {  	_ =	shalt  }
0x4e: {  	_ =	shalt  }
0x4f: {  	_ =	shalt  }
0x50: {  	_ =	shalt  }
0x51: {  	_ =	shalt  }
0x52: {  	_ =	shalt  }
0x53: {  	_ =	shalt  }
0x54: {  	_ =	shalt  }
0x55: {  	_ =	shalt  }
0x56: {  	_ =	shalt  }
0x57: {  	_ =	shalt  }
0x58: {  	_ =	shalt  }
0x59: {  	_ =	shalt  }
0x5a: {  	_ =	shalt  }
0x5b: {  	_ =	shalt  }
0x5c: {  	_ =	shalt  }
0x5d: {  	_ =	shalt  }
0x5e: {  	_ =	shalt  }
0x5f: {  	_ =	shalt  }
0x60: {  	_ =	shalt  }
0x61: {  	_ =	shalt  }
0x62: {  	_ =	shalt  }
0x63: {  	_ =	shalt  }
0x64: {  	_ =	shalt  }
0x65: {  	_ =	shalt  }
0x66: {  	_ =	shalt  }
0x67: {  	_ =	shalt  }
0x68: {  	_ =	shalt  }
0x69: {  	_ =	shalt  }
0x6a: {  	_ =	shalt  }
0x6b: {  	_ =	shalt  }
0x6c: {  	_ =	shalt  }
0x6d: {  	_ =	shalt  }
0x6e: {  	_ =	shalt  }
0x6f: {  	_ =	shalt  }
0x70: {  	_ =	shalt  }
0x71: {  	_ =	shalt  }
0x72: {  	_ =	shalt  }
0x73: {  	_ =	shalt  }
0x74: {  	_ =	shalt  }
0x75: {  	_ =	shalt  }
0x76: {  	_ =	shalt  }
0x77: {  	_ =	shalt  }
0x78: {  	_ =	shalt  }
0x79: {  	_ =	shalt  }
0x7a: {  	_ =	shalt  }
0x7b: {  	_ =	shalt  }
0x7c: {  	_ =	shalt  }
0x7d: {  	_ =	shalt  }
0x7e: {  	_ =	shalt  }
0x7f: {  	_ =	shalt  }
0x80: {  	_ =	shalt  }
0x81: {  	_ =	shalt  }
0x82: {  	_ =	shalt  }
0x83: {  	_ =	shalt  }
0x84: {  	_ =	shalt  }
0x85: {  	_ =	shalt  }
0x86: {  	_ =	shalt  }
0x87: {  	_ =	shalt  }
.Lfunc_end0:
.L_simem_size_0:
called_computation_lowered:
.L_overlay_start_0:
0x88: {  	s2 =	sld [smem:$0x3FD9]  }
0x89: {  	s3 =	sld [smem:$0x3FFE];
	_ =	sdelay $0x1  }
0x8a: {  	s1 =	srdreg.scid  }
0x8b: {  	s0 =	sand.u32 $0x1, s1  }
0x8c: {  	s17 =	sshll.u32 s0, $0xA;
	s2 =	sadd.s32 s3, s2  }
0x8d: {  	s2 =	sadd.s32 s2, s17  }
0x8e: {  	[smem:$0x3FBC] =	sst s2  }
0x8f: {  	_ = 	snop  }
0x90: {  	s2 =	sld [smem:$0x3FC9]  }
0x91: {  	s18 =	sld [smem:$0x3FD0];
	(tm) =	ssettm $0x1  }
0x92: {  	s4 =	sld [smem:$0x3FFB];
	_ =	sdelay $0x3  }
0x93: {  	_ =	strace s4  }
0x94: {  	s4 =	sld [smem:$0x3FFC];
	_ =	sdelay $0x3  }
0x95: {  	_ =	strace s4  }
0x96: {  	s4 =	sld [smem:$0x3FFD];
	_ =	sdelay $0x3  }
0x97: {  	_ =	strace s4  }
0x98: {  	_ =	strace $0x8FFFFFFF  }
0x99: {  	s19 =	sld [smem:$0x3FDB];
	_ =	sdelay $0x1  }
0x9a: {  	s5 =	simm.s32 $_scs_section_size  }
0x9b: {  	s6 =	simm.s32 $_size__tile_overlayer_lowered;
	s7 =	simm.s32 $_tile_overlayer_lowered  }
0x9c: {  	s22 =	simm.s32 $0x1BFF;
	s21 =	sshll.u32 s7, $0x1;
	s4 =	sadd.s32 s5, s19  }
0x9d: {  	s8 =	simm.s32 $0x0;
	s20 =	sshll.u32 s6, $0x1;
	s6 =	sadd.s32 s21, s4  }
0x9e: {  	[timem:s8], [sflag:s22] =	dma.local [hbm:s6], s20  }
0x9f: {  	_ =	swait.ge [sflag:s22], s20  }
0xa0: {  	s5 =	ssub.s32 $0x0, s20;
	[sflag:s22] =	ssyncset.done $0x0  }
0xa1: {  	[sflag:s22] =	ssyncadd.s32 s5;
	_ =	sdelay $0x1  }
0xa2: {  	s23 =	simm.s32 $0x1B8B  }
0xa3: {  	_ =	swait.ge [sflag:s23], $0x1  }
0xa4: {  	[sflag:s23] =	ssyncset.done $0x0  }
0xa5: {  	s25 =	simm.s32 $0x1B8E;
	s24 =	sld [smem:$0x3FFE];
	[sflag:s23] =	ssyncadd.s32 $0xFFFFFFFF  }
0xa6: {  	s26 =	simm.s32 $execute0_lowered;
	[smem:$0x3FD2] =	sst s25  }
0xa7: {  	s6 =	sshll.u32 s26, $0x1;
	_ =	strace $0x80000046;
	[dreg:$0x1] =	wrdreg $0xFFFFFFFF  }
0xa8: {  	s28 =	simm.s32 $_size_execute0_lowered;
	s4 =	sadd.s32 s4, s6;
	[dreg:$0x0] =	wrdreg $0x0  }
0xa9: {  	s6 =	sshll.u32 s28, $0x1;
	[dreg:$0x2] =	wrdreg s4  }
0xaa: {  	[dreg:$0x3] =	wrdreg s6  }
0xab: {  	[dreg:$0x4] =	wrdreg $0xC0  }
0xac: {  	_ =	task [dreg:s8], $0x5FFFF  }
0xad: {  	[dreg:$0x1] =	wrdreg $0xFFFFFFFF  }
0xae: {  	[dreg:$0x0] =	wrdreg $0x60  }
0xaf: {  	[dreg:$0x2] =	wrdreg s2  }
0xb0: {  	[dreg:$0x3] =	wrdreg s24  }
0xb1: {  	[dreg:$0x4] =	wrdreg s18  }
0xb2: {  	[dreg:$0x5] =	wrdreg $0x87F00  }
0xb3: {  	[dreg:$0x6] =	wrdreg $0x1C7F00  }
0xb4: {  	[dreg:$0x7] =	wrdreg $0x9  }
0xb5: {  	_ =	task.clear_ibuf [dreg:s8], $0x8FFFF;
	_ =	strace $0x90000046  }
0xb6: {  	s29 =	simm.s32 $0x9;
	_ =	strace $0x80000048  }
0xb7: {  	_ =	swait.ge [sflag:s29], $0x1  }
0xb8: {  	[sflag:s29] =	ssyncadd.s32 $0xFFFFFFFF  }
0xb9: {  	_ =	strace $0x90000048  }
0xba: {  	_ =	sfence  }
0xbb: {  	s30 =	sld [smem:$0x0];
	_ =	sdelay $0x2  }
0xbc: {  	s31 =	sshll.u32 s1, $0xD;
	s1 =	sshrl.u32 s1, $0x2  }
0xbd: {  	s3 =	sand.u32 $0x4000, s31;
	s1 =	sadd.s32 s1, s30  }
0xbe: {  	s0 =	sor.u32 s3, s0;
	s1 =	sshll.u32 s1, $0x11  }
0xbf: {  	s0 =	sor.u32 s1, s0  }
0xc0: {  	s0 =	sadd.s32 $0x8F2B, s0  }
0xc1: {  	[sflag:s0] =	ssyncadd.remote.s32 $0x1  }
0xc2: {  	_ =	sfence.sel $0xFFFF  }
0xc3: {  	[dreg:$0x0] =	wrdreg $0xFFFFFFFF;
	(pc) =	sbr.abs _section_cstart, $3  }
0xc4: {  	[dreg:$0x1] =	wrdreg $0xFFFFFFFF  }
0xc5: {  	_ =	task.clear_ibuf [dreg:s8], $0x2FFFF;
	_ =	strace $0x9FFFFFFF  }
0xc6: {  	(tm) =	ssettm $0x7FFFFFFF  }
0xc7: {  	_ =	shalt  }
tec
execute0_lowered:
.L_overlay_start_1:
0x0: {  	(tag) =	ssettag $0x1  }
0x1: {  	s1 =	rddreg [dreg:$0x0]  }
0x2: {  	s0 =	rddreg [dreg:$0x1]  }
0x3: {  	s3 =	rddreg [dreg:$0x3]  }
0x4: {  	s4 =	rddreg [dreg:$0x4]  }
0x5: {  	s2 =	stileid.u32;
	s6 =	srdreg.scid  }
0x6: {  	s7 =	simm.s32 $0x0;
	s5 =	simm.s32 $0x0;
	s15 =	simm.s32 $0x8  }
0x7: {  	s18 =	simm.s32 $0x50;
	s19 =	simm.s32 $0xFA0;
	s20 =	simm.s32 $0x37A0  }
0x8: {  	s28 =	simm.s32 $0x5;
	s29 =	simm.s32 $0x3;
	s30 =	simm.s32 $0x6  }
0x9: {  	s31 =	simm.s32 $0xE60;
	s8 =	smul.u32 $0x14000, s2;
	[dreg:$0xd] =	wrdreg s5  }
0xa: {  	s9 =	sand.u32 $0x1, s6;
	[smem:$0x7FF] =	sst s7;
	s6 =	sadd.s32 $0xBE00, s0  }
0xb: {  	s7 =	sadd.s32 $0x2000, s0;
	s14 =	sshll.u32 s2, $0x1;
	s24 =	sshll.u32 s2, $0x6  }
0xc: {  	p0 =	sne.s32 s2, $0x0;
	s5 =	simm.s32 $0x7D0;
	s10 =	smul.u32 $0x140000, s9  }
0xd: {  	s2 =	simm.s32 $0xEB0;
	_ =	strace $0x80000047;
	s12 =	smul.u32 $0x500, s9  }
0xe: {  	s21 =	ssub.s32 $0x2, s9;
	s23 =	sor.u32 s9, s14;
	s14 =	sor.u32 $0x1C08, s24  }
0xf: {  	s24 =	simm.s32 $0x87A0;
	s11 =	sshrl.u32 s8, $0x3;
	s22 =	sshrl.u32 s21, $0x1  }
0x10: {  	[dreg:$0x7] =	wrdreg s14;
	s10 =	sadd.s32 s8, s10;
	s11 =	sadd.s32 s11, s0  }
0x11: {  	s8 =	sadd.s32 s8, s3;
	s10 =	sshrl.u32 s10, $0x3;
	s11 =	sadd.s32 $0x15C00, s11  }
0x12: {  	s16 =	sshrl.u32 s8, $0x3;
	s8 =	simm.s32 $0xF00;
	s13 =	sadd.s32 s10, s0  }
0x13: {  	s0 =	sadd.s32 s12, s0;
	s12 =	ssub.s32 s21, s22;
	[dreg:$0x6] =	wrdreg s11  }
0x14: {  	s10 =	smul.u32 $0x2710, s23;
	s21 =	simm.s32 $0xA0;
	s22 =	simm.s32 $0x5FA0  }
0x15: {  	s23 =	simm.s32 $0x1;
	[dreg:$0xb] =	wrdreg s16;
	s25 =	sadd.s32 $0x3E600, s13  }
0x16: {  	s11 =	simm.s32 $0xF50;
	s0 =	sadd.s32 $0x3DC00, s0;
	[dreg:$0x8] =	wrdreg s25  }
0x17: {  	s26 =	smax.u32 s12, $0x1;
	s13 =	sshrl.u32 @!p0 s4, $0x3;
	[dreg:$0x9] =	wrdreg s0  }
0x18: {  	s12 =	simm.s32 $0x7;
	[dreg:$0xa] =	wrdreg s26;
	s25 =	simm.s32 $0x4  }
0x19: {  	v0 =	vimm.f32 $1.000000000e+00;
	s26 =	simm.s32 $0x2;
	s0 =	simm.s32 $0x780;
	[dreg:$0xc] =	wrdreg s13  }
.LBB2_1:
0x1a: {  	s9 =	rddreg [dreg:$0x6]  }
0x1b: {  	[spmem:s16], [sflag:s14] =	dma.local [hbm:s9], $0x2800  }
0x1c: {  	_ =	swait.ge [sflag:s15], $0x2800  }
0x1d: {  	[sflag:s15] =	ssyncset.done $0x0  }
0x1e: {  	[sflag:s15] =	ssyncadd.s32 $0xFFFFD800  }
0x1f: {  	s9 =	rddreg [dreg:$0x2]  }
0x20: {  	[spmem:s13], [sflag:s14] =	dma.local @!p0 [hbm:s9], $0x500  }
0x21: {  	s13 =	simm.s32 @!p0 $0x8  }
0x22: {  	_ =	swait.ge @!p0 [sflag:s13], $0x500  }
0x23: {  	[sflag:s13] =	ssyncset.done @!p0 $0x0  }
0x24: {  	[sflag:s13] =	ssyncadd.s32 @!p0 $0xFFFFFB00  }
0x25: {  	[tilespmem:$0x87A0] =	vst v0  }
0x26: {  	[tilespmem:$0x87B0] =	vst v0  }
0x27: {  	[tilespmem:$0x87C0] =	vst v0  }
0x28: {  	[tilespmem:$0x87D0] =	vst v0  }
0x29: {  	[tilespmem:$0x87E0] =	vst v0  }
0x2a: {  	s13 =	simm.s32 $0x0;
	[bflag:$0x0] =	sbarrier.arrive $0xFFFF  }
.LBB2_2:
0x2b: {  	s14 =	smul.u32 $0x7D0, s13;
	_ =	sdelay $0x1  }
0x2c: {  	s14 =	sadd.s32 s10, s14  }
0x2d: {  	s14 =	sshrl.u32 s14, $0x3  }
0x2e: {  	s9 =	simm.s32 $0x0;
	s16 =	sadd.s32 s6, s14  }
0x2f: {  	[tilespmem:s9], [sflag:$0x8] =	stream.linear.gather [hbm4b:s16+s9], $0x7D0, $0x38;
	[tilespmem:$0x1CA70] =	vst v63  }
0x30: {  	_ =	swait.ge [sflag:s15], $0x7D0  }
0x31: {  	[sflag:s15] =	ssyncset.done $0x0  }
0x32: {  	s14 =	sadd.s32 s7, s14;
	[sflag:s15] =	ssyncadd.s32 $0xFFFFF830  }
0x33: {  	[tilespmem:s5], [sflag:$0x8] =	stream.linear.gather [hbm4b:s14+s9], $0x7D0, $0x38;
	[tilespmem:$0x1CA70] =	vst v63  }
0x34: {  	_ =	swait.ge [sflag:s15], $0x7D0  }
0x35: {  	[sflag:s15] =	ssyncset.done $0x0  }
0x36: {  	[sflag:s15] =	ssyncadd.s32 $0xFFFFF830  }
0x37: {  	[tilespmem:s19], [sflag:$0x1] =	stream.indirect.gather [hbm4b:s1+s18], $0x80, s9, s18, $0xb8;
	[tilespmem:$0x1CA70] =	vst v63  }
0x38: {  	_ = 	snop  }
0x39: {  	[tilespmem:s20], [sflag:$0x2] =	stream.indirect.gather [hbm4b:s1+s18], $0x80, s18, s18, $0xb8;
	[tilespmem:$0x1CA70] =	vst v63  }
0x3a: {  	_ = 	snop  }
0x3b: {  	[tilespmem:s22], [sflag:$0x3] =	stream.indirect.gather [hbm4b:s1+s18], $0x80, s21, s18, $0xb8;
	[tilespmem:$0x1CA70] =	vst v63  }
0x3c: {  	_ =	swait.ge [sflag:s23], $0x2800  }
0x3d: {  	[sflag:s23] =	ssyncset.done $0x0  }
0x3e: {  	s16 =	simm.s32 $0x7D0;
	[sflag:s23] =	ssyncadd.s32 $0xFFFFD800  }
0x3f: {  	[spmem:s3] =	stream.indirect.scatter.add.f32 [tilespmem:s19], [sflag:$0x4], $0x80, s16, s18, $0xb8;
	[tilespmem:$0x1CA70] =	vst v63  }
0x40: {  	_ = 	snop  }
0x41: {  	[spmem:s4] =	stream.indirect.scatter.add.f32 [tilespmem:s24], [sflag:$0x7], $0x1, s16, s18, $0xb8;
	[tilespmem:$0x1CA70] =	vst v63  }
0x42: {  	_ =	swait.ge [sflag:s25], $0x2800  }
0x43: {  	[sflag:s25] =	ssyncset.done $0x0  }
0x44: {  	s17 =	simm.s32 $0xF0;
	[sflag:s25] =	ssyncadd.s32 $0xFFFFD800  }
0x45: {  	[tilespmem:s19], [sflag:$0x1] =	stream.indirect.gather [hbm4b:s1+s18], $0x80, s17, s18, $0xb8;
	[tilespmem:$0x1CA70] =	vst v63  }
0x46: {  	_ =	swait.ge [sflag:s26], $0x2800  }
0x47: {  	[sflag:s26] =	ssyncset.done $0x0  }
0x48: {  	s14 =	simm.s32 $0x820;
	[sflag:s26] =	ssyncadd.s32 $0xFFFFD800  }
0x49: {  	[spmem:s3] =	stream.indirect.scatter.add.f32 [tilespmem:s20], [sflag:$0x5], $0x80, s14, s18, $0xb8;
	[tilespmem:$0x1CA70] =	vst v63  }
0x4a: {  	_ = 	snop  }
0x4b: {  	[spmem:s4] =	stream.indirect.scatter.add.f32 [tilespmem:s24], [sflag:$0x7], $0x1, s14, s18, $0xb8;
	[tilespmem:$0x1CA70] =	vst v63  }
0x4c: {  	_ =	swait.ge [sflag:s28], $0x2800  }
0x4d: {  	[sflag:s28] =	ssyncset.done $0x0  }
0x4e: {  	s16 =	simm.s32 $0x140;
	[sflag:s28] =	ssyncadd.s32 $0xFFFFD800  }
0x4f: {  	[tilespmem:s20], [sflag:$0x2] =	stream.indirect.gather [hbm4b:s1+s18], $0x80, s16, s18, $0xb8;
	[tilespmem:$0x1CA70] =	vst v63  }
0x50: {  	_ =	swait.ge [sflag:s29], $0x2800  }
0x51: {  	[sflag:s29] =	ssyncset.done $0x0  }
0x52: {  	s17 =	simm.s32 $0x870;
	[sflag:s29] =	ssyncadd.s32 $0xFFFFD800  }
0x53: {  	[spmem:s3] =	stream.indirect.scatter.add.f32 [tilespmem:s22], [sflag:$0x6], $0x80, s17, s18, $0xb8;
	[tilespmem:$0x1CA70] =	vst v63  }
0x54: {  	_ = 	snop  }
0x55: {  	[spmem:s4] =	stream.indirect.scatter.add.f32 [tilespmem:s24], [sflag:$0x7], $0x1, s17, s18, $0xb8;
	[tilespmem:$0x1CA70] =	vst v63  }
0x56: {  	_ =	swait.ge [sflag:s30], $0x2800  }
0x57: {  	[sflag:s30] =	ssyncset.done $0x0  }
0x58: {  	s14 =	simm.s32 $0x3C0;
	s16 =	simm.s32 $0x190;
	[sflag:s30] =	ssyncadd.s32 $0xFFFFD800  }
.LBB2_3:
0x59: {  	[tilespmem:s22], [sflag:$0x3] =	stream.indirect.gather [hbm4b:s1+s18], $0x80, s16, s18, $0xb8;
	[tilespmem:$0x1CA70] =	vst v63  }
0x5a: {  	s9 =	smov.u32 s14  }
0x5b: {  	p1 =	sne.s32 s14, $0x1680;
	s14 =	sadd.s32 $0x3C0, s14;
	_ =	swait.ge [sflag:s23], $0x2800  }
0x5c: {  	s9 =	sshra.s32 s9, $0x2;
	[sflag:s23] =	ssyncset.done $0x0  }
0x5d: {  	s16 =	sadd.s32 $0x7D0, s9;
	[sflag:s23] =	ssyncadd.s32 $0xFFFFD800  }
0x5e: {  	[spmem:s3] =	stream.indirect.scatter.add.f32 [tilespmem:s19], [sflag:$0x4], $0x80, s16, s18, $0xb8;
	[tilespmem:$0x1CA70] =	vst v63  }
0x5f: {  	_ = 	snop  }
0x60: {  	[spmem:s4] =	stream.indirect.scatter.add.f32 [tilespmem:s24], [sflag:$0x7], $0x1, s16, s18, $0xb8;
	[tilespmem:$0x1CA70] =	vst v63  }
0x61: {  	_ =	swait.ge [sflag:s25], $0x2800  }
0x62: {  	[sflag:s25] =	ssyncset.done $0x0  }
0x63: {  	s16 =	sadd.s32 $0xF0, s9;
	[sflag:s25] =	ssyncadd.s32 $0xFFFFD800  }
0x64: {  	[tilespmem:s19], [sflag:$0x1] =	stream.indirect.gather [hbm4b:s1+s18], $0x80, s16, s18, $0xb8;
	[tilespmem:$0x1CA70] =	vst v63  }
0x65: {  	_ =	swait.ge [sflag:s26], $0x2800  }
0x66: {  	[sflag:s26] =	ssyncset.done $0x0  }
0x67: {  	s16 =	sadd.s32 $0x820, s9;
	[sflag:s26] =	ssyncadd.s32 $0xFFFFD800  }
0x68: {  	[spmem:s3] =	stream.indirect.scatter.add.f32 [tilespmem:s20], [sflag:$0x5], $0x80, s16, s18, $0xb8;
	[tilespmem:$0x1CA70] =	vst v63  }
0x69: {  	_ = 	snop  }
0x6a: {  	[spmem:s4] =	stream.indirect.scatter.add.f32 [tilespmem:s24], [sflag:$0x7], $0x1, s16, s18, $0xb8;
	[tilespmem:$0x1CA70] =	vst v63  }
0x6b: {  	_ =	swait.ge [sflag:s28], $0x2800  }
0x6c: {  	[sflag:s28] =	ssyncset.done $0x0  }
0x6d: {  	s16 =	sadd.s32 $0x140, s9;
	[sflag:s28] =	ssyncadd.s32 $0xFFFFD800  }
0x6e: {  	[tilespmem:s20], [sflag:$0x2] =	stream.indirect.gather [hbm4b:s1+s18], $0x80, s16, s18, $0xb8;
	[tilespmem:$0x1CA70] =	vst v63  }
0x6f: {  	_ =	swait.ge [sflag:s29], $0x2800  }
0x70: {  	[sflag:s29] =	ssyncset.done $0x0  }
0x71: {  	s16 =	sadd.s32 $0x870, s9;
	[sflag:s29] =	ssyncadd.s32 $0xFFFFD800  }
0x72: {  	[spmem:s3] =	stream.indirect.scatter.add.f32 [tilespmem:s22], [sflag:$0x6], $0x80, s16, s18, $0xb8;
	[tilespmem:$0x1CA70] =	vst v63  }
.Ltmp0:
0x73: {  	(pc) =	sbr.rel @p1 .LBB2_3-.Ltmp0, $4  }
0x74: {  	[spmem:s4] =	stream.indirect.scatter.add.f32 [tilespmem:s24], [sflag:$0x7], $0x1, s16, s18, $0xb8;
	[tilespmem:$0x1CA70] =	vst v63  }
0x75: {  	_ =	swait.ge [sflag:s30], $0x2800  }
0x76: {  	[sflag:s30] =	ssyncset.done $0x0  }
0x77: {  	s16 =	sadd.s32 $0x190, s9;
	[sflag:s30] =	ssyncadd.s32 $0xFFFFD800  }
0x78: {  	[tilespmem:s22], [sflag:$0x3] =	stream.indirect.gather [hbm4b:s1+s18], $0x80, s16, s18, $0xb8;
	[tilespmem:$0x1CA70] =	vst v63  }
0x79: {  	_ =	swait.ge [sflag:s23], $0x2800  }
0x7a: {  	[sflag:s23] =	ssyncset.done $0x0  }
0x7b: {  	[sflag:s23] =	ssyncadd.s32 $0xFFFFD800  }
0x7c: {  	[spmem:s3] =	stream.indirect.scatter.add.f32 [tilespmem:s19], [sflag:$0x4], $0x80, s31, s18, $0xb8;
	[tilespmem:$0x1CA70] =	vst v63  }
0x7d: {  	_ = 	snop  }
0x7e: {  	[spmem:s4] =	stream.indirect.scatter.add.f32 [tilespmem:s24], [sflag:$0x7], $0x1, s31, s18, $0xb8;
	[tilespmem:$0x1CA70] =	vst v63  }
0x7f: {  	_ =	swait.ge [sflag:s25], $0x2800  }
0x80: {  	[sflag:s25] =	ssyncset.done $0x0  }
0x81: {  	[sflag:s25] =	ssyncadd.s32 $0xFFFFD800  }
0x82: {  	[tilespmem:s19], [sflag:$0x1] =	stream.indirect.gather [hbm4b:s1+s18], $0x80, s0, s18, $0xb8;
	[tilespmem:$0x1CA70] =	vst v63  }
0x83: {  	_ =	swait.ge [sflag:s26], $0x2800  }
0x84: {  	[sflag:s26] =	ssyncset.done $0x0  }
0x85: {  	[sflag:s26] =	ssyncadd.s32 $0xFFFFD800  }
0x86: {  	[spmem:s3] =	stream.indirect.scatter.add.f32 [tilespmem:s20], [sflag:$0x5], $0x80, s2, s18, $0xb8;
	[tilespmem:$0x1CA70] =	vst v63  }
0x87: {  	_ = 	snop  }
0x88: {  	[spmem:s4] =	stream.indirect.scatter.add.f32 [tilespmem:s24], [sflag:$0x7], $0x1, s2, s18, $0xb8;
	[tilespmem:$0x1CA70] =	vst v63  }
0x89: {  	_ =	swait.ge [sflag:s28], $0x2800  }
0x8a: {  	[sflag:s28] =	ssyncset.done $0x0  }
0x8b: {  	[sflag:s28] =	ssyncadd.s32 $0xFFFFD800  }
0x8c: {  	_ =	swait.ge [sflag:s29], $0x2800  }
0x8d: {  	[sflag:s29] =	ssyncset.done $0x0  }
0x8e: {  	[sflag:s29] =	ssyncadd.s32 $0xFFFFD800  }
0x8f: {  	[spmem:s3] =	stream.indirect.scatter.add.f32 [tilespmem:s22], [sflag:$0x6], $0x80, s8, s18, $0xb8;
	[tilespmem:$0x1CA70] =	vst v63  }
0x90: {  	_ = 	snop  }
0x91: {  	[spmem:s4] =	stream.indirect.scatter.add.f32 [tilespmem:s24], [sflag:$0x7], $0x1, s8, s18, $0xb8;
	[tilespmem:$0x1CA70] =	vst v63  }
0x92: {  	_ =	swait.ge [sflag:s30], $0x2800  }
0x93: {  	[sflag:s30] =	ssyncset.done $0x0  }
0x94: {  	[sflag:s30] =	ssyncadd.s32 $0xFFFFD800  }
0x95: {  	_ =	swait.ge [sflag:s23], $0x2800  }
0x96: {  	[sflag:s23] =	ssyncset.done $0x0  }
0x97: {  	[sflag:s23] =	ssyncadd.s32 $0xFFFFD800  }
0x98: {  	[spmem:s3] =	stream.indirect.scatter.add.f32 [tilespmem:s19], [sflag:$0x4], $0x80, s11, s18, $0xb8;
	[tilespmem:$0x1CA70] =	vst v63  }
0x99: {  	_ = 	snop  }
0x9a: {  	[spmem:s4] =	stream.indirect.scatter.add.f32 [tilespmem:s24], [sflag:$0x7], $0x1, s11, s18, $0xb8;
	[tilespmem:$0x1CA70] =	vst v63  }
0x9b: {  	_ =	swait.ge [sflag:s25], $0x2800  }
0x9c: {  	[sflag:s25] =	ssyncset.done $0x0  }
0x9d: {  	[sflag:s25] =	ssyncadd.s32 $0xFFFFD800  }
0x9e: {  	_ =	swait.ge [sflag:s12], $0x50  }
0x9f: {  	[sflag:s12] =	ssyncset.done $0x0  }
0xa0: {  	[sflag:s12] =	ssyncadd.s32 $0xFFFFFFB0  }
0xa1: {  	_ =	swait.ge [sflag:s12], $0x50  }
0xa2: {  	[sflag:s12] =	ssyncset.done $0x0  }
0xa3: {  	[sflag:s12] =	ssyncadd.s32 $0xFFFFFFB0  }
0xa4: {  	_ =	swait.ge [sflag:s12], $0x50  }
0xa5: {  	[sflag:s12] =	ssyncset.done $0x0  }
0xa6: {  	[sflag:s12] =	ssyncadd.s32 $0xFFFFFFB0  }
0xa7: {  	_ =	swait.ge [sflag:s12], $0x50  }
0xa8: {  	[sflag:s12] =	ssyncset.done $0x0  }
0xa9: {  	[sflag:s12] =	ssyncadd.s32 $0xFFFFFFB0  }
0xaa: {  	_ =	swait.ge [sflag:s12], $0x50  }
0xab: {  	[sflag:s12] =	ssyncset.done $0x0  }
0xac: {  	[sflag:s12] =	ssyncadd.s32 $0xFFFFFFB0  }
0xad: {  	_ =	swait.ge [sflag:s12], $0x50  }
0xae: {  	[sflag:s12] =	ssyncset.done $0x0  }
0xaf: {  	[sflag:s12] =	ssyncadd.s32 $0xFFFFFFB0  }
0xb0: {  	_ =	swait.ge [sflag:s12], $0x50  }
0xb1: {  	[sflag:s12] =	ssyncset.done $0x0  }
0xb2: {  	[sflag:s12] =	ssyncadd.s32 $0xFFFFFFB0  }
0xb3: {  	_ =	swait.ge [sflag:s12], $0x50  }
0xb4: {  	[sflag:s12] =	ssyncset.done $0x0  }
0xb5: {  	[sflag:s12] =	ssyncadd.s32 $0xFFFFFFB0  }
0xb6: {  	_ =	swait.ge [sflag:s12], $0x50  }
0xb7: {  	[sflag:s12] =	ssyncset.done $0x0  }
0xb8: {  	[sflag:s12] =	ssyncadd.s32 $0xFFFFFFB0  }
0xb9: {  	_ =	swait.ge [sflag:s12], $0x50  }
0xba: {  	[sflag:s12] =	ssyncset.done $0x0  }
0xbb: {  	[sflag:s12] =	ssyncadd.s32 $0xFFFFFFB0  }
0xbc: {  	_ =	swait.ge [sflag:s12], $0x50  }
0xbd: {  	[sflag:s12] =	ssyncset.done $0x0  }
0xbe: {  	[sflag:s12] =	ssyncadd.s32 $0xFFFFFFB0  }
0xbf: {  	_ =	swait.ge [sflag:s12], $0x50  }
0xc0: {  	[sflag:s12] =	ssyncset.done $0x0  }
0xc1: {  	[sflag:s12] =	ssyncadd.s32 $0xFFFFFFB0  }
0xc2: {  	_ =	swait.ge [sflag:s12], $0x50  }
0xc3: {  	[sflag:s12] =	ssyncset.done $0x0  }
0xc4: {  	[sflag:s12] =	ssyncadd.s32 $0xFFFFFFB0  }
0xc5: {  	_ =	swait.ge [sflag:s12], $0x50  }
0xc6: {  	[sflag:s12] =	ssyncset.done $0x0  }
0xc7: {  	[sflag:s12] =	ssyncadd.s32 $0xFFFFFFB0  }
0xc8: {  	_ =	swait.ge [sflag:s12], $0x50  }
0xc9: {  	[sflag:s12] =	ssyncset.done $0x0  }
0xca: {  	[sflag:s12] =	ssyncadd.s32 $0xFFFFFFB0  }
0xcb: {  	_ =	swait.ge [sflag:s12], $0x50  }
0xcc: {  	[sflag:s12] =	ssyncset.done $0x0  }
0xcd: {  	[sflag:s12] =	ssyncadd.s32 $0xFFFFFFB0  }
0xce: {  	_ =	swait.ge [sflag:s12], $0x50  }
0xcf: {  	[sflag:s12] =	ssyncset.done $0x0  }
0xd0: {  	[sflag:s12] =	ssyncadd.s32 $0xFFFFFFB0  }
0xd1: {  	_ =	swait.ge [sflag:s12], $0x50  }
0xd2: {  	[sflag:s12] =	ssyncset.done $0x0  }
0xd3: {  	[sflag:s12] =	ssyncadd.s32 $0xFFFFFFB0  }
0xd4: {  	_ =	swait.ge [sflag:s12], $0x50  }
0xd5: {  	[sflag:s12] =	ssyncset.done $0x0  }
0xd6: {  	[sflag:s12] =	ssyncadd.s32 $0xFFFFFFB0  }
0xd7: {  	_ =	swait.ge [sflag:s12], $0x50  }
0xd8: {  	[sflag:s12] =	ssyncset.done $0x0  }
0xd9: {  	[sflag:s12] =	ssyncadd.s32 $0xFFFFFFB0  }
0xda: {  	_ =	swait.ge [sflag:s12], $0x50  }
0xdb: {  	[sflag:s12] =	ssyncset.done $0x0  }
0xdc: {  	[sflag:s12] =	ssyncadd.s32 $0xFFFFFFB0  }
0xdd: {  	_ =	swait.ge [sflag:s12], $0x50  }
0xde: {  	[sflag:s12] =	ssyncset.done $0x0  }
0xdf: {  	[sflag:s12] =	ssyncadd.s32 $0xFFFFFFB0  }
0xe0: {  	_ =	swait.ge [sflag:s12], $0x50  }
0xe1: {  	[sflag:s12] =	ssyncset.done $0x0  }
0xe2: {  	s13 =	sadd.s32 $0x1, s13;
	[sflag:s12] =	ssyncadd.s32 $0xFFFFFFB0  }
0xe3: {  	p1 =	sne.s32 s13, $0x5;
	_ =	swait.ge [sflag:s12], $0x50  }
.Ltmp1:
0xe4: {  	[sflag:s12] =	ssyncset.done $0x0;
	(pc) =	sbr.rel @p1 .LBB2_2-.Ltmp1, $4  }
0xe5: {  	[sflag:s12] =	ssyncadd.s32 $0xFFFFFFB0  }
0xe6: {  	_ =	swait.ge [sflag:s12], $0x50  }
0xe7: {  	[sflag:s12] =	ssyncset.done $0x0  }
0xe8: {  	[sflag:s12] =	ssyncadd.s32 $0xFFFFFFB0  }
0xe9: {  	[bflag:$0x0] =	sbarrier.arrive $0xFFFF  }
0xea: {  	s14 =	rddreg [dreg:$0x7]  }
0xeb: {  	s9 =	rddreg [dreg:$0x8]  }
0xec: {  	s16 =	rddreg [dreg:$0xb]  }
0xed: {  	[hbm:s9], [sflag:s14] =	dma.local [spmem:s16], $0x2800  }
0xee: {  	_ =	swait.ge [sflag:s15], $0x2800  }
0xef: {  	[sflag:s15] =	ssyncset.done $0x0;
	s9 =	rddreg [dreg:$0x9]  }
0xf0: {  	s5 =	rddreg [dreg:$0xc];
	[sflag:s15] =	ssyncadd.s32 $0xFFFFD800  }
0xf1: {  	[hbm:s9], [sflag:s14] =	dma.local @!p0 [spmem:s5], $0x500  }
0xf2: {  	s9 =	simm.s32 @!p0 $0x8  }
0xf3: {  	_ =	swait.ge @!p0 [sflag:s9], $0x500  }
0xf4: {  	s17 =	rddreg [dreg:$0xd]  }
0xf5: {  	s13 =	rddreg [dreg:$0xa];
	s17 =	sadd.s32 $0x1, s17  }
0xf6: {  	p1 =	sne.s32 s17, s13  }
.Ltmp2:
0xf7: {  	_ = 	snop;
	(pc) =	sbr.rel @p1 .LBB2_1-.Ltmp2, $4  }
0xf8: {  	_ = 	snop  }
0xf9: {  	[sflag:s9] =	ssyncset.done @!p0 $0x0  }
0xfa: {  	[sflag:s9] =	ssyncadd.s32 @!p0 $0xFFFFFB00  }
0xfb: {  	[dreg:$0xd] =	wrdreg s17;
	s13 =	smov.u32 s5;
	s5 =	simm.s32 $0x7D0  }
0xfc: {  	_ =	sfence.sel $0x180000  }
0xfd: {  	[bflag:$0x0] =	sbarrier.arrive $0xFFFF  }
0xfe: {  	_ =	strace $0x90000047  }
0xff: {  	[bflag:$0x2] =	sbarrier.arrive $0xFFFF  }
0x100: {  	s0 =	rddreg [dreg:$0x5]  }
0x101: {  	s0 =	sadd.s32 @!p0 $0x100000, s0  }
0x102: {  	[sflag:s0] =	ssyncadd.tile.s32 @!p0 $0x1;
	_ =	shalt  }
.Lfunc_end2:
_tile_overlayer_lowered:
.L_overlay_start_2:
0x103: {  	(tag) =	ssettag $0x2  }
0x104: {  	s0 =	rddreg [dreg:$0x0];
	s2 =	stileid.u32  }
0x105: {  	s1 =	rddreg [dreg:$0x1];
	p0 =	sne.s32 s2, $0x0  }
0x106: {  	s3 =	rddreg [dreg:$0x2];
	[bflag:$0x3] =	sbarrier.arrive $0xFFFF;
	s2 =	simm.s32 @!p0 $0x1C08  }
0x107: {  	[timem:s3], [sflag:s2] =	dma.local @!p0 [hbm:s0], s1  }
0x108: {  	s0 =	simm.s32 @!p0 $0x8  }
0x109: {  	_ =	swait.ge @!p0 [sflag:s0], s1  }
0x10a: {  	s1 =	ssub.s32 @!p0 $0x0, s1;
	[sflag:s0] =	ssyncset.done @!p0 $0x0  }
0x10b: {  	[sflag:s0] =	ssyncadd.s32 @!p0 s1  }
0x10c: {  	[bflag:$0x3] =	sbarrier.arrive $0xFFFF  }
0x10d: {  	_ =	shalt  }

// kernel: kernel.9.cloned.1.call-start
scs
__scs_entry_jumppad:
0x0: {  	(pc) =	sbr.rel $0x88, $3  }
0x1: {  	(tag) =	ssettag $0x0;
	lr =	simm.s32 $0x1  }
0x2: {  	[smem:$0x3F95] =	sst lr;
	_ =	strace $0xD0000000  }
0x3: {  	_ = 	snop  }
0x4: {  	_ = 	snop  }
0x5: {  	_ = 	snop  }
0x6: {  	_ = 	snop  }
0x7: {  	_ = 	snop  }
__scs_overlays_trampoline_lowered:
0x8: {  	[smem:$0x3FA4] =	sst s0  }
0x9: {  	[smem:$0x3FA5] =	sst s1  }
0xa: {  	[smem:$0x3FA6] =	sst s2  }
0xb: {  	[smem:$0x3FA7] =	sst s3  }
0xc: {  	[smem:$0x3FA8] =	sst s4  }
0xd: {  	[smem:$0x3FA9] =	sst s5  }
0xe: {  	[smem:$0x3FAA] =	sst s6  }
0xf: {  	[smem:$0x3FAB] =	sst s7  }
0x10: {  	[smem:$0x3FAC] =	sst s8  }
0x11: {  	[smem:$0x3FAD] =	sst s9;
	s0 =	simm.s32 @!p0 $0x0  }
0x12: {  	s1 =	sld [smem:$0x3F93];
	s0 =	simm.s32 @p0 $0x1  }
0x13: {  	[smem:$0x3FAE] =	sst s0;
	s0 =	simm.s32 @!p1 $0x0  }
0x14: {  	s2 =	sld [smem:$0x3F92];
	s0 =	simm.s32 @p1 $0x1  }
0x15: {  	[smem:$0x3FAF] =	sst s0;
	s0 =	simm.s32 @!p2 $0x0  }
0x16: {  	s3 =	sld [smem:$0x3FDB];
	s0 =	simm.s32 @p2 $0x1  }
0x17: {  	s4 =	simm.s32 $0x1BF5;
	[smem:$0x3FB1] =	sst s0  }
0x18: {  	s0 =	sld [smem:$0x3F94];
	_ =	swait.ge [sflag:s4], $0x0  }
0x19: {  	s7 =	sld [smem:$0x3F95]  }
0x1a: {  	s8 =	sadd.s32 $0xFFFFE003, lr  }
0x1b: {  	s9 =	sadd.s32 $0xFFFFFEF7, lr;
	s5 =	simm.s32 $0xFFFFFFFF;
	p2 =	slt.u32 s8, $0xFFFFF086  }
0x1c: {  	p1 =	slt.u32 s9, $0xF7A;
	s5 =	simm.s32 @!p2 $0x0  }
0x1d: {  	s5 =	simm.s32 @p1 $0x1;
	p0 =	seq.s32 s7, s2  }
0x1e: {  	s7 =	smul.u32 @!p0 $0xF7A, s2;
	p2 =	seq.s32 @!p0 s5, $0x0  }
0x1f: {  	s9 =	smul.u32 $0xF7A, s1;
	s8 =	simm.s32 @!p0 $0x1BF5;
	p2 =	por !p2, p0  }
0x20: {  	[sflag:s8] =	ssyncset.s32 @!p0 $0xFFFFF086;
	s6 =	sadd.s32 @!p0 s3, s7;
	s7 =	simm.s32 @!p0 $0x108  }
0x21: {  	s3 =	sadd.s32 s3, s9;
	s6 =	sadd.s32 @!p0 $0x88, s6;
	s7 =	simm.s32 @p2 $0x1082  }
0x22: {  	[simem:s7], [sflag:s8] =	dma.local @!p0 [hbm:s6], $0xF7A  }
0x23: {  	s9 =	sor.u32 $0xD0000000, s2;
	s6 =	simm.s32 $0x108;
	_ =	swait.ge @!p0 [sflag:s8], $0x0  }
0x24: {  	s3 =	sadd.s32 $0x88, s3;
	s6 =	simm.s32 @!p1 $0x1082;
	[sflag:s4] =	ssyncset.s32 $0xFFFFF086  }
0x25: {  	[simem:s6], [sflag:s4] =	dma.local [hbm:s3], $0xF7A  }
0x26: {  	[smem:$0x3F95] =	sst s1;
	(tag) =	ssettag s2;
	_ =	strace s9  }
0x27: {  	s1 =	sld [smem:$0x3FA5]  }
0x28: {  	s2 =	sld [smem:$0x3FA6]  }
0x29: {  	s4 =	sld [smem:$0x3FA8]  }
0x2a: {  	p0 =	seq.s32 s5, $0x0;
	s5 =	sld [smem:$0x3FA9]  }
0x2b: {  	s6 =	sld [smem:$0x3FAA]  }
0x2c: {  	s7 =	sld [smem:$0x3FAB]  }
0x2d: {  	s3 =	simm.s32 $0x108;
	s8 =	sld [smem:$0x3FAC]  }
0x2e: {  	s3 =	simm.s32 @!p0 $0x1082;
	s9 =	sld [smem:$0x3FAD]  }
0x2f: {  	lr =	sadd.s32 s0, s3;
	s0 =	sld [smem:$0x3FA4]  }
0x30: {  	s3 =	sld [smem:$0x3FA7]  }
0x31: {  	[smem:$0x3FB0] =	sst s10  }
0x32: {  	s10 =	sld [smem:$0x3FAE];
	_ =	sdelay $0x3  }
0x33: {  	p0 =	seq.s32 s10, $0x1;
	s10 =	sld [smem:$0x3FB0];
	_ =	sdelay $0x3  }
0x34: {  	[smem:$0x3FB0] =	sst s10  }
0x35: {  	s10 =	sld [smem:$0x3FAF];
	_ =	sdelay $0x3  }
0x36: {  	p1 =	seq.s32 s10, $0x1;
	s10 =	sld [smem:$0x3FB0];
	_ =	sdelay $0x3  }
0x37: {  	[smem:$0x3FB0] =	sst s10  }
0x38: {  	s10 =	sld [smem:$0x3FB1]  }
0x39: {  	_ = 	snop;
	(pc) =	sbr.ind lr, $3  }
0x3a: {  	_ = 	snop  }
0x3b: {  	_ = 	snop  }
0x3c: {  	p2 =	seq.s32 s10, $0x1;
	s10 =	sld [smem:$0x3FB0]  }
0x3d: {  	_ =	shalt  }
0x3e: {  	_ =	shalt  }
0x3f: {  	_ =	shalt  }
0x40: {  	_ =	shalt  }
0x41: {  	_ =	shalt  }
0x42: {  	_ =	shalt  }
0x43: {  	_ =	shalt  }
0x44: {  	_ =	shalt  }
0x45: {  	_ =	shalt  }
0x46: {  	_ =	shalt  }
0x47: {  	_ =	shalt  }
0x48: {  	_ =	shalt  }
0x49: {  	_ =	shalt  }
0x4a: {  	_ =	shalt  }
0x4b: {  	_ =	shalt  }
0x4c: {  	_ =	shalt  }
0x4d: {  	_ =	shalt  }
0x4e: {  	_ =	shalt  }
0x4f: {  	_ =	shalt  }
0x50: {  	_ =	shalt  }
0x51: {  	_ =	shalt  }
0x52: {  	_ =	shalt  }
0x53: {  	_ =	shalt  }
0x54: {  	_ =	shalt  }
0x55: {  	_ =	shalt  }
0x56: {  	_ =	shalt  }
0x57: {  	_ =	shalt  }
0x58: {  	_ =	shalt  }
0x59: {  	_ =	shalt  }
0x5a: {  	_ =	shalt  }
0x5b: {  	_ =	shalt  }
0x5c: {  	_ =	shalt  }
0x5d: {  	_ =	shalt  }
0x5e: {  	_ =	shalt  }
0x5f: {  	_ =	shalt  }
0x60: {  	_ =	shalt  }
0x61: {  	_ =	shalt  }
0x62: {  	_ =	shalt  }
0x63: {  	_ =	shalt  }
0x64: {  	_ =	shalt  }
0x65: {  	_ =	shalt  }
0x66: {  	_ =	shalt  }
0x67: {  	_ =	shalt  }
0x68: {  	_ =	shalt  }
0x69: {  	_ =	shalt  }
0x6a: {  	_ =	shalt  }
0x6b: {  	_ =	shalt  }
0x6c: {  	_ =	shalt  }
0x6d: {  	_ =	shalt  }
0x6e: {  	_ =	shalt  }
0x6f: {  	_ =	shalt  }
0x70: {  	_ =	shalt  }
0x71: {  	_ =	shalt  }
0x72: {  	_ =	shalt  }
0x73: {  	_ =	shalt  }
0x74: {  	_ =	shalt  }
0x75: {  	_ =	shalt  }
0x76: {  	_ =	shalt  }
0x77: {  	_ =	shalt  }
0x78: {  	_ =	shalt  }
0x79: {  	_ =	shalt  }
0x7a: {  	_ =	shalt  }
0x7b: {  	_ =	shalt  }
0x7c: {  	_ =	shalt  }
0x7d: {  	_ =	shalt  }
0x7e: {  	_ =	shalt  }
0x7f: {  	_ =	shalt  }
0x80: {  	_ =	shalt  }
0x81: {  	_ =	shalt  }
0x82: {  	_ =	shalt  }
0x83: {  	_ =	shalt  }
0x84: {  	_ =	shalt  }
0x85: {  	_ =	shalt  }
0x86: {  	_ =	shalt  }
0x87: {  	_ =	shalt  }
.Lfunc_end0:
.L_simem_size_0:
called_computation.1_lowered:
.L_overlay_start_0:
0x88: {  	s2 =	sld [smem:$0x3FD9]  }
0x89: {  	s3 =	sld [smem:$0x3FFE];
	_ =	sdelay $0x1  }
0x8a: {  	s1 =	srdreg.scid  }
0x8b: {  	s0 =	sand.u32 $0x1, s1  }
0x8c: {  	s17 =	sshll.u32 s0, $0xA;
	s2 =	sadd.s32 s3, s2  }
0x8d: {  	s2 =	sadd.s32 s2, s17  }
0x8e: {  	[smem:$0x3FBC] =	sst s2  }
0x8f: {  	_ = 	snop  }
0x90: {  	s2 =	sld [smem:$0x3FD0];
	(tm) =	ssettm $0x1  }
0x91: {  	s18 =	sld [smem:$0x3FFB];
	_ =	sdelay $0x3  }
0x92: {  	_ =	strace s18  }
0x93: {  	s3 =	sld [smem:$0x3FFC];
	_ =	sdelay $0x3  }
0x94: {  	_ =	strace s3  }
0x95: {  	s3 =	sld [smem:$0x3FFD];
	_ =	sdelay $0x3  }
0x96: {  	_ =	strace s3  }
0x97: {  	_ =	strace $0x8FFFFFFF  }
0x98: {  	s19 =	sld [smem:$0x3FDB];
	_ =	sdelay $0x1  }
0x99: {  	s4 =	simm.s32 $_scs_section_size  }
0x9a: {  	s5 =	simm.s32 $_size__tile_overlayer_lowered;
	s6 =	simm.s32 $_tile_overlayer_lowered  }
0x9b: {  	s22 =	simm.s32 $0x1BFF;
	s21 =	sshll.u32 s6, $0x1;
	s3 =	sadd.s32 s4, s19  }
0x9c: {  	s7 =	simm.s32 $0x0;
	s20 =	sshll.u32 s5, $0x1;
	s5 =	sadd.s32 s21, s3  }
0x9d: {  	[timem:s7], [sflag:s22] =	dma.local [hbm:s5], s20  }
0x9e: {  	_ =	swait.ge [sflag:s22], s20  }
0x9f: {  	s4 =	ssub.s32 $0x0, s20;
	[sflag:s22] =	ssyncset.done $0x0  }
0xa0: {  	[sflag:s22] =	ssyncadd.s32 s4;
	_ =	sdelay $0x1  }
0xa1: {  	s23 =	simm.s32 $0x1B8B  }
0xa2: {  	_ =	swait.ge [sflag:s23], $0x1  }
0xa3: {  	[sflag:s23] =	ssyncset.done $0x0  }
0xa4: {  	s25 =	simm.s32 $0x1B8E;
	s24 =	sld [smem:$0x3FFE];
	[sflag:s23] =	ssyncadd.s32 $0xFFFFFFFF  }
0xa5: {  	s26 =	simm.s32 $execute0_lowered;
	[smem:$0x3FD2] =	sst s25  }
0xa6: {  	s5 =	sshll.u32 s26, $0x1;
	_ =	strace $0x80000049;
	[dreg:$0x1] =	wrdreg $0xFFFFFFFF  }
0xa7: {  	s28 =	simm.s32 $_size_execute0_lowered;
	s3 =	sadd.s32 s3, s5;
	[dreg:$0x0] =	wrdreg $0x0  }
0xa8: {  	s5 =	sshll.u32 s28, $0x1;
	[dreg:$0x2] =	wrdreg s3  }
0xa9: {  	[dreg:$0x3] =	wrdreg s5  }
0xaa: {  	[dreg:$0x4] =	wrdreg $0xC0  }
0xab: {  	_ =	task [dreg:s7], $0x5FFFF  }
0xac: {  	[dreg:$0x1] =	wrdreg $0xFFFFFFFF  }
0xad: {  	[dreg:$0x0] =	wrdreg $0x60  }
0xae: {  	[dreg:$0x2] =	wrdreg s24  }
0xaf: {  	[dreg:$0x3] =	wrdreg s2  }
0xb0: {  	[dreg:$0x4] =	wrdreg $0x87F00  }
0xb1: {  	[dreg:$0x5] =	wrdreg $0x127F00  }
0xb2: {  	[dreg:$0x6] =	wrdreg $0x9  }
0xb3: {  	_ =	task.clear_ibuf [dreg:s7], $0x7FFFF;
	_ =	strace $0x90000049  }
0xb4: {  	s29 =	simm.s32 $0x9;
	_ =	strace $0x8000004B  }
0xb5: {  	_ =	swait.ge [sflag:s29], $0x1  }
0xb6: {  	[sflag:s29] =	ssyncadd.s32 $0xFFFFFFFF  }
0xb7: {  	_ =	strace $0x9000004B  }
0xb8: {  	_ =	sfence  }
0xb9: {  	s30 =	sld [smem:$0x0];
	_ =	sdelay $0x2  }
0xba: {  	s31 =	sshll.u32 s1, $0xD;
	s1 =	sshrl.u32 s1, $0x2  }
0xbb: {  	s3 =	sand.u32 $0x4000, s31;
	s1 =	sadd.s32 s1, s30  }
0xbc: {  	s0 =	sor.u32 s3, s0;
	s1 =	sshll.u32 s1, $0x11  }
0xbd: {  	s0 =	sor.u32 s1, s0  }
0xbe: {  	s0 =	sadd.s32 $0x8F2B, s0  }
0xbf: {  	[sflag:s0] =	ssyncadd.remote.s32 $0x1  }
0xc0: {  	_ =	sfence.sel $0xFFFF  }
0xc1: {  	[dreg:$0x0] =	wrdreg $0xFFFFFFFF;
	(pc) =	sbr.abs _section_cstart, $3  }
0xc2: {  	[dreg:$0x1] =	wrdreg $0xFFFFFFFF  }
0xc3: {  	_ =	task.clear_ibuf [dreg:s7], $0x2FFFF;
	_ =	strace $0x9FFFFFFF  }
0xc4: {  	(tm) =	ssettm $0x7FFFFFFF  }
0xc5: {  	_ =	shalt  }
tec
execute0_lowered:
.L_overlay_start_1:
0x0: {  	(tag) =	ssettag $0x1  }
0x1: {  	s0 =	srdreg.scid;
	s1 =	stileid.u32  }
0x2: {  	s6 =	sand.u32 $0x1, s0;
	s3 =	smul.u32 $0x4E20, s1  }
0x3: {  	s5 =	rddreg [dreg:$0x0];
	s4 =	smul.u32 $0x2710, s6  }
0x4: {  	s2 =	rddreg [dreg:$0x2]  }
0x5: {  	s0 =	rddreg [dreg:$0x3];
	s4 =	sadd.s32 s4, s3;
	s3 =	simm.s32 $0x0  }
0x6: {  	s16 =	simm.s32 $0xA0;
	[smem:$0x7FF] =	sst s3  }
0x7: {  	s17 =	simm.s32 $0xF0;
	_ =	strace $0x8000004A;
	[dreg:$0x7] =	wrdreg s16  }
0x8: {  	s18 =	simm.s32 $0x140;
	[dreg:$0x8] =	wrdreg s17  }
0x9: {  	s19 =	simm.s32 $0x190;
	[dreg:$0x9] =	wrdreg s18  }
0xa: {  	s20 =	simm.s32 $0x1E0;
	[dreg:$0xa] =	wrdreg s19  }
0xb: {  	s21 =	simm.s32 $0x820;
	[dreg:$0xb] =	wrdreg s20  }
0xc: {  	s22 =	simm.s32 $0x230;
	[dreg:$0xc] =	wrdreg s21  }
0xd: {  	s23 =	simm.s32 $0x870;
	[dreg:$0xd] =	wrdreg s22  }
0xe: {  	s24 =	simm.s32 $0x280;
	[dreg:$0xe] =	wrdreg s23  }
0xf: {  	s25 =	simm.s32 $0x8C0;
	[dreg:$0xf] =	wrdreg s24  }
0x10: {  	s8 =	simm.s32 $0x2D0;
	[dreg:$0x10] =	wrdreg s25  }
0x11: {  	s10 =	simm.s32 $0x910;
	[dreg:$0x11] =	wrdreg s8  }
0x12: {  	s11 =	simm.s32 $0x320;
	[dreg:$0x12] =	wrdreg s10  }
0x13: {  	s12 =	simm.s32 $0x960;
	s26 =	smul.u32 $0xA000, s1;
	[dreg:$0x13] =	wrdreg s11  }
0x14: {  	s13 =	simm.s32 $0x370;
	s14 =	simm.s32 $0x9B0;
	[dreg:$0x14] =	wrdreg s12  }
0x15: {  	s15 =	simm.s32 $0x3C0;
	s9 =	sshrl.u32 s26, $0x3;
	[dreg:$0x15] =	wrdreg s13  }
0x16: {  	s28 =	simm.s32 $0xA;
	s9 =	sadd.s32 s9, s5;
	[dreg:$0x16] =	wrdreg s14  }
0x17: {  	p0 =	sne.s32 s1, $0x0;
	s9 =	sadd.s32 $0x29600, s9;
	[dreg:$0x17] =	wrdreg s15  }
0x18: {  	s29 =	simm.s32 $0x5;
	s0 =	sshrl.u32 @!p0 s0, $0x3;
	[smem:$0x7E5] =	sst s9  }
0x19: {  	s30 =	simm.s32 $0xB;
	s16 =	simm.s32 $0xA00;
	[smem:$0x7EC] =	sst s0  }
0x1a: {  	s31 =	simm.s32 $0x6;
	s17 =	simm.s32 $0x410;
	[dreg:$0x18] =	wrdreg s16  }
0x1b: {  	s4 =	sshrl.u32 s4, $0x3;
	s19 =	simm.s32 $0xA50;
	[dreg:$0x19] =	wrdreg s17  }
0x1c: {  	s4 =	sadd.s32 s4, s5;
	s20 =	simm.s32 $0x460;
	[dreg:$0x1a] =	wrdreg s19  }
0x1d: {  	s10 =	smul.u32 $0xA0000, s6;
	s21 =	simm.s32 $0xAA0;
	[dreg:$0x1b] =	wrdreg s20  }
0x1e: {  	s6 =	ssub.s32 $0x2, s6;
	s22 =	simm.s32 $0x4B0;
	[dreg:$0x1c] =	wrdreg s21  }
0x1f: {  	s23 =	sshll.u32 s1, $0x6;
	s24 =	simm.s32 $0xAF0;
	[dreg:$0x1d] =	wrdreg s22  }
0x20: {  	s25 =	simm.s32 $0x500;
	s8 =	simm.s32 $0x550;
	[dreg:$0x1e] =	wrdreg s24  }
0x21: {  	s11 =	simm.s32 $0x5A0;
	s12 =	simm.s32 $0xBE0;
	[dreg:$0x1f] =	wrdreg s25  }
0x22: {  	s13 =	simm.s32 $0x5F0;
	s14 =	simm.s32 $0xC30;
	[smem:$0x7E9] =	sst s8  }
0x23: {  	s15 =	simm.s32 $0x640;
	s0 =	simm.s32 $0xC;
	[smem:$0x7EB] =	sst s11  }
0x24: {  	s1 =	simm.s32 $0xEB0;
	s7 =	sadd.s32 $0x2000, s4;
	[smem:$0x7ED] =	sst s12  }
0x25: {  	s4 =	sadd.s32 $0xBE00, s4;
	s18 =	sshrl.u32 s6, $0x1;
	[smem:$0x7EE] =	sst s13  }
0x26: {  	s9 =	sor.u32 $0x1C0D, s23;
	s12 =	simm.s32 $0x7D0;
	[smem:$0x7EF] =	sst s14  }
0x27: {  	s13 =	simm.s32 $0x50;
	s14 =	simm.s32 $0xFA0;
	[smem:$0x7F0] =	sst s15  }
0x28: {  	s16 =	simm.s32 $0xC80;
	s15 =	simm.s32 $0x23A0;
	[dreg:$0x5] =	wrdreg s7  }
0x29: {  	s17 =	simm.s32 $0x690;
	s19 =	simm.s32 $0x6E0;
	[dreg:$0x6] =	wrdreg s4  }
0x2a: {  	s20 =	simm.s32 $0xD20;
	s21 =	simm.s32 $0x730;
	[smem:$0x7F1] =	sst s16  }
0x2b: {  	s22 =	simm.s32 $0xD70;
	s23 =	simm.s32 $0x780;
	[smem:$0x7F2] =	sst s17  }
0x2c: {  	s24 =	simm.s32 $0xDC0;
	s25 =	simm.s32 $0xE10;
	[smem:$0x7F4] =	sst s19  }
0x2d: {  	s11 =	simm.s32 $0x0;
	s4 =	sadd.s32 $0x15C00, s5;
	[smem:$0x7F5] =	sst s20  }
0x2e: {  	s10 =	sadd.s32 s26, s10;
	s6 =	ssub.s32 s6, s18;
	[smem:$0x7F6] =	sst s21  }
0x2f: {  	s7 =	sadd.s32 s26, s2;
	s26 =	simm.s32 $0xB40;
	[smem:$0x7F7] =	sst s22  }
0x30: {  	s16 =	simm.s32 $0x37A0;
	s18 =	simm.s32 $0xCD0;
	[smem:$0x7F8] =	sst s23  }
0x31: {  	s17 =	simm.s32 $0x4BA0;
	s19 =	simm.s32 $0x73A0;
	[smem:$0x7F9] =	sst s24  }
0x32: {  	s20 =	simm.s32 $0x1;
	s21 =	simm.s32 $0x7;
	[smem:$0x7FA] =	sst s25  }
0x33: {  	s22 =	simm.s32 $0x2;
	s23 =	simm.s32 $0x8;
	[smem:$0x7FC] =	sst s9  }
0x34: {  	s24 =	simm.s32 $0x3;
	s25 =	simm.s32 $0x9;
	[smem:$0x7E8] =	sst s26  }
0x35: {  	s10 =	sshrl.u32 s10, $0x3;
	s6 =	smax.u32 s6, $0x1;
	[smem:$0x7F3] =	sst s18  }
0x36: {  	s8 =	sshrl.u32 s7, $0x3;
	s26 =	simm.s32 $0xE60;
	[smem:$0x7E7] =	sst s6  }
0x37: {  	s18 =	simm.s32 $0x5FA0;
	s7 =	simm.s32 $0xF50;
	[smem:$0x7FB] =	sst s26  }
0x38: {  	s5 =	sadd.s32 s10, s5;
	s10 =	simm.s32 $0xB90;
	[smem:$0x7FD] =	sst s8  }
0x39: {  	s26 =	simm.s32 $0x4;
	s5 =	sadd.s32 $0x3D600, s5;
	[smem:$0x7EA] =	sst s10  }
0x3a: {  	v0 =	vimm.f32 $1.000000000e+00;
	s10 =	simm.s32 $0xD;
	[smem:$0x7E6] =	sst s5;
	s5 =	simm.s32 $0xF00  }
.LBB2_1:
0x3b: {  	s6 =	sld [smem:$0x7E5];
	_ =	sdelay $0x1  }
0x3c: {  	[smem:$0x7E4] =	sst s11  }
0x3d: {  	[spmem:s8], [sflag:s9] =	dma.local [hbm:s6], $0x1400  }
0x3e: {  	_ =	swait.ge [sflag:s10], $0x1400  }
0x3f: {  	[sflag:s10] =	ssyncset.done $0x0;
	s8 =	sld [smem:$0x7EC]  }
0x40: {  	[sflag:s10] =	ssyncadd.s32 $0xFFFFEC00  }
0x41: {  	s6 =	rddreg [dreg:$0x1]  }
0x42: {  	[spmem:s8], [sflag:s9] =	dma.local @!p0 [hbm:s6], $0x500  }
0x43: {  	s6 =	simm.s32 @!p0 $0xD  }
0x44: {  	_ =	swait.ge @!p0 [sflag:s6], $0x500  }
0x45: {  	[sflag:s6] =	ssyncset.done @!p0 $0x0  }
0x46: {  	[sflag:s6] =	ssyncadd.s32 @!p0 $0xFFFFFB00  }
0x47: {  	[tilespmem:$0x87A0] =	vst v0  }
0x48: {  	[tilespmem:$0x87B0] =	vst v0  }
0x49: {  	[tilespmem:$0x87C0] =	vst v0  }
0x4a: {  	[tilespmem:$0x87D0] =	vst v0  }
0x4b: {  	[tilespmem:$0x87E0] =	vst v0  }
0x4c: {  	[bflag:$0x0] =	sbarrier.arrive $0xFFFF  }
0x4d: {  	s8 =	rddreg [dreg:$0x6]  }
0x4e: {  	s6 =	sadd.s32 $0x0, s8  }
0x4f: {  	[tilespmem:s3], [sflag:$0xD] =	stream.linear.gather [hbm4b:s6+s3], $0x7D0, $0x38;
	[tilespmem:$0x12A70] =	vst v63  }
0x50: {  	_ =	swait.ge [sflag:s10], $0x7D0  }
0x51: {  	s9 =	rddreg [dreg:$0x5];
	[sflag:s10] =	ssyncset.done $0x0  }
0x52: {  	[sflag:s10] =	ssyncadd.s32 $0xFFFFF830;
	s6 =	sadd.s32 $0x0, s9  }
0x53: {  	[tilespmem:s12], [sflag:$0xD] =	stream.linear.gather [hbm4b:s6+s3], $0x7D0, $0x38;
	[tilespmem:$0x12A70] =	vst v63  }
0x54: {  	_ =	swait.ge [sflag:s10], $0x7D0  }
0x55: {  	[sflag:s10] =	ssyncset.done $0x0  }
0x56: {  	[sflag:s10] =	ssyncadd.s32 $0xFFFFF830  }
0x57: {  	[tilespmem:s14], [sflag:$0x1] =	stream.indirect.gather [hbm4b:s4+s13], $0x40, s3, s13, $0xb8;
	[tilespmem:$0x12A70] =	vst v63  }
0x58: {  	_ = 	snop  }
0x59: {  	[tilespmem:s15], [sflag:$0x2] =	stream.indirect.gather [hbm4b:s4+s13], $0x40, s13, s13, $0xb8;
	[tilespmem:$0x12A70] =	vst v63  }
0x5a: {  	s11 =	rddreg [dreg:$0x7]  }
0x5b: {  	[tilespmem:s16], [sflag:$0x3] =	stream.indirect.gather [hbm4b:s4+s13], $0x40, s11, s13, $0xb8;
	[tilespmem:$0x12A70] =	vst v63  }
0x5c: {  	s8 =	rddreg [dreg:$0x8]  }
0x5d: {  	[tilespmem:s17], [sflag:$0x4] =	stream.indirect.gather [hbm4b:s4+s13], $0x40, s8, s13, $0xb8;
	[tilespmem:$0x12A70] =	vst v63  }
0x5e: {  	s11 =	rddreg [dreg:$0x9]  }
0x5f: {  	[tilespmem:s18], [sflag:$0x5] =	stream.indirect.gather [hbm4b:s4+s13], $0x40, s11, s13, $0xb8;
	[tilespmem:$0x12A70] =	vst v63  }
0x60: {  	s8 =	rddreg [dreg:$0xa]  }
0x61: {  	[tilespmem:s19], [sflag:$0x6] =	stream.indirect.gather [hbm4b:s4+s13], $0x40, s8, s13, $0xb8;
	[tilespmem:$0x12A70] =	vst v63  }
0x62: {  	_ =	swait.ge [sflag:s20], $0x1400  }
0x63: {  	[sflag:s20] =	ssyncset.done $0x0  }
0x64: {  	[sflag:s20] =	ssyncadd.s32 $0xFFFFEC00  }
0x65: {  	[spmem:s2] =	stream.indirect.scatter.add.f32 [tilespmem:s14], [sflag:$0x7], $0x40, s12, s13, $0xb8;
	[tilespmem:$0x12A70] =	vst v63  }
0x66: {  	_ =	swait.ge [sflag:s21], $0x1400  }
0x67: {  	[sflag:s21] =	ssyncset.done $0x0  }
0x68: {  	s11 =	rddreg [dreg:$0xb];
	[sflag:s21] =	ssyncadd.s32 $0xFFFFEC00  }
0x69: {  	[tilespmem:s14], [sflag:$0x1] =	stream.indirect.gather [hbm4b:s4+s13], $0x40, s11, s13, $0xb8;
	[tilespmem:$0x12A70] =	vst v63  }
0x6a: {  	_ =	swait.ge [sflag:s22], $0x1400  }
0x6b: {  	[sflag:s22] =	ssyncset.done $0x0  }
0x6c: {  	s8 =	rddreg [dreg:$0xc];
	[sflag:s22] =	ssyncadd.s32 $0xFFFFEC00  }
0x6d: {  	[spmem:s2] =	stream.indirect.scatter.add.f32 [tilespmem:s15], [sflag:$0x8], $0x40, s8, s13, $0xb8;
	[tilespmem:$0x12A70] =	vst v63  }
0x6e: {  	_ =	swait.ge [sflag:s23], $0x1400  }
0x6f: {  	[sflag:s23] =	ssyncset.done $0x0  }
0x70: {  	s9 =	rddreg [dreg:$0xd];
	[sflag:s23] =	ssyncadd.s32 $0xFFFFEC00  }
0x71: {  	[tilespmem:s15], [sflag:$0x2] =	stream.indirect.gather [hbm4b:s4+s13], $0x40, s9, s13, $0xb8;
	[tilespmem:$0x12A70] =	vst v63  }
0x72: {  	_ =	swait.ge [sflag:s24], $0x1400  }
0x73: {  	[sflag:s24] =	ssyncset.done $0x0  }
0x74: {  	s11 =	rddreg [dreg:$0xe];
	[sflag:s24] =	ssyncadd.s32 $0xFFFFEC00  }
0x75: {  	[spmem:s2] =	stream.indirect.scatter.add.f32 [tilespmem:s16], [sflag:$0x9], $0x40, s11, s13, $0xb8;
	[tilespmem:$0x12A70] =	vst v63  }
0x76: {  	_ =	swait.ge [sflag:s25], $0x1400  }
0x77: {  	[sflag:s25] =	ssyncset.done $0x0  }
0x78: {  	s8 =	rddreg [dreg:$0xf];
	[sflag:s25] =	ssyncadd.s32 $0xFFFFEC00  }
0x79: {  	[tilespmem:s16], [sflag:$0x3] =	stream.indirect.gather [hbm4b:s4+s13], $0x40, s8, s13, $0xb8;
	[tilespmem:$0x12A70] =	vst v63  }
0x7a: {  	_ =	swait.ge [sflag:s26], $0x1400  }
0x7b: {  	[sflag:s26] =	ssyncset.done $0x0  }
0x7c: {  	s9 =	rddreg [dreg:$0x10];
	[sflag:s26] =	ssyncadd.s32 $0xFFFFEC00  }
0x7d: {  	[spmem:s2] =	stream.indirect.scatter.add.f32 [tilespmem:s17], [sflag:$0xA], $0x40, s9, s13, $0xb8;
	[tilespmem:$0x12A70] =	vst v63  }
0x7e: {  	_ =	swait.ge [sflag:s28], $0x1400  }
0x7f: {  	[sflag:s28] =	ssyncset.done $0x0  }
0x80: {  	s11 =	rddreg [dreg:$0x11];
	[sflag:s28] =	ssyncadd.s32 $0xFFFFEC00  }
0x81: {  	[tilespmem:s17], [sflag:$0x4] =	stream.indirect.gather [hbm4b:s4+s13], $0x40, s11, s13, $0xb8;
	[tilespmem:$0x12A70] =	vst v63  }
0x82: {  	_ =	swait.ge [sflag:s29], $0x1400  }
0x83: {  	[sflag:s29] =	ssyncset.done $0x0  }
0x84: {  	s8 =	rddreg [dreg:$0x12];
	[sflag:s29] =	ssyncadd.s32 $0xFFFFEC00  }
0x85: {  	[spmem:s2] =	stream.indirect.scatter.add.f32 [tilespmem:s18], [sflag:$0xB], $0x40, s8, s13, $0xb8;
	[tilespmem:$0x12A70] =	vst v63  }
0x86: {  	_ =	swait.ge [sflag:s30], $0x1400  }
0x87: {  	[sflag:s30] =	ssyncset.done $0x0  }
0x88: {  	s9 =	rddreg [dreg:$0x13];
	[sflag:s30] =	ssyncadd.s32 $0xFFFFEC00  }
0x89: {  	[tilespmem:s18], [sflag:$0x5] =	stream.indirect.gather [hbm4b:s4+s13], $0x40, s9, s13, $0xb8;
	[tilespmem:$0x12A70] =	vst v63  }
0x8a: {  	_ =	swait.ge [sflag:s31], $0x1400  }
0x8b: {  	[sflag:s31] =	ssyncset.done $0x0  }
0x8c: {  	s11 =	rddreg [dreg:$0x14];
	[sflag:s31] =	ssyncadd.s32 $0xFFFFEC00  }
0x8d: {  	[spmem:s2] =	stream.indirect.scatter.add.f32 [tilespmem:s19], [sflag:$0xC], $0x40, s11, s13, $0xb8;
	[tilespmem:$0x12A70] =	vst v63  }
0x8e: {  	_ =	swait.ge [sflag:s0], $0x1400  }
0x8f: {  	[sflag:s0] =	ssyncset.done $0x0  }
0x90: {  	s8 =	rddreg [dreg:$0x15];
	[sflag:s0] =	ssyncadd.s32 $0xFFFFEC00  }
0x91: {  	[tilespmem:s19], [sflag:$0x6] =	stream.indirect.gather [hbm4b:s4+s13], $0x40, s8, s13, $0xb8;
	[tilespmem:$0x12A70] =	vst v63  }
0x92: {  	_ =	swait.ge [sflag:s20], $0x1400  }
0x93: {  	[sflag:s20] =	ssyncset.done $0x0  }
0x94: {  	s9 =	rddreg [dreg:$0x16];
	[sflag:s20] =	ssyncadd.s32 $0xFFFFEC00  }
0x95: {  	[spmem:s2] =	stream.indirect.scatter.add.f32 [tilespmem:s14], [sflag:$0x7], $0x40, s9, s13, $0xb8;
	[tilespmem:$0x12A70] =	vst v63  }
0x96: {  	_ =	swait.ge [sflag:s21], $0x1400  }
0x97: {  	[sflag:s21] =	ssyncset.done $0x0  }
0x98: {  	s11 =	rddreg [dreg:$0x17];
	[sflag:s21] =	ssyncadd.s32 $0xFFFFEC00  }
0x99: {  	[tilespmem:s14], [sflag:$0x1] =	stream.indirect.gather [hbm4b:s4+s13], $0x40, s11, s13, $0xb8;
	[tilespmem:$0x12A70] =	vst v63  }
0x9a: {  	_ =	swait.ge [sflag:s22], $0x1400  }
0x9b: {  	[sflag:s22] =	ssyncset.done $0x0  }
0x9c: {  	s8 =	rddreg [dreg:$0x18];
	[sflag:s22] =	ssyncadd.s32 $0xFFFFEC00  }
0x9d: {  	[spmem:s2] =	stream.indirect.scatter.add.f32 [tilespmem:s15], [sflag:$0x8], $0x40, s8, s13, $0xb8;
	[tilespmem:$0x12A70] =	vst v63  }
0x9e: {  	_ =	swait.ge [sflag:s23], $0x1400  }
0x9f: {  	[sflag:s23] =	ssyncset.done $0x0  }
0xa0: {  	s9 =	rddreg [dreg:$0x19];
	[sflag:s23] =	ssyncadd.s32 $0xFFFFEC00  }
0xa1: {  	[tilespmem:s15], [sflag:$0x2] =	stream.indirect.gather [hbm4b:s4+s13], $0x40, s9, s13, $0xb8;
	[tilespmem:$0x12A70] =	vst v63  }
0xa2: {  	_ =	swait.ge [sflag:s24], $0x1400  }
0xa3: {  	[sflag:s24] =	ssyncset.done $0x0  }
0xa4: {  	s11 =	rddreg [dreg:$0x1a];
	[sflag:s24] =	ssyncadd.s32 $0xFFFFEC00  }
0xa5: {  	[spmem:s2] =	stream.indirect.scatter.add.f32 [tilespmem:s16], [sflag:$0x9], $0x40, s11, s13, $0xb8;
	[tilespmem:$0x12A70] =	vst v63  }
0xa6: {  	_ =	swait.ge [sflag:s25], $0x1400  }
0xa7: {  	[sflag:s25] =	ssyncset.done $0x0  }
0xa8: {  	s8 =	rddreg [dreg:$0x1b];
	[sflag:s25] =	ssyncadd.s32 $0xFFFFEC00  }
0xa9: {  	[tilespmem:s16], [sflag:$0x3] =	stream.indirect.gather [hbm4b:s4+s13], $0x40, s8, s13, $0xb8;
	[tilespmem:$0x12A70] =	vst v63  }
0xaa: {  	_ =	swait.ge [sflag:s26], $0x1400  }
0xab: {  	[sflag:s26] =	ssyncset.done $0x0  }
0xac: {  	s9 =	rddreg [dreg:$0x1c];
	[sflag:s26] =	ssyncadd.s32 $0xFFFFEC00  }
0xad: {  	[spmem:s2] =	stream.indirect.scatter.add.f32 [tilespmem:s17], [sflag:$0xA], $0x40, s9, s13, $0xb8;
	[tilespmem:$0x12A70] =	vst v63  }
0xae: {  	_ =	swait.ge [sflag:s28], $0x1400  }
0xaf: {  	[sflag:s28] =	ssyncset.done $0x0  }
0xb0: {  	s11 =	rddreg [dreg:$0x1d];
	[sflag:s28] =	ssyncadd.s32 $0xFFFFEC00  }
0xb1: {  	[tilespmem:s17], [sflag:$0x4] =	stream.indirect.gather [hbm4b:s4+s13], $0x40, s11, s13, $0xb8;
	[tilespmem:$0x12A70] =	vst v63  }
0xb2: {  	_ =	swait.ge [sflag:s29], $0x1400  }
0xb3: {  	[sflag:s29] =	ssyncset.done $0x0  }
0xb4: {  	s8 =	rddreg [dreg:$0x1e];
	[sflag:s29] =	ssyncadd.s32 $0xFFFFEC00  }
0xb5: {  	[spmem:s2] =	stream.indirect.scatter.add.f32 [tilespmem:s18], [sflag:$0xB], $0x40, s8, s13, $0xb8;
	[tilespmem:$0x12A70] =	vst v63  }
0xb6: {  	_ =	swait.ge [sflag:s30], $0x1400  }
0xb7: {  	[sflag:s30] =	ssyncset.done $0x0  }
0xb8: {  	s9 =	rddreg [dreg:$0x1f];
	[sflag:s30] =	ssyncadd.s32 $0xFFFFEC00  }
0xb9: {  	[tilespmem:s18], [sflag:$0x5] =	stream.indirect.gather [hbm4b:s4+s13], $0x40, s9, s13, $0xb8;
	[tilespmem:$0x12A70] =	vst v63  }
0xba: {  	_ =	swait.ge [sflag:s31], $0x1400  }
0xbb: {  	s11 =	sld [smem:$0x7E8]  }
0xbc: {  	[sflag:s31] =	ssyncset.done $0x0  }
0xbd: {  	[sflag:s31] =	ssyncadd.s32 $0xFFFFEC00  }
0xbe: {  	[spmem:s2] =	stream.indirect.scatter.add.f32 [tilespmem:s19], [sflag:$0xC], $0x40, s11, s13, $0xb8;
	[tilespmem:$0x12A70] =	vst v63  }
0xbf: {  	_ =	swait.ge [sflag:s0], $0x1400  }
0xc0: {  	s8 =	sld [smem:$0x7E9]  }
0xc1: {  	[sflag:s0] =	ssyncset.done $0x0  }
0xc2: {  	[sflag:s0] =	ssyncadd.s32 $0xFFFFEC00  }
0xc3: {  	[tilespmem:s19], [sflag:$0x6] =	stream.indirect.gather [hbm4b:s4+s13], $0x40, s8, s13, $0xb8;
	[tilespmem:$0x12A70] =	vst v63  }
0xc4: {  	_ =	swait.ge [sflag:s20], $0x1400  }
0xc5: {  	s9 =	sld [smem:$0x7EA]  }
0xc6: {  	[sflag:s20] =	ssyncset.done $0x0  }
0xc7: {  	[sflag:s20] =	ssyncadd.s32 $0xFFFFEC00  }
0xc8: {  	[spmem:s2] =	stream.indirect.scatter.add.f32 [tilespmem:s14], [sflag:$0x7], $0x40, s9, s13, $0xb8;
	[tilespmem:$0x12A70] =	vst v63  }
0xc9: {  	_ =	swait.ge [sflag:s21], $0x1400  }
0xca: {  	s11 =	sld [smem:$0x7EB]  }
0xcb: {  	[sflag:s21] =	ssyncset.done $0x0  }
0xcc: {  	[sflag:s21] =	ssyncadd.s32 $0xFFFFEC00  }
0xcd: {  	[tilespmem:s14], [sflag:$0x1] =	stream.indirect.gather [hbm4b:s4+s13], $0x40, s11, s13, $0xb8;
	[tilespmem:$0x12A70] =	vst v63  }
0xce: {  	_ =	swait.ge [sflag:s22], $0x1400  }
0xcf: {  	s8 =	sld [smem:$0x7ED]  }
0xd0: {  	[sflag:s22] =	ssyncset.done $0x0  }
0xd1: {  	[sflag:s22] =	ssyncadd.s32 $0xFFFFEC00  }
0xd2: {  	[spmem:s2] =	stream.indirect.scatter.add.f32 [tilespmem:s15], [sflag:$0x8], $0x40, s8, s13, $0xb8;
	[tilespmem:$0x12A70] =	vst v63  }
0xd3: {  	_ =	swait.ge [sflag:s23], $0x1400  }
0xd4: {  	s9 =	sld [smem:$0x7EE]  }
0xd5: {  	[sflag:s23] =	ssyncset.done $0x0  }
0xd6: {  	[sflag:s23] =	ssyncadd.s32 $0xFFFFEC00  }
0xd7: {  	[tilespmem:s15], [sflag:$0x2] =	stream.indirect.gather [hbm4b:s4+s13], $0x40, s9, s13, $0xb8;
	[tilespmem:$0x12A70] =	vst v63  }
0xd8: {  	_ =	swait.ge [sflag:s24], $0x1400  }
0xd9: {  	s11 =	sld [smem:$0x7EF]  }
0xda: {  	[sflag:s24] =	ssyncset.done $0x0  }
0xdb: {  	[sflag:s24] =	ssyncadd.s32 $0xFFFFEC00  }
0xdc: {  	[spmem:s2] =	stream.indirect.scatter.add.f32 [tilespmem:s16], [sflag:$0x9], $0x40, s11, s13, $0xb8;
	[tilespmem:$0x12A70] =	vst v63  }
0xdd: {  	_ =	swait.ge [sflag:s25], $0x1400  }
0xde: {  	s8 =	sld [smem:$0x7F0]  }
0xdf: {  	[sflag:s25] =	ssyncset.done $0x0  }
0xe0: {  	[sflag:s25] =	ssyncadd.s32 $0xFFFFEC00  }
0xe1: {  	[tilespmem:s16], [sflag:$0x3] =	stream.indirect.gather [hbm4b:s4+s13], $0x40, s8, s13, $0xb8;
	[tilespmem:$0x12A70] =	vst v63  }
0xe2: {  	_ =	swait.ge [sflag:s26], $0x1400  }
0xe3: {  	s9 =	sld [smem:$0x7F1]  }
0xe4: {  	[sflag:s26] =	ssyncset.done $0x0  }
0xe5: {  	[sflag:s26] =	ssyncadd.s32 $0xFFFFEC00  }
0xe6: {  	[spmem:s2] =	stream.indirect.scatter.add.f32 [tilespmem:s17], [sflag:$0xA], $0x40, s9, s13, $0xb8;
	[tilespmem:$0x12A70] =	vst v63  }
0xe7: {  	_ =	swait.ge [sflag:s28], $0x1400  }
0xe8: {  	s11 =	sld [smem:$0x7F2]  }
0xe9: {  	[sflag:s28] =	ssyncset.done $0x0  }
0xea: {  	[sflag:s28] =	ssyncadd.s32 $0xFFFFEC00  }
0xeb: {  	[tilespmem:s17], [sflag:$0x4] =	stream.indirect.gather [hbm4b:s4+s13], $0x40, s11, s13, $0xb8;
	[tilespmem:$0x12A70] =	vst v63  }
0xec: {  	_ =	swait.ge [sflag:s29], $0x1400  }
0xed: {  	s8 =	sld [smem:$0x7F3]  }
0xee: {  	[sflag:s29] =	ssyncset.done $0x0  }
0xef: {  	[sflag:s29] =	ssyncadd.s32 $0xFFFFEC00  }
0xf0: {  	[spmem:s2] =	stream.indirect.scatter.add.f32 [tilespmem:s18], [sflag:$0xB], $0x40, s8, s13, $0xb8;
	[tilespmem:$0x12A70] =	vst v63  }
0xf1: {  	_ =	swait.ge [sflag:s30], $0x1400  }
0xf2: {  	s9 =	sld [smem:$0x7F4]  }
0xf3: {  	[sflag:s30] =	ssyncset.done $0x0  }
0xf4: {  	[sflag:s30] =	ssyncadd.s32 $0xFFFFEC00  }
0xf5: {  	[tilespmem:s18], [sflag:$0x5] =	stream.indirect.gather [hbm4b:s4+s13], $0x40, s9, s13, $0xb8;
	[tilespmem:$0x12A70] =	vst v63  }
0xf6: {  	_ =	swait.ge [sflag:s31], $0x1400  }
0xf7: {  	s11 =	sld [smem:$0x7F5]  }
0xf8: {  	[sflag:s31] =	ssyncset.done $0x0  }
0xf9: {  	[sflag:s31] =	ssyncadd.s32 $0xFFFFEC00  }
0xfa: {  	[spmem:s2] =	stream.indirect.scatter.add.f32 [tilespmem:s19], [sflag:$0xC], $0x40, s11, s13, $0xb8;
	[tilespmem:$0x12A70] =	vst v63  }
0xfb: {  	_ =	swait.ge [sflag:s0], $0x1400  }
0xfc: {  	s8 =	sld [smem:$0x7F6]  }
0xfd: {  	[sflag:s0] =	ssyncset.done $0x0  }
0xfe: {  	[sflag:s0] =	ssyncadd.s32 $0xFFFFEC00  }
0xff: {  	[tilespmem:s19], [sflag:$0x6] =	stream.indirect.gather [hbm4b:s4+s13], $0x40, s8, s13, $0xb8;
	[tilespmem:$0x12A70] =	vst v63  }
0x100: {  	_ =	swait.ge [sflag:s20], $0x1400  }
0x101: {  	s9 =	sld [smem:$0x7F7]  }
0x102: {  	[sflag:s20] =	ssyncset.done $0x0  }
0x103: {  	[sflag:s20] =	ssyncadd.s32 $0xFFFFEC00  }
0x104: {  	[spmem:s2] =	stream.indirect.scatter.add.f32 [tilespmem:s14], [sflag:$0x7], $0x40, s9, s13, $0xb8;
	[tilespmem:$0x12A70] =	vst v63  }
0x105: {  	_ =	swait.ge [sflag:s21], $0x1400  }
0x106: {  	s11 =	sld [smem:$0x7F8]  }
0x107: {  	[sflag:s21] =	ssyncset.done $0x0  }
0x108: {  	[sflag:s21] =	ssyncadd.s32 $0xFFFFEC00  }
0x109: {  	[tilespmem:s14], [sflag:$0x1] =	stream.indirect.gather [hbm4b:s4+s13], $0x40, s11, s13, $0xb8;
	[tilespmem:$0x12A70] =	vst v63  }
0x10a: {  	_ =	swait.ge [sflag:s22], $0x1400  }
0x10b: {  	s8 =	sld [smem:$0x7F9]  }
0x10c: {  	[sflag:s22] =	ssyncset.done $0x0  }
0x10d: {  	[sflag:s22] =	ssyncadd.s32 $0xFFFFEC00  }
0x10e: {  	[spmem:s2] =	stream.indirect.scatter.add.f32 [tilespmem:s15], [sflag:$0x8], $0x40, s8, s13, $0xb8;
	[tilespmem:$0x12A70] =	vst v63  }
0x10f: {  	_ =	swait.ge [sflag:s23], $0x1400  }
0x110: {  	[sflag:s23] =	ssyncset.done $0x0  }
0x111: {  	[sflag:s23] =	ssyncadd.s32 $0xFFFFEC00  }
0x112: {  	_ =	swait.ge [sflag:s24], $0x1400  }
0x113: {  	s9 =	sld [smem:$0x7FA]  }
0x114: {  	[sflag:s24] =	ssyncset.done $0x0  }
0x115: {  	[sflag:s24] =	ssyncadd.s32 $0xFFFFEC00  }
0x116: {  	[spmem:s2] =	stream.indirect.scatter.add.f32 [tilespmem:s16], [sflag:$0x9], $0x40, s9, s13, $0xb8;
	[tilespmem:$0x12A70] =	vst v63  }
0x117: {  	_ =	swait.ge [sflag:s25], $0x1400  }
0x118: {  	[sflag:s25] =	ssyncset.done $0x0  }
0x119: {  	[sflag:s25] =	ssyncadd.s32 $0xFFFFEC00  }
0x11a: {  	_ =	swait.ge [sflag:s26], $0x1400  }
0x11b: {  	s11 =	sld [smem:$0x7FB]  }
0x11c: {  	[sflag:s26] =	ssyncset.done $0x0  }
0x11d: {  	[sflag:s26] =	ssyncadd.s32 $0xFFFFEC00  }
0x11e: {  	[spmem:s2] =	stream.indirect.scatter.add.f32 [tilespmem:s17], [sflag:$0xA], $0x40, s11, s13, $0xb8;
	[tilespmem:$0x12A70] =	vst v63  }
0x11f: {  	_ =	swait.ge [sflag:s28], $0x1400  }
0x120: {  	[sflag:s28] =	ssyncset.done $0x0  }
0x121: {  	[sflag:s28] =	ssyncadd.s32 $0xFFFFEC00  }
0x122: {  	_ =	swait.ge [sflag:s29], $0x1400  }
0x123: {  	[sflag:s29] =	ssyncset.done $0x0  }
0x124: {  	[sflag:s29] =	ssyncadd.s32 $0xFFFFEC00  }
0x125: {  	[spmem:s2] =	stream.indirect.scatter.add.f32 [tilespmem:s18], [sflag:$0xB], $0x40, s1, s13, $0xb8;
	[tilespmem:$0x12A70] =	vst v63  }
0x126: {  	_ =	swait.ge [sflag:s30], $0x1400  }
0x127: {  	[sflag:s30] =	ssyncset.done $0x0  }
0x128: {  	[sflag:s30] =	ssyncadd.s32 $0xFFFFEC00  }
0x129: {  	_ =	swait.ge [sflag:s31], $0x1400  }
0x12a: {  	[sflag:s31] =	ssyncset.done $0x0  }
0x12b: {  	[sflag:s31] =	ssyncadd.s32 $0xFFFFEC00  }
0x12c: {  	[spmem:s2] =	stream.indirect.scatter.add.f32 [tilespmem:s19], [sflag:$0xC], $0x40, s5, s13, $0xb8;
	[tilespmem:$0x12A70] =	vst v63  }
0x12d: {  	_ =	swait.ge [sflag:s0], $0x1400  }
0x12e: {  	[sflag:s0] =	ssyncset.done $0x0  }
0x12f: {  	[sflag:s0] =	ssyncadd.s32 $0xFFFFEC00  }
0x130: {  	_ =	swait.ge [sflag:s20], $0x1400  }
0x131: {  	[sflag:s20] =	ssyncset.done $0x0  }
0x132: {  	[sflag:s20] =	ssyncadd.s32 $0xFFFFEC00  }
0x133: {  	[spmem:s2] =	stream.indirect.scatter.add.f32 [tilespmem:s14], [sflag:$0x7], $0x40, s7, s13, $0xb8;
	[tilespmem:$0x12A70] =	vst v63  }
0x134: {  	s9 =	simm.s32 $0x1F4;
	_ =	swait.ge [sflag:s21], $0x1400  }
0x135: {  	s11 =	simm.s32 $0xFA;
	s6 =	rddreg [dreg:$0x6];
	[sflag:s21] =	ssyncset.done $0x0  }
.LBB2_2:
0x136: {  	[sflag:s21] =	ssyncadd.s32 $0xFFFFEC00;
	s6 =	sadd.s32 s11, s6  }
0x137: {  	[tilespmem:s3], [sflag:$0xD] =	stream.linear.gather [hbm4b:s6+s3], $0x7D0, $0x38;
	[tilespmem:$0x12A70] =	vst v63  }
0x138: {  	_ =	swait.ge [sflag:s10], $0x7D0  }
0x139: {  	s6 =	rddreg [dreg:$0x5];
	[sflag:s10] =	ssyncset.done $0x0  }
0x13a: {  	[sflag:s10] =	ssyncadd.s32 $0xFFFFF830;
	s6 =	sadd.s32 s11, s6  }
0x13b: {  	[tilespmem:s12], [sflag:$0xD] =	stream.linear.gather [hbm4b:s6+s3], $0x7D0, $0x38;
	[tilespmem:$0x12A70] =	vst v63  }
0x13c: {  	_ =	swait.ge [sflag:s10], $0x7D0  }
0x13d: {  	[sflag:s10] =	ssyncset.done $0x0  }
0x13e: {  	[sflag:s10] =	ssyncadd.s32 $0xFFFFF830  }
0x13f: {  	[tilespmem:s14], [sflag:$0x1] =	stream.indirect.gather [hbm4b:s4+s13], $0x40, s3, s13, $0xb8;
	[tilespmem:$0x12A70] =	vst v63  }
0x140: {  	_ = 	snop  }
0x141: {  	[tilespmem:s15], [sflag:$0x2] =	stream.indirect.gather [hbm4b:s4+s13], $0x40, s13, s13, $0xb8;
	[tilespmem:$0x12A70] =	vst v63  }
0x142: {  	s8 =	smov.u32 s9;
	s6 =	rddreg [dreg:$0x7]  }
0x143: {  	[tilespmem:s16], [sflag:$0x3] =	stream.indirect.gather [hbm4b:s4+s13], $0x40, s6, s13, $0xb8;
	[tilespmem:$0x12A70] =	vst v63  }
0x144: {  	s11 =	smov.u32 s8;
	s8 =	rddreg [dreg:$0x8]  }
0x145: {  	[tilespmem:s17], [sflag:$0x4] =	stream.indirect.gather [hbm4b:s4+s13], $0x40, s8, s13, $0xb8;
	[tilespmem:$0x12A70] =	vst v63  }
0x146: {  	s6 =	rddreg [dreg:$0x9]  }
0x147: {  	[tilespmem:s18], [sflag:$0x5] =	stream.indirect.gather [hbm4b:s4+s13], $0x40, s6, s13, $0xb8;
	[tilespmem:$0x12A70] =	vst v63  }
0x148: {  	s8 =	rddreg [dreg:$0xa]  }
0x149: {  	[tilespmem:s19], [sflag:$0x6] =	stream.indirect.gather [hbm4b:s4+s13], $0x40, s8, s13, $0xb8;
	[tilespmem:$0x12A70] =	vst v63  }
0x14a: {  	_ =	swait.ge [sflag:s20], $0x1400  }
0x14b: {  	[sflag:s20] =	ssyncset.done $0x0  }
0x14c: {  	[sflag:s20] =	ssyncadd.s32 $0xFFFFEC00  }
0x14d: {  	[spmem:s2] =	stream.indirect.scatter.add.f32 [tilespmem:s14], [sflag:$0x7], $0x40, s12, s13, $0xb8;
	[tilespmem:$0x12A70] =	vst v63  }
0x14e: {  	_ =	swait.ge [sflag:s21], $0x1400  }
0x14f: {  	[sflag:s21] =	ssyncset.done $0x0  }
0x150: {  	s8 =	rddreg [dreg:$0xb];
	[sflag:s21] =	ssyncadd.s32 $0xFFFFEC00  }
0x151: {  	[tilespmem:s14], [sflag:$0x1] =	stream.indirect.gather [hbm4b:s4+s13], $0x40, s8, s13, $0xb8;
	[tilespmem:$0x12A70] =	vst v63  }
0x152: {  	_ =	swait.ge [sflag:s22], $0x1400  }
0x153: {  	[sflag:s22] =	ssyncset.done $0x0  }
0x154: {  	s8 =	rddreg [dreg:$0xc];
	[sflag:s22] =	ssyncadd.s32 $0xFFFFEC00  }
0x155: {  	[spmem:s2] =	stream.indirect.scatter.add.f32 [tilespmem:s15], [sflag:$0x8], $0x40, s8, s13, $0xb8;
	[tilespmem:$0x12A70] =	vst v63  }
0x156: {  	_ =	swait.ge [sflag:s23], $0x1400  }
0x157: {  	[sflag:s23] =	ssyncset.done $0x0  }
0x158: {  	s8 =	rddreg [dreg:$0xd];
	[sflag:s23] =	ssyncadd.s32 $0xFFFFEC00  }
0x159: {  	[tilespmem:s15], [sflag:$0x2] =	stream.indirect.gather [hbm4b:s4+s13], $0x40, s8, s13, $0xb8;
	[tilespmem:$0x12A70] =	vst v63  }
0x15a: {  	_ =	swait.ge [sflag:s24], $0x1400  }
0x15b: {  	[sflag:s24] =	ssyncset.done $0x0  }
0x15c: {  	s8 =	rddreg [dreg:$0xe];
	[sflag:s24] =	ssyncadd.s32 $0xFFFFEC00  }
0x15d: {  	[spmem:s2] =	stream.indirect.scatter.add.f32 [tilespmem:s16], [sflag:$0x9], $0x40, s8, s13, $0xb8;
	[tilespmem:$0x12A70] =	vst v63  }
0x15e: {  	_ =	swait.ge [sflag:s25], $0x1400  }
0x15f: {  	[sflag:s25] =	ssyncset.done $0x0  }
0x160: {  	s8 =	rddreg [dreg:$0xf];
	[sflag:s25] =	ssyncadd.s32 $0xFFFFEC00  }
0x161: {  	[tilespmem:s16], [sflag:$0x3] =	stream.indirect.gather [hbm4b:s4+s13], $0x40, s8, s13, $0xb8;
	[tilespmem:$0x12A70] =	vst v63  }
0x162: {  	_ =	swait.ge [sflag:s26], $0x1400  }
0x163: {  	[sflag:s26] =	ssyncset.done $0x0  }
0x164: {  	s8 =	rddreg [dreg:$0x10];
	[sflag:s26] =	ssyncadd.s32 $0xFFFFEC00  }
0x165: {  	[spmem:s2] =	stream.indirect.scatter.add.f32 [tilespmem:s17], [sflag:$0xA], $0x40, s8, s13, $0xb8;
	[tilespmem:$0x12A70] =	vst v63  }
0x166: {  	_ =	swait.ge [sflag:s28], $0x1400  }
0x167: {  	[sflag:s28] =	ssyncset.done $0x0  }
0x168: {  	s8 =	rddreg [dreg:$0x11];
	[sflag:s28] =	ssyncadd.s32 $0xFFFFEC00  }
0x169: {  	[tilespmem:s17], [sflag:$0x4] =	stream.indirect.gather [hbm4b:s4+s13], $0x40, s8, s13, $0xb8;
	[tilespmem:$0x12A70] =	vst v63  }
0x16a: {  	_ =	swait.ge [sflag:s29], $0x1400  }
0x16b: {  	[sflag:s29] =	ssyncset.done $0x0  }
0x16c: {  	s8 =	rddreg [dreg:$0x12];
	[sflag:s29] =	ssyncadd.s32 $0xFFFFEC00  }
0x16d: {  	[spmem:s2] =	stream.indirect.scatter.add.f32 [tilespmem:s18], [sflag:$0xB], $0x40, s8, s13, $0xb8;
	[tilespmem:$0x12A70] =	vst v63  }
0x16e: {  	_ =	swait.ge [sflag:s30], $0x1400  }
0x16f: {  	[sflag:s30] =	ssyncset.done $0x0  }
0x170: {  	s8 =	rddreg [dreg:$0x13];
	[sflag:s30] =	ssyncadd.s32 $0xFFFFEC00  }
0x171: {  	[tilespmem:s18], [sflag:$0x5] =	stream.indirect.gather [hbm4b:s4+s13], $0x40, s8, s13, $0xb8;
	[tilespmem:$0x12A70] =	vst v63  }
0x172: {  	_ =	swait.ge [sflag:s31], $0x1400  }
0x173: {  	[sflag:s31] =	ssyncset.done $0x0  }
0x174: {  	s8 =	rddreg [dreg:$0x14];
	[sflag:s31] =	ssyncadd.s32 $0xFFFFEC00  }
0x175: {  	[spmem:s2] =	stream.indirect.scatter.add.f32 [tilespmem:s19], [sflag:$0xC], $0x40, s8, s13, $0xb8;
	[tilespmem:$0x12A70] =	vst v63  }
0x176: {  	_ =	swait.ge [sflag:s0], $0x1400  }
0x177: {  	[sflag:s0] =	ssyncset.done $0x0  }
0x178: {  	s8 =	rddreg [dreg:$0x15];
	[sflag:s0] =	ssyncadd.s32 $0xFFFFEC00  }
0x179: {  	[tilespmem:s19], [sflag:$0x6] =	stream.indirect.gather [hbm4b:s4+s13], $0x40, s8, s13, $0xb8;
	[tilespmem:$0x12A70] =	vst v63  }
0x17a: {  	_ =	swait.ge [sflag:s20], $0x1400  }
0x17b: {  	[sflag:s20] =	ssyncset.done $0x0  }
0x17c: {  	s8 =	rddreg [dreg:$0x16];
	[sflag:s20] =	ssyncadd.s32 $0xFFFFEC00  }
0x17d: {  	[spmem:s2] =	stream.indirect.scatter.add.f32 [tilespmem:s14], [sflag:$0x7], $0x40, s8, s13, $0xb8;
	[tilespmem:$0x12A70] =	vst v63  }
0x17e: {  	_ =	swait.ge [sflag:s21], $0x1400  }
0x17f: {  	[sflag:s21] =	ssyncset.done $0x0  }
0x180: {  	s8 =	rddreg [dreg:$0x17];
	[sflag:s21] =	ssyncadd.s32 $0xFFFFEC00  }
0x181: {  	[tilespmem:s14], [sflag:$0x1] =	stream.indirect.gather [hbm4b:s4+s13], $0x40, s8, s13, $0xb8;
	[tilespmem:$0x12A70] =	vst v63  }
0x182: {  	_ =	swait.ge [sflag:s22], $0x1400  }
0x183: {  	[sflag:s22] =	ssyncset.done $0x0  }
0x184: {  	s8 =	rddreg [dreg:$0x18];
	[sflag:s22] =	ssyncadd.s32 $0xFFFFEC00  }
0x185: {  	[spmem:s2] =	stream.indirect.scatter.add.f32 [tilespmem:s15], [sflag:$0x8], $0x40, s8, s13, $0xb8;
	[tilespmem:$0x12A70] =	vst v63  }
0x186: {  	_ =	swait.ge [sflag:s23], $0x1400  }
0x187: {  	[sflag:s23] =	ssyncset.done $0x0  }
0x188: {  	s8 =	rddreg [dreg:$0x19];
	[sflag:s23] =	ssyncadd.s32 $0xFFFFEC00  }
0x189: {  	[tilespmem:s15], [sflag:$0x2] =	stream.indirect.gather [hbm4b:s4+s13], $0x40, s8, s13, $0xb8;
	[tilespmem:$0x12A70] =	vst v63  }
0x18a: {  	_ =	swait.ge [sflag:s24], $0x1400  }
0x18b: {  	[sflag:s24] =	ssyncset.done $0x0  }
0x18c: {  	s8 =	rddreg [dreg:$0x1a];
	[sflag:s24] =	ssyncadd.s32 $0xFFFFEC00  }
0x18d: {  	[spmem:s2] =	stream.indirect.scatter.add.f32 [tilespmem:s16], [sflag:$0x9], $0x40, s8, s13, $0xb8;
	[tilespmem:$0x12A70] =	vst v63  }
0x18e: {  	_ =	swait.ge [sflag:s25], $0x1400  }
0x18f: {  	[sflag:s25] =	ssyncset.done $0x0  }
0x190: {  	s8 =	rddreg [dreg:$0x1b];
	[sflag:s25] =	ssyncadd.s32 $0xFFFFEC00  }
0x191: {  	[tilespmem:s16], [sflag:$0x3] =	stream.indirect.gather [hbm4b:s4+s13], $0x40, s8, s13, $0xb8;
	[tilespmem:$0x12A70] =	vst v63  }
0x192: {  	_ =	swait.ge [sflag:s26], $0x1400  }
0x193: {  	[sflag:s26] =	ssyncset.done $0x0  }
0x194: {  	s8 =	rddreg [dreg:$0x1c];
	[sflag:s26] =	ssyncadd.s32 $0xFFFFEC00  }
0x195: {  	[spmem:s2] =	stream.indirect.scatter.add.f32 [tilespmem:s17], [sflag:$0xA], $0x40, s8, s13, $0xb8;
	[tilespmem:$0x12A70] =	vst v63  }
0x196: {  	_ =	swait.ge [sflag:s28], $0x1400  }
0x197: {  	[sflag:s28] =	ssyncset.done $0x0  }
0x198: {  	s8 =	rddreg [dreg:$0x1d];
	[sflag:s28] =	ssyncadd.s32 $0xFFFFEC00  }
0x199: {  	[tilespmem:s17], [sflag:$0x4] =	stream.indirect.gather [hbm4b:s4+s13], $0x40, s8, s13, $0xb8;
	[tilespmem:$0x12A70] =	vst v63  }
0x19a: {  	_ =	swait.ge [sflag:s29], $0x1400  }
0x19b: {  	[sflag:s29] =	ssyncset.done $0x0  }
0x19c: {  	s8 =	rddreg [dreg:$0x1e];
	[sflag:s29] =	ssyncadd.s32 $0xFFFFEC00  }
0x19d: {  	[spmem:s2] =	stream.indirect.scatter.add.f32 [tilespmem:s18], [sflag:$0xB], $0x40, s8, s13, $0xb8;
	[tilespmem:$0x12A70] =	vst v63  }
0x19e: {  	_ =	swait.ge [sflag:s30], $0x1400  }
0x19f: {  	[sflag:s30] =	ssyncset.done $0x0  }
0x1a0: {  	s8 =	rddreg [dreg:$0x1f];
	[sflag:s30] =	ssyncadd.s32 $0xFFFFEC00  }
0x1a1: {  	[tilespmem:s18], [sflag:$0x5] =	stream.indirect.gather [hbm4b:s4+s13], $0x40, s8, s13, $0xb8;
	[tilespmem:$0x12A70] =	vst v63  }
0x1a2: {  	_ =	swait.ge [sflag:s31], $0x1400  }
0x1a3: {  	s8 =	sld [smem:$0x7E8]  }
0x1a4: {  	[sflag:s31] =	ssyncset.done $0x0  }
0x1a5: {  	[sflag:s31] =	ssyncadd.s32 $0xFFFFEC00  }
0x1a6: {  	[spmem:s2] =	stream.indirect.scatter.add.f32 [tilespmem:s19], [sflag:$0xC], $0x40, s8, s13, $0xb8;
	[tilespmem:$0x12A70] =	vst v63  }
0x1a7: {  	_ =	swait.ge [sflag:s0], $0x1400  }
0x1a8: {  	s8 =	sld [smem:$0x7E9]  }
0x1a9: {  	[sflag:s0] =	ssyncset.done $0x0  }
0x1aa: {  	[sflag:s0] =	ssyncadd.s32 $0xFFFFEC00  }
0x1ab: {  	[tilespmem:s19], [sflag:$0x6] =	stream.indirect.gather [hbm4b:s4+s13], $0x40, s8, s13, $0xb8;
	[tilespmem:$0x12A70] =	vst v63  }
0x1ac: {  	_ =	swait.ge [sflag:s20], $0x1400  }
0x1ad: {  	s8 =	sld [smem:$0x7EA]  }
0x1ae: {  	[sflag:s20] =	ssyncset.done $0x0  }
0x1af: {  	[sflag:s20] =	ssyncadd.s32 $0xFFFFEC00  }
0x1b0: {  	[spmem:s2] =	stream.indirect.scatter.add.f32 [tilespmem:s14], [sflag:$0x7], $0x40, s8, s13, $0xb8;
	[tilespmem:$0x12A70] =	vst v63  }
0x1b1: {  	_ =	swait.ge [sflag:s21], $0x1400  }
0x1b2: {  	s8 =	sld [smem:$0x7EB]  }
0x1b3: {  	[sflag:s21] =	ssyncset.done $0x0  }
0x1b4: {  	[sflag:s21] =	ssyncadd.s32 $0xFFFFEC00  }
0x1b5: {  	[tilespmem:s14], [sflag:$0x1] =	stream.indirect.gather [hbm4b:s4+s13], $0x40, s8, s13, $0xb8;
	[tilespmem:$0x12A70] =	vst v63  }
0x1b6: {  	_ =	swait.ge [sflag:s22], $0x1400  }
0x1b7: {  	s8 =	sld [smem:$0x7ED]  }
0x1b8: {  	[sflag:s22] =	ssyncset.done $0x0  }
0x1b9: {  	[sflag:s22] =	ssyncadd.s32 $0xFFFFEC00  }
0x1ba: {  	[spmem:s2] =	stream.indirect.scatter.add.f32 [tilespmem:s15], [sflag:$0x8], $0x40, s8, s13, $0xb8;
	[tilespmem:$0x12A70] =	vst v63  }
0x1bb: {  	_ =	swait.ge [sflag:s23], $0x1400  }
0x1bc: {  	s8 =	sld [smem:$0x7EE]  }
0x1bd: {  	[sflag:s23] =	ssyncset.done $0x0  }
0x1be: {  	[sflag:s23] =	ssyncadd.s32 $0xFFFFEC00  }
0x1bf: {  	[tilespmem:s15], [sflag:$0x2] =	stream.indirect.gather [hbm4b:s4+s13], $0x40, s8, s13, $0xb8;
	[tilespmem:$0x12A70] =	vst v63  }
0x1c0: {  	_ =	swait.ge [sflag:s24], $0x1400  }
0x1c1: {  	s8 =	sld [smem:$0x7EF]  }
0x1c2: {  	[sflag:s24] =	ssyncset.done $0x0  }
0x1c3: {  	[sflag:s24] =	ssyncadd.s32 $0xFFFFEC00  }
0x1c4: {  	[spmem:s2] =	stream.indirect.scatter.add.f32 [tilespmem:s16], [sflag:$0x9], $0x40, s8, s13, $0xb8;
	[tilespmem:$0x12A70] =	vst v63  }
0x1c5: {  	_ =	swait.ge [sflag:s25], $0x1400  }
0x1c6: {  	s8 =	sld [smem:$0x7F0]  }
0x1c7: {  	[sflag:s25] =	ssyncset.done $0x0  }
0x1c8: {  	[sflag:s25] =	ssyncadd.s32 $0xFFFFEC00  }
0x1c9: {  	[tilespmem:s16], [sflag:$0x3] =	stream.indirect.gather [hbm4b:s4+s13], $0x40, s8, s13, $0xb8;
	[tilespmem:$0x12A70] =	vst v63  }
0x1ca: {  	_ =	swait.ge [sflag:s26], $0x1400  }
0x1cb: {  	s8 =	sld [smem:$0x7F1]  }
0x1cc: {  	[sflag:s26] =	ssyncset.done $0x0  }
0x1cd: {  	[sflag:s26] =	ssyncadd.s32 $0xFFFFEC00  }
0x1ce: {  	[spmem:s2] =	stream.indirect.scatter.add.f32 [tilespmem:s17], [sflag:$0xA], $0x40, s8, s13, $0xb8;
	[tilespmem:$0x12A70] =	vst v63  }
0x1cf: {  	_ =	swait.ge [sflag:s28], $0x1400  }
0x1d0: {  	s8 =	sld [smem:$0x7F2]  }
0x1d1: {  	[sflag:s28] =	ssyncset.done $0x0  }
0x1d2: {  	[sflag:s28] =	ssyncadd.s32 $0xFFFFEC00  }
0x1d3: {  	[tilespmem:s17], [sflag:$0x4] =	stream.indirect.gather [hbm4b:s4+s13], $0x40, s8, s13, $0xb8;
	[tilespmem:$0x12A70] =	vst v63  }
0x1d4: {  	_ =	swait.ge [sflag:s29], $0x1400  }
0x1d5: {  	s8 =	sld [smem:$0x7F3]  }
0x1d6: {  	[sflag:s29] =	ssyncset.done $0x0  }
0x1d7: {  	[sflag:s29] =	ssyncadd.s32 $0xFFFFEC00  }
0x1d8: {  	[spmem:s2] =	stream.indirect.scatter.add.f32 [tilespmem:s18], [sflag:$0xB], $0x40, s8, s13, $0xb8;
	[tilespmem:$0x12A70] =	vst v63  }
0x1d9: {  	_ =	swait.ge [sflag:s30], $0x1400  }
0x1da: {  	s8 =	sld [smem:$0x7F4]  }
0x1db: {  	[sflag:s30] =	ssyncset.done $0x0  }
0x1dc: {  	[sflag:s30] =	ssyncadd.s32 $0xFFFFEC00  }
0x1dd: {  	[tilespmem:s18], [sflag:$0x5] =	stream.indirect.gather [hbm4b:s4+s13], $0x40, s8, s13, $0xb8;
	[tilespmem:$0x12A70] =	vst v63  }
0x1de: {  	_ =	swait.ge [sflag:s31], $0x1400  }
0x1df: {  	s8 =	sld [smem:$0x7F5]  }
0x1e0: {  	[sflag:s31] =	ssyncset.done $0x0  }
0x1e1: {  	[sflag:s31] =	ssyncadd.s32 $0xFFFFEC00  }
0x1e2: {  	[spmem:s2] =	stream.indirect.scatter.add.f32 [tilespmem:s19], [sflag:$0xC], $0x40, s8, s13, $0xb8;
	[tilespmem:$0x12A70] =	vst v63  }
0x1e3: {  	_ =	swait.ge [sflag:s0], $0x1400  }
0x1e4: {  	s8 =	sld [smem:$0x7F6]  }
0x1e5: {  	[sflag:s0] =	ssyncset.done $0x0  }
0x1e6: {  	[sflag:s0] =	ssyncadd.s32 $0xFFFFEC00  }
0x1e7: {  	[tilespmem:s19], [sflag:$0x6] =	stream.indirect.gather [hbm4b:s4+s13], $0x40, s8, s13, $0xb8;
	[tilespmem:$0x12A70] =	vst v63  }
0x1e8: {  	_ =	swait.ge [sflag:s20], $0x1400  }
0x1e9: {  	s8 =	sld [smem:$0x7F7]  }
0x1ea: {  	[sflag:s20] =	ssyncset.done $0x0  }
0x1eb: {  	[sflag:s20] =	ssyncadd.s32 $0xFFFFEC00  }
0x1ec: {  	[spmem:s2] =	stream.indirect.scatter.add.f32 [tilespmem:s14], [sflag:$0x7], $0x40, s8, s13, $0xb8;
	[tilespmem:$0x12A70] =	vst v63  }
0x1ed: {  	_ =	swait.ge [sflag:s21], $0x1400  }
0x1ee: {  	s8 =	sld [smem:$0x7F8]  }
0x1ef: {  	[sflag:s21] =	ssyncset.done $0x0  }
0x1f0: {  	[sflag:s21] =	ssyncadd.s32 $0xFFFFEC00  }
0x1f1: {  	[tilespmem:s14], [sflag:$0x1] =	stream.indirect.gather [hbm4b:s4+s13], $0x40, s8, s13, $0xb8;
	[tilespmem:$0x12A70] =	vst v63  }
0x1f2: {  	_ =	swait.ge [sflag:s22], $0x1400  }
0x1f3: {  	s8 =	sld [smem:$0x7F9]  }
0x1f4: {  	[sflag:s22] =	ssyncset.done $0x0  }
0x1f5: {  	[sflag:s22] =	ssyncadd.s32 $0xFFFFEC00  }
0x1f6: {  	[spmem:s2] =	stream.indirect.scatter.add.f32 [tilespmem:s15], [sflag:$0x8], $0x40, s8, s13, $0xb8;
	[tilespmem:$0x12A70] =	vst v63  }
0x1f7: {  	_ =	swait.ge [sflag:s23], $0x1400  }
0x1f8: {  	[sflag:s23] =	ssyncset.done $0x0  }
0x1f9: {  	[sflag:s23] =	ssyncadd.s32 $0xFFFFEC00  }
0x1fa: {  	_ =	swait.ge [sflag:s24], $0x1400  }
0x1fb: {  	s8 =	sld [smem:$0x7FA]  }
0x1fc: {  	[sflag:s24] =	ssyncset.done $0x0  }
0x1fd: {  	[sflag:s24] =	ssyncadd.s32 $0xFFFFEC00  }
0x1fe: {  	[spmem:s2] =	stream.indirect.scatter.add.f32 [tilespmem:s16], [sflag:$0x9], $0x40, s8, s13, $0xb8;
	[tilespmem:$0x12A70] =	vst v63  }
0x1ff: {  	_ =	swait.ge [sflag:s25], $0x1400  }
0x200: {  	[sflag:s25] =	ssyncset.done $0x0  }
0x201: {  	[sflag:s25] =	ssyncadd.s32 $0xFFFFEC00  }
0x202: {  	_ =	swait.ge [sflag:s26], $0x1400  }
0x203: {  	s8 =	sld [smem:$0x7FB]  }
0x204: {  	[sflag:s26] =	ssyncset.done $0x0  }
0x205: {  	[sflag:s26] =	ssyncadd.s32 $0xFFFFEC00  }
0x206: {  	[spmem:s2] =	stream.indirect.scatter.add.f32 [tilespmem:s17], [sflag:$0xA], $0x40, s8, s13, $0xb8;
	[tilespmem:$0x12A70] =	vst v63  }
0x207: {  	_ =	swait.ge [sflag:s28], $0x1400  }
0x208: {  	[sflag:s28] =	ssyncset.done $0x0  }
0x209: {  	[sflag:s28] =	ssyncadd.s32 $0xFFFFEC00  }
0x20a: {  	_ =	swait.ge [sflag:s29], $0x1400  }
0x20b: {  	[sflag:s29] =	ssyncset.done $0x0  }
0x20c: {  	[sflag:s29] =	ssyncadd.s32 $0xFFFFEC00  }
0x20d: {  	[spmem:s2] =	stream.indirect.scatter.add.f32 [tilespmem:s18], [sflag:$0xB], $0x40, s1, s13, $0xb8;
	[tilespmem:$0x12A70] =	vst v63  }
0x20e: {  	_ =	swait.ge [sflag:s30], $0x1400  }
0x20f: {  	[sflag:s30] =	ssyncset.done $0x0  }
0x210: {  	[sflag:s30] =	ssyncadd.s32 $0xFFFFEC00  }
0x211: {  	_ =	swait.ge [sflag:s31], $0x1400  }
0x212: {  	[sflag:s31] =	ssyncset.done $0x0  }
0x213: {  	[sflag:s31] =	ssyncadd.s32 $0xFFFFEC00  }
0x214: {  	[spmem:s2] =	stream.indirect.scatter.add.f32 [tilespmem:s19], [sflag:$0xC], $0x40, s5, s13, $0xb8;
	[tilespmem:$0x12A70] =	vst v63  }
0x215: {  	_ =	swait.ge [sflag:s0], $0x1400  }
0x216: {  	[sflag:s0] =	ssyncset.done $0x0  }
0x217: {  	[sflag:s0] =	ssyncadd.s32 $0xFFFFEC00  }
0x218: {  	p1 =	sne.s32 s9, $0x3E8;
	_ =	swait.ge [sflag:s20], $0x1400  }
.Ltmp0:
0x219: {  	[sflag:s20] =	ssyncset.done $0x0;
	(pc) =	sbr.rel @p1 .LBB2_2-.Ltmp0, $4  }
0x21a: {  	[sflag:s20] =	ssyncadd.s32 $0xFFFFEC00  }
0x21b: {  	[spmem:s2] =	stream.indirect.scatter.add.f32 [tilespmem:s14], [sflag:$0x7], $0x40, s7, s13, $0xb8;
	[tilespmem:$0x12A70] =	vst v63  }
0x21c: {  	_ =	swait.ge [sflag:s21], $0x1400  }
0x21d: {  	s9 =	sadd.s32 $0xFA, s9;
	s6 =	rddreg [dreg:$0x6];
	[sflag:s21] =	ssyncset.done $0x0  }
0x21e: {  	[sflag:s21] =	ssyncadd.s32 $0xFFFFEC00;
	s6 =	sadd.s32 s11, s6  }
0x21f: {  	[tilespmem:s3], [sflag:$0xD] =	stream.linear.gather [hbm4b:s6+s3], $0x7D0, $0x38;
	[tilespmem:$0x12A70] =	vst v63  }
0x220: {  	_ =	swait.ge [sflag:s10], $0x7D0  }
0x221: {  	s9 =	rddreg [dreg:$0x5];
	[sflag:s10] =	ssyncset.done $0x0  }
0x222: {  	[sflag:s10] =	ssyncadd.s32 $0xFFFFF830;
	s6 =	sadd.s32 s11, s9  }
0x223: {  	[tilespmem:s12], [sflag:$0xD] =	stream.linear.gather [hbm4b:s6+s3], $0x7D0, $0x38;
	[tilespmem:$0x12A70] =	vst v63  }
0x224: {  	_ =	swait.ge [sflag:s10], $0x7D0  }
0x225: {  	[sflag:s10] =	ssyncset.done $0x0  }
0x226: {  	[sflag:s10] =	ssyncadd.s32 $0xFFFFF830  }
0x227: {  	[tilespmem:s14], [sflag:$0x1] =	stream.indirect.gather [hbm4b:s4+s13], $0x40, s3, s13, $0xb8;
	[tilespmem:$0x12A70] =	vst v63  }
0x228: {  	_ = 	snop  }
0x229: {  	[tilespmem:s15], [sflag:$0x2] =	stream.indirect.gather [hbm4b:s4+s13], $0x40, s13, s13, $0xb8;
	[tilespmem:$0x12A70] =	vst v63  }
0x22a: {  	s11 =	rddreg [dreg:$0x7]  }
0x22b: {  	[tilespmem:s16], [sflag:$0x3] =	stream.indirect.gather [hbm4b:s4+s13], $0x40, s11, s13, $0xb8;
	[tilespmem:$0x12A70] =	vst v63  }
0x22c: {  	s8 =	rddreg [dreg:$0x8]  }
0x22d: {  	[tilespmem:s17], [sflag:$0x4] =	stream.indirect.gather [hbm4b:s4+s13], $0x40, s8, s13, $0xb8;
	[tilespmem:$0x12A70] =	vst v63  }
0x22e: {  	s9 =	rddreg [dreg:$0x9]  }
0x22f: {  	[tilespmem:s18], [sflag:$0x5] =	stream.indirect.gather [hbm4b:s4+s13], $0x40, s9, s13, $0xb8;
	[tilespmem:$0x12A70] =	vst v63  }
0x230: {  	s11 =	rddreg [dreg:$0xa]  }
0x231: {  	[tilespmem:s19], [sflag:$0x6] =	stream.indirect.gather [hbm4b:s4+s13], $0x40, s11, s13, $0xb8;
	[tilespmem:$0x12A70] =	vst v63  }
0x232: {  	_ =	swait.ge [sflag:s20], $0x1400  }
0x233: {  	[sflag:s20] =	ssyncset.done $0x0  }
0x234: {  	[sflag:s20] =	ssyncadd.s32 $0xFFFFEC00  }
0x235: {  	[spmem:s2] =	stream.indirect.scatter.add.f32 [tilespmem:s14], [sflag:$0x7], $0x40, s12, s13, $0xb8;
	[tilespmem:$0x12A70] =	vst v63  }
0x236: {  	_ =	swait.ge [sflag:s21], $0x1400  }
0x237: {  	[sflag:s21] =	ssyncset.done $0x0  }
0x238: {  	s9 =	rddreg [dreg:$0xb];
	[sflag:s21] =	ssyncadd.s32 $0xFFFFEC00  }
0x239: {  	[tilespmem:s14], [sflag:$0x1] =	stream.indirect.gather [hbm4b:s4+s13], $0x40, s9, s13, $0xb8;
	[tilespmem:$0x12A70] =	vst v63  }
0x23a: {  	_ =	swait.ge [sflag:s22], $0x1400  }
0x23b: {  	[sflag:s22] =	ssyncset.done $0x0  }
0x23c: {  	s11 =	rddreg [dreg:$0xc];
	[sflag:s22] =	ssyncadd.s32 $0xFFFFEC00  }
0x23d: {  	[spmem:s2] =	stream.indirect.scatter.add.f32 [tilespmem:s15], [sflag:$0x8], $0x40, s11, s13, $0xb8;
	[tilespmem:$0x12A70] =	vst v63  }
0x23e: {  	_ =	swait.ge [sflag:s23], $0x1400  }
0x23f: {  	[sflag:s23] =	ssyncset.done $0x0  }
0x240: {  	s8 =	rddreg [dreg:$0xd];
	[sflag:s23] =	ssyncadd.s32 $0xFFFFEC00  }
0x241: {  	[tilespmem:s15], [sflag:$0x2] =	stream.indirect.gather [hbm4b:s4+s13], $0x40, s8, s13, $0xb8;
	[tilespmem:$0x12A70] =	vst v63  }
0x242: {  	_ =	swait.ge [sflag:s24], $0x1400  }
0x243: {  	[sflag:s24] =	ssyncset.done $0x0  }
0x244: {  	s9 =	rddreg [dreg:$0xe];
	[sflag:s24] =	ssyncadd.s32 $0xFFFFEC00  }
0x245: {  	[spmem:s2] =	stream.indirect.scatter.add.f32 [tilespmem:s16], [sflag:$0x9], $0x40, s9, s13, $0xb8;
	[tilespmem:$0x12A70] =	vst v63  }
0x246: {  	_ =	swait.ge [sflag:s25], $0x1400  }
0x247: {  	[sflag:s25] =	ssyncset.done $0x0  }
0x248: {  	s11 =	rddreg [dreg:$0xf];
	[sflag:s25] =	ssyncadd.s32 $0xFFFFEC00  }
0x249: {  	[tilespmem:s16], [sflag:$0x3] =	stream.indirect.gather [hbm4b:s4+s13], $0x40, s11, s13, $0xb8;
	[tilespmem:$0x12A70] =	vst v63  }
0x24a: {  	_ =	swait.ge [sflag:s26], $0x1400  }
0x24b: {  	[sflag:s26] =	ssyncset.done $0x0  }
0x24c: {  	s8 =	rddreg [dreg:$0x10];
	[sflag:s26] =	ssyncadd.s32 $0xFFFFEC00  }
0x24d: {  	[spmem:s2] =	stream.indirect.scatter.add.f32 [tilespmem:s17], [sflag:$0xA], $0x40, s8, s13, $0xb8;
	[tilespmem:$0x12A70] =	vst v63  }
0x24e: {  	_ =	swait.ge [sflag:s28], $0x1400  }
0x24f: {  	[sflag:s28] =	ssyncset.done $0x0  }
0x250: {  	s9 =	rddreg [dreg:$0x11];
	[sflag:s28] =	ssyncadd.s32 $0xFFFFEC00  }
0x251: {  	[tilespmem:s17], [sflag:$0x4] =	stream.indirect.gather [hbm4b:s4+s13], $0x40, s9, s13, $0xb8;
	[tilespmem:$0x12A70] =	vst v63  }
0x252: {  	_ =	swait.ge [sflag:s29], $0x1400  }
0x253: {  	[sflag:s29] =	ssyncset.done $0x0  }
0x254: {  	s11 =	rddreg [dreg:$0x12];
	[sflag:s29] =	ssyncadd.s32 $0xFFFFEC00  }
0x255: {  	[spmem:s2] =	stream.indirect.scatter.add.f32 [tilespmem:s18], [sflag:$0xB], $0x40, s11, s13, $0xb8;
	[tilespmem:$0x12A70] =	vst v63  }
0x256: {  	_ =	swait.ge [sflag:s30], $0x1400  }
0x257: {  	[sflag:s30] =	ssyncset.done $0x0  }
0x258: {  	s8 =	rddreg [dreg:$0x13];
	[sflag:s30] =	ssyncadd.s32 $0xFFFFEC00  }
0x259: {  	[tilespmem:s18], [sflag:$0x5] =	stream.indirect.gather [hbm4b:s4+s13], $0x40, s8, s13, $0xb8;
	[tilespmem:$0x12A70] =	vst v63  }
0x25a: {  	_ =	swait.ge [sflag:s31], $0x1400  }
0x25b: {  	[sflag:s31] =	ssyncset.done $0x0  }
0x25c: {  	s9 =	rddreg [dreg:$0x14];
	[sflag:s31] =	ssyncadd.s32 $0xFFFFEC00  }
0x25d: {  	[spmem:s2] =	stream.indirect.scatter.add.f32 [tilespmem:s19], [sflag:$0xC], $0x40, s9, s13, $0xb8;
	[tilespmem:$0x12A70] =	vst v63  }
0x25e: {  	_ =	swait.ge [sflag:s0], $0x1400  }
0x25f: {  	[sflag:s0] =	ssyncset.done $0x0  }
0x260: {  	s11 =	rddreg [dreg:$0x15];
	[sflag:s0] =	ssyncadd.s32 $0xFFFFEC00  }
0x261: {  	[tilespmem:s19], [sflag:$0x6] =	stream.indirect.gather [hbm4b:s4+s13], $0x40, s11, s13, $0xb8;
	[tilespmem:$0x12A70] =	vst v63  }
0x262: {  	_ =	swait.ge [sflag:s20], $0x1400  }
0x263: {  	[sflag:s20] =	ssyncset.done $0x0  }
0x264: {  	s8 =	rddreg [dreg:$0x16];
	[sflag:s20] =	ssyncadd.s32 $0xFFFFEC00  }
0x265: {  	[spmem:s2] =	stream.indirect.scatter.add.f32 [tilespmem:s14], [sflag:$0x7], $0x40, s8, s13, $0xb8;
	[tilespmem:$0x12A70] =	vst v63  }
0x266: {  	_ =	swait.ge [sflag:s21], $0x1400  }
0x267: {  	[sflag:s21] =	ssyncset.done $0x0  }
0x268: {  	s9 =	rddreg [dreg:$0x17];
	[sflag:s21] =	ssyncadd.s32 $0xFFFFEC00  }
0x269: {  	[tilespmem:s14], [sflag:$0x1] =	stream.indirect.gather [hbm4b:s4+s13], $0x40, s9, s13, $0xb8;
	[tilespmem:$0x12A70] =	vst v63  }
0x26a: {  	_ =	swait.ge [sflag:s22], $0x1400  }
0x26b: {  	[sflag:s22] =	ssyncset.done $0x0  }
0x26c: {  	s11 =	rddreg [dreg:$0x18];
	[sflag:s22] =	ssyncadd.s32 $0xFFFFEC00  }
0x26d: {  	[spmem:s2] =	stream.indirect.scatter.add.f32 [tilespmem:s15], [sflag:$0x8], $0x40, s11, s13, $0xb8;
	[tilespmem:$0x12A70] =	vst v63  }
0x26e: {  	_ =	swait.ge [sflag:s23], $0x1400  }
0x26f: {  	[sflag:s23] =	ssyncset.done $0x0  }
0x270: {  	s8 =	rddreg [dreg:$0x19];
	[sflag:s23] =	ssyncadd.s32 $0xFFFFEC00  }
0x271: {  	[tilespmem:s15], [sflag:$0x2] =	stream.indirect.gather [hbm4b:s4+s13], $0x40, s8, s13, $0xb8;
	[tilespmem:$0x12A70] =	vst v63  }
0x272: {  	_ =	swait.ge [sflag:s24], $0x1400  }
0x273: {  	[sflag:s24] =	ssyncset.done $0x0  }
0x274: {  	s9 =	rddreg [dreg:$0x1a];
	[sflag:s24] =	ssyncadd.s32 $0xFFFFEC00  }
0x275: {  	[spmem:s2] =	stream.indirect.scatter.add.f32 [tilespmem:s16], [sflag:$0x9], $0x40, s9, s13, $0xb8;
	[tilespmem:$0x12A70] =	vst v63  }
0x276: {  	_ =	swait.ge [sflag:s25], $0x1400  }
0x277: {  	[sflag:s25] =	ssyncset.done $0x0  }
0x278: {  	s11 =	rddreg [dreg:$0x1b];
	[sflag:s25] =	ssyncadd.s32 $0xFFFFEC00  }
0x279: {  	[tilespmem:s16], [sflag:$0x3] =	stream.indirect.gather [hbm4b:s4+s13], $0x40, s11, s13, $0xb8;
	[tilespmem:$0x12A70] =	vst v63  }
0x27a: {  	_ =	swait.ge [sflag:s26], $0x1400  }
0x27b: {  	[sflag:s26] =	ssyncset.done $0x0  }
0x27c: {  	s8 =	rddreg [dreg:$0x1c];
	[sflag:s26] =	ssyncadd.s32 $0xFFFFEC00  }
0x27d: {  	[spmem:s2] =	stream.indirect.scatter.add.f32 [tilespmem:s17], [sflag:$0xA], $0x40, s8, s13, $0xb8;
	[tilespmem:$0x12A70] =	vst v63  }
0x27e: {  	_ =	swait.ge [sflag:s28], $0x1400  }
0x27f: {  	[sflag:s28] =	ssyncset.done $0x0  }
0x280: {  	s9 =	rddreg [dreg:$0x1d];
	[sflag:s28] =	ssyncadd.s32 $0xFFFFEC00  }
0x281: {  	[tilespmem:s17], [sflag:$0x4] =	stream.indirect.gather [hbm4b:s4+s13], $0x40, s9, s13, $0xb8;
	[tilespmem:$0x12A70] =	vst v63  }
0x282: {  	_ =	swait.ge [sflag:s29], $0x1400  }
0x283: {  	[sflag:s29] =	ssyncset.done $0x0  }
0x284: {  	s11 =	rddreg [dreg:$0x1e];
	[sflag:s29] =	ssyncadd.s32 $0xFFFFEC00  }
0x285: {  	[spmem:s2] =	stream.indirect.scatter.add.f32 [tilespmem:s18], [sflag:$0xB], $0x40, s11, s13, $0xb8;
	[tilespmem:$0x12A70] =	vst v63  }
0x286: {  	_ =	swait.ge [sflag:s30], $0x1400  }
0x287: {  	[sflag:s30] =	ssyncset.done $0x0  }
0x288: {  	s8 =	rddreg [dreg:$0x1f];
	[sflag:s30] =	ssyncadd.s32 $0xFFFFEC00  }
0x289: {  	[tilespmem:s18], [sflag:$0x5] =	stream.indirect.gather [hbm4b:s4+s13], $0x40, s8, s13, $0xb8;
	[tilespmem:$0x12A70] =	vst v63  }
0x28a: {  	_ =	swait.ge [sflag:s31], $0x1400  }
0x28b: {  	s9 =	sld [smem:$0x7E8]  }
0x28c: {  	[sflag:s31] =	ssyncset.done $0x0  }
0x28d: {  	[sflag:s31] =	ssyncadd.s32 $0xFFFFEC00  }
0x28e: {  	[spmem:s2] =	stream.indirect.scatter.add.f32 [tilespmem:s19], [sflag:$0xC], $0x40, s9, s13, $0xb8;
	[tilespmem:$0x12A70] =	vst v63  }
0x28f: {  	_ =	swait.ge [sflag:s0], $0x1400  }
0x290: {  	s11 =	sld [smem:$0x7E9]  }
0x291: {  	[sflag:s0] =	ssyncset.done $0x0  }
0x292: {  	[sflag:s0] =	ssyncadd.s32 $0xFFFFEC00  }
0x293: {  	[tilespmem:s19], [sflag:$0x6] =	stream.indirect.gather [hbm4b:s4+s13], $0x40, s11, s13, $0xb8;
	[tilespmem:$0x12A70] =	vst v63  }
0x294: {  	_ =	swait.ge [sflag:s20], $0x1400  }
0x295: {  	s8 =	sld [smem:$0x7EA]  }
0x296: {  	[sflag:s20] =	ssyncset.done $0x0  }
0x297: {  	[sflag:s20] =	ssyncadd.s32 $0xFFFFEC00  }
0x298: {  	[spmem:s2] =	stream.indirect.scatter.add.f32 [tilespmem:s14], [sflag:$0x7], $0x40, s8, s13, $0xb8;
	[tilespmem:$0x12A70] =	vst v63  }
0x299: {  	_ =	swait.ge [sflag:s21], $0x1400  }
0x29a: {  	s9 =	sld [smem:$0x7EB]  }
0x29b: {  	[sflag:s21] =	ssyncset.done $0x0  }
0x29c: {  	[sflag:s21] =	ssyncadd.s32 $0xFFFFEC00  }
0x29d: {  	[tilespmem:s14], [sflag:$0x1] =	stream.indirect.gather [hbm4b:s4+s13], $0x40, s9, s13, $0xb8;
	[tilespmem:$0x12A70] =	vst v63  }
0x29e: {  	_ =	swait.ge [sflag:s22], $0x1400  }
0x29f: {  	s11 =	sld [smem:$0x7ED]  }
0x2a0: {  	[sflag:s22] =	ssyncset.done $0x0  }
0x2a1: {  	[sflag:s22] =	ssyncadd.s32 $0xFFFFEC00  }
0x2a2: {  	[spmem:s2] =	stream.indirect.scatter.add.f32 [tilespmem:s15], [sflag:$0x8], $0x40, s11, s13, $0xb8;
	[tilespmem:$0x12A70] =	vst v63  }
0x2a3: {  	_ =	swait.ge [sflag:s23], $0x1400  }
0x2a4: {  	s8 =	sld [smem:$0x7EE]  }
0x2a5: {  	[sflag:s23] =	ssyncset.done $0x0  }
0x2a6: {  	[sflag:s23] =	ssyncadd.s32 $0xFFFFEC00  }
0x2a7: {  	[tilespmem:s15], [sflag:$0x2] =	stream.indirect.gather [hbm4b:s4+s13], $0x40, s8, s13, $0xb8;
	[tilespmem:$0x12A70] =	vst v63  }
0x2a8: {  	_ =	swait.ge [sflag:s24], $0x1400  }
0x2a9: {  	s9 =	sld [smem:$0x7EF]  }
0x2aa: {  	[sflag:s24] =	ssyncset.done $0x0  }
0x2ab: {  	[sflag:s24] =	ssyncadd.s32 $0xFFFFEC00  }
0x2ac: {  	[spmem:s2] =	stream.indirect.scatter.add.f32 [tilespmem:s16], [sflag:$0x9], $0x40, s9, s13, $0xb8;
	[tilespmem:$0x12A70] =	vst v63  }
0x2ad: {  	_ =	swait.ge [sflag:s25], $0x1400  }
0x2ae: {  	s11 =	sld [smem:$0x7F0]  }
0x2af: {  	[sflag:s25] =	ssyncset.done $0x0  }
0x2b0: {  	[sflag:s25] =	ssyncadd.s32 $0xFFFFEC00  }
0x2b1: {  	[tilespmem:s16], [sflag:$0x3] =	stream.indirect.gather [hbm4b:s4+s13], $0x40, s11, s13, $0xb8;
	[tilespmem:$0x12A70] =	vst v63  }
0x2b2: {  	_ =	swait.ge [sflag:s26], $0x1400  }
0x2b3: {  	s8 =	sld [smem:$0x7F1]  }
0x2b4: {  	[sflag:s26] =	ssyncset.done $0x0  }
0x2b5: {  	[sflag:s26] =	ssyncadd.s32 $0xFFFFEC00  }
0x2b6: {  	[spmem:s2] =	stream.indirect.scatter.add.f32 [tilespmem:s17], [sflag:$0xA], $0x40, s8, s13, $0xb8;
	[tilespmem:$0x12A70] =	vst v63  }
0x2b7: {  	_ =	swait.ge [sflag:s28], $0x1400  }
0x2b8: {  	s9 =	sld [smem:$0x7F2]  }
0x2b9: {  	[sflag:s28] =	ssyncset.done $0x0  }
0x2ba: {  	[sflag:s28] =	ssyncadd.s32 $0xFFFFEC00  }
0x2bb: {  	[tilespmem:s17], [sflag:$0x4] =	stream.indirect.gather [hbm4b:s4+s13], $0x40, s9, s13, $0xb8;
	[tilespmem:$0x12A70] =	vst v63  }
0x2bc: {  	_ =	swait.ge [sflag:s29], $0x1400  }
0x2bd: {  	s11 =	sld [smem:$0x7F3]  }
0x2be: {  	[sflag:s29] =	ssyncset.done $0x0  }
0x2bf: {  	[sflag:s29] =	ssyncadd.s32 $0xFFFFEC00  }
0x2c0: {  	[spmem:s2] =	stream.indirect.scatter.add.f32 [tilespmem:s18], [sflag:$0xB], $0x40, s11, s13, $0xb8;
	[tilespmem:$0x12A70] =	vst v63  }
0x2c1: {  	_ =	swait.ge [sflag:s30], $0x1400  }
0x2c2: {  	s8 =	sld [smem:$0x7F4]  }
0x2c3: {  	[sflag:s30] =	ssyncset.done $0x0  }
0x2c4: {  	[sflag:s30] =	ssyncadd.s32 $0xFFFFEC00  }
0x2c5: {  	[tilespmem:s18], [sflag:$0x5] =	stream.indirect.gather [hbm4b:s4+s13], $0x40, s8, s13, $0xb8;
	[tilespmem:$0x12A70] =	vst v63  }
0x2c6: {  	_ =	swait.ge [sflag:s31], $0x1400  }
0x2c7: {  	s9 =	sld [smem:$0x7F5]  }
0x2c8: {  	[sflag:s31] =	ssyncset.done $0x0  }
0x2c9: {  	[sflag:s31] =	ssyncadd.s32 $0xFFFFEC00  }
0x2ca: {  	[spmem:s2] =	stream.indirect.scatter.add.f32 [tilespmem:s19], [sflag:$0xC], $0x40, s9, s13, $0xb8;
	[tilespmem:$0x12A70] =	vst v63  }
0x2cb: {  	_ =	swait.ge [sflag:s0], $0x1400  }
0x2cc: {  	s11 =	sld [smem:$0x7F6]  }
0x2cd: {  	[sflag:s0] =	ssyncset.done $0x0  }
0x2ce: {  	[sflag:s0] =	ssyncadd.s32 $0xFFFFEC00  }
0x2cf: {  	[tilespmem:s19], [sflag:$0x6] =	stream.indirect.gather [hbm4b:s4+s13], $0x40, s11, s13, $0xb8;
	[tilespmem:$0x12A70] =	vst v63  }
0x2d0: {  	_ =	swait.ge [sflag:s20], $0x1400  }
0x2d1: {  	s8 =	sld [smem:$0x7F7]  }
0x2d2: {  	[sflag:s20] =	ssyncset.done $0x0  }
0x2d3: {  	[sflag:s20] =	ssyncadd.s32 $0xFFFFEC00  }
0x2d4: {  	[spmem:s2] =	stream.indirect.scatter.add.f32 [tilespmem:s14], [sflag:$0x7], $0x40, s8, s13, $0xb8;
	[tilespmem:$0x12A70] =	vst v63  }
0x2d5: {  	_ =	swait.ge [sflag:s21], $0x1400  }
0x2d6: {  	s9 =	sld [smem:$0x7F8]  }
0x2d7: {  	[sflag:s21] =	ssyncset.done $0x0  }
0x2d8: {  	[sflag:s21] =	ssyncadd.s32 $0xFFFFEC00  }
0x2d9: {  	[tilespmem:s14], [sflag:$0x1] =	stream.indirect.gather [hbm4b:s4+s13], $0x40, s9, s13, $0xb8;
	[tilespmem:$0x12A70] =	vst v63  }
0x2da: {  	_ =	swait.ge [sflag:s22], $0x1400  }
0x2db: {  	s11 =	sld [smem:$0x7F9]  }
0x2dc: {  	[sflag:s22] =	ssyncset.done $0x0  }
0x2dd: {  	[sflag:s22] =	ssyncadd.s32 $0xFFFFEC00  }
0x2de: {  	[spmem:s2] =	stream.indirect.scatter.add.f32 [tilespmem:s15], [sflag:$0x8], $0x40, s11, s13, $0xb8;
	[tilespmem:$0x12A70] =	vst v63  }
0x2df: {  	_ =	swait.ge [sflag:s23], $0x1400  }
0x2e0: {  	[sflag:s23] =	ssyncset.done $0x0  }
0x2e1: {  	[sflag:s23] =	ssyncadd.s32 $0xFFFFEC00  }
0x2e2: {  	_ =	swait.ge [sflag:s24], $0x1400  }
0x2e3: {  	s8 =	sld [smem:$0x7FA]  }
0x2e4: {  	[sflag:s24] =	ssyncset.done $0x0  }
0x2e5: {  	[sflag:s24] =	ssyncadd.s32 $0xFFFFEC00  }
0x2e6: {  	[spmem:s2] =	stream.indirect.scatter.add.f32 [tilespmem:s16], [sflag:$0x9], $0x40, s8, s13, $0xb8;
	[tilespmem:$0x12A70] =	vst v63  }
0x2e7: {  	_ =	swait.ge [sflag:s25], $0x1400  }
0x2e8: {  	[sflag:s25] =	ssyncset.done $0x0  }
0x2e9: {  	[sflag:s25] =	ssyncadd.s32 $0xFFFFEC00  }
0x2ea: {  	_ =	swait.ge [sflag:s26], $0x1400  }
0x2eb: {  	s9 =	sld [smem:$0x7FB]  }
0x2ec: {  	[sflag:s26] =	ssyncset.done $0x0  }
0x2ed: {  	[sflag:s26] =	ssyncadd.s32 $0xFFFFEC00  }
0x2ee: {  	[spmem:s2] =	stream.indirect.scatter.add.f32 [tilespmem:s17], [sflag:$0xA], $0x40, s9, s13, $0xb8;
	[tilespmem:$0x12A70] =	vst v63  }
0x2ef: {  	_ =	swait.ge [sflag:s28], $0x1400  }
0x2f0: {  	[sflag:s28] =	ssyncset.done $0x0  }
0x2f1: {  	[sflag:s28] =	ssyncadd.s32 $0xFFFFEC00  }
0x2f2: {  	_ =	swait.ge [sflag:s29], $0x1400  }
0x2f3: {  	[sflag:s29] =	ssyncset.done $0x0  }
0x2f4: {  	[sflag:s29] =	ssyncadd.s32 $0xFFFFEC00  }
0x2f5: {  	[spmem:s2] =	stream.indirect.scatter.add.f32 [tilespmem:s18], [sflag:$0xB], $0x40, s1, s13, $0xb8;
	[tilespmem:$0x12A70] =	vst v63  }
0x2f6: {  	_ =	swait.ge [sflag:s30], $0x1400  }
0x2f7: {  	[sflag:s30] =	ssyncset.done $0x0  }
0x2f8: {  	[sflag:s30] =	ssyncadd.s32 $0xFFFFEC00  }
0x2f9: {  	_ =	swait.ge [sflag:s31], $0x1400  }
0x2fa: {  	[sflag:s31] =	ssyncset.done $0x0  }
0x2fb: {  	[sflag:s31] =	ssyncadd.s32 $0xFFFFEC00  }
0x2fc: {  	[spmem:s2] =	stream.indirect.scatter.add.f32 [tilespmem:s19], [sflag:$0xC], $0x40, s5, s13, $0xb8;
	[tilespmem:$0x12A70] =	vst v63  }
0x2fd: {  	_ =	swait.ge [sflag:s0], $0x1400  }
0x2fe: {  	[sflag:s0] =	ssyncset.done $0x0  }
0x2ff: {  	[sflag:s0] =	ssyncadd.s32 $0xFFFFEC00  }
0x300: {  	_ =	swait.ge [sflag:s20], $0x1400  }
0x301: {  	[sflag:s20] =	ssyncset.done $0x0  }
0x302: {  	[sflag:s20] =	ssyncadd.s32 $0xFFFFEC00  }
0x303: {  	[spmem:s2] =	stream.indirect.scatter.add.f32 [tilespmem:s14], [sflag:$0x7], $0x40, s7, s13, $0xb8;
	[tilespmem:$0x12A70] =	vst v63  }
0x304: {  	_ =	swait.ge [sflag:s21], $0x1400  }
0x305: {  	[sflag:s21] =	ssyncset.done $0x0  }
0x306: {  	[sflag:s21] =	ssyncadd.s32 $0xFFFFEC00  }
0x307: {  	[bflag:$0x0] =	sbarrier.arrive $0xFFFF  }
0x308: {  	s9 =	sld [smem:$0x7FC]  }
0x309: {  	s11 =	sld [smem:$0x7E6]  }
0x30a: {  	s8 =	sld [smem:$0x7FD];
	_ =	sdelay $0x2  }
0x30b: {  	[hbm:s11], [sflag:s9] =	dma.local [spmem:s8], $0x1400  }
0x30c: {  	_ =	swait.ge [sflag:s10], $0x1400  }
0x30d: {  	s6 =	sld [smem:$0x7E4];
	_ =	sdelay $0x2  }
0x30e: {  	s11 =	sadd.s32 $0x1, s6;
	s6 =	sld [smem:$0x7E7];
	_ =	sdelay $0x2  }
0x30f: {  	p1 =	sne.s32 s11, s6  }
.Ltmp1:
0x310: {  	_ = 	snop;
	(pc) =	sbr.rel @p1 .LBB2_1-.Ltmp1, $3  }
0x311: {  	_ =	sdelay $0x1  }
0x312: {  	[sflag:s10] =	ssyncset.done $0x0  }
0x313: {  	[sflag:s10] =	ssyncadd.s32 $0xFFFFEC00  }
0x314: {  	_ =	sfence.sel $0x180000  }
0x315: {  	[bflag:$0x0] =	sbarrier.arrive $0xFFFF  }
0x316: {  	_ =	strace $0x9000004A  }
0x317: {  	[bflag:$0x2] =	sbarrier.arrive $0xFFFF  }
0x318: {  	s0 =	rddreg [dreg:$0x4]  }
0x319: {  	s0 =	sadd.s32 @!p0 $0x100000, s0  }
0x31a: {  	[sflag:s0] =	ssyncadd.tile.s32 @!p0 $0x1;
	_ =	shalt  }
.Lfunc_end2:
_tile_overlayer_lowered:
.L_overlay_start_2:
0x31b: {  	(tag) =	ssettag $0x2  }
0x31c: {  	s0 =	rddreg [dreg:$0x0];
	s2 =	stileid.u32  }
0x31d: {  	s1 =	rddreg [dreg:$0x1];
	p0 =	sne.s32 s2, $0x0  }
0x31e: {  	s3 =	rddreg [dreg:$0x2];
	[bflag:$0x3] =	sbarrier.arrive $0xFFFF;
	s2 =	simm.s32 @!p0 $0x1C0D  }
0x31f: {  	[timem:s3], [sflag:s2] =	dma.local @!p0 [hbm:s0], s1  }
0x320: {  	s0 =	simm.s32 @!p0 $0xD  }
0x321: {  	_ =	swait.ge @!p0 [sflag:s0], s1  }
0x322: {  	s1 =	ssub.s32 @!p0 $0x0, s1;
	[sflag:s0] =	ssyncset.done @!p0 $0x0  }
0x323: {  	[sflag:s0] =	ssyncadd.s32 @!p0 s1  }
0x324: {  	[bflag:$0x3] =	sbarrier.arrive $0xFFFF  }
0x325: {  	_ =	shalt  }

</sc_bundles>
